<compile_context>
chip_gen: v7x
topology: tpu7x:2x2x1
jax: 0.10.2.dev20260603
libtpu: 0.0.44.dev20260713+nightly
codegen_flags: <defaults>
</compile_context>

<pallas_src>
import functools

import jax
import jax.numpy as jnp
from jax import lax
from jax.experimental import pallas as pl
from jax.experimental.pallas import tpu as pltpu
from jax.experimental.pallas import tpu_sc as plsc

B, N, D = 4, 2048, 64
UNITS, LAT, K, H = 64, 32, 16, 4
CH = UNITS * H

RBLK = 256
NBLK = N // RBLK

SC_CORES = 2
SC_SUBCORES = 16
SC_WORKERS = SC_CORES * SC_SUBCORES
TOTAL_IDX = B * N * K
PER_W = TOTAL_IDX // SC_WORKERS
CHUNK = 128
TW = 128


CCH = 256
NCH = N // CCH


def _topk_body(x_blk_ref, x_full_ref, idx_ref, key_scr):
    b = pl.program_id(0)
    xb = x_blk_ref[0]
    ones_col = jnp.ones((D, 1), jnp.float32)
    for c in range(NCH):
        xf_c = x_full_ref[0, c * CCH:(c + 1) * CCH, :]
        sq_c = lax.dot_general(
            xf_c * xf_c, ones_col, (((1,), (0,)), ((), ())),
            preferred_element_type=jnp.float32,
            precision=lax.Precision.HIGHEST)
        innerT = lax.dot_general(
            xf_c, xb, (((1,), (1,)), ((), ())),
            preferred_element_type=jnp.float32)
        key_scr[c * CCH:(c + 1) * CCH, :] = sq_c - 2.0 * innerT

    kiota = lax.broadcasted_iota(jnp.int32, (K, RBLK), 0)

    def step(t, carry):
        i_prev, acc = carry
        fv = fi = None
        for c in range(NCH):
            iota_c = lax.broadcasted_iota(jnp.int32, (CCH, RBLK), 0) + c * CCH
            chunk = key_scr[c * CCH:(c + 1) * CCH, :]
            masked = jnp.where(iota_c == i_prev, jnp.inf, chunk)
            key_scr[c * CCH:(c + 1) * CCH, :] = masked
            if c == 0:
                fv, fi = masked, iota_c
            else:
                better = masked < fv
                fv = jnp.where(better, masked, fv)
                fi = jnp.where(better, iota_c, fi)
        rows = CCH
        while rows > 8:
            h = rows // 2
            av, ai = fv[:h], fi[:h]
            bv, bi = fv[h:], fi[h:]
            better = (bv < av) | ((bv == av) & (bi < ai))
            fv = jnp.where(better, bv, av)
            fi = jnp.where(better, bi, ai)
            rows = h
        mn = jnp.min(fv, axis=0, keepdims=True)
        i_star = jnp.min(jnp.where(fv == mn, fi, N * B), axis=0, keepdims=True)
        acc = jnp.where(kiota == t, i_star, acc)
        return i_star, acc

    i0 = jnp.full((1, RBLK), -1, jnp.int32)
    _, acc = lax.fori_loop(
        0, K, step, (i0, jnp.zeros((K, RBLK), jnp.int32)))
    idx_ref[0, 0] = acc + b * N


NCHK = PER_W // CHUNK
NBUF = 4


def _sc_gather(table, idx2d):
    mesh = plsc.VectorSubcoreMesh(core_axis_name="c", subcore_axis_name="s")
    nrows = idx2d.shape[0]
    nchk = nrows // SC_WORKERS

    @functools.partial(
        pl.kernel,
        out_type=jax.ShapeDtypeStruct((nrows * CHUNK, TW), jnp.float32),
        mesh=mesh,
        scratch_types=(
            [pltpu.VMEM((nchk, CHUNK), jnp.int32)]
            + [pltpu.VMEM((CHUNK, TW), jnp.float32)] * NBUF
            + [pltpu.SemaphoreType.DMA] * (2 * NBUF)
        ),
    )
    def gather(table_hbm, idx_hbm, out_hbm, idx_v, *rest):
        NCHK = nchk
        bufs = rest[:NBUF]
        gsem = rest[NBUF:2 * NBUF]
        wsem = rest[2 * NBUF:]
        wid = lax.axis_index("s") * SC_CORES + lax.axis_index("c")
        row0 = wid * NCHK
        pltpu.sync_copy(idx_hbm.at[pl.ds(row0, NCHK)], idx_v)

        gd = [None] * NCHK
        wd = [None] * NCHK
        for i in range(NCHK):
            b = i % NBUF
            if i >= NBUF:
                wd[i - NBUF].wait()
            gd[i] = pltpu.async_copy(table_hbm.at[idx_v.at[i]], bufs[b], gsem[b])
            if i >= 1:
                gd[i - 1].wait()
                wd[i - 1] = pltpu.async_copy(
                    bufs[(i - 1) % NBUF],
                    out_hbm.at[pl.ds((row0 + i - 1) * CHUNK, CHUNK)],
                    wsem[(i - 1) % NBUF])
        gd[NCHK - 1].wait()
        wd[NCHK - 1] = pltpu.async_copy(
            bufs[(NCHK - 1) % NBUF],
            out_hbm.at[pl.ds((row0 + NCHK - 1) * CHUNK, CHUNK)],
            wsem[(NCHK - 1) % NBUF])
        for i in range(NCHK - NBUF, NCHK):
            wd[i].wait()

    return gather(table, idx2d)


def _attn_body(x_blk_ref, xnb_ref, mq_ref, mk_ref, mv_ref,
               wp0_ref, wp1_ref, wa0c_ref, wa1_ref, wout_ref, out_ref):
    xb = x_blk_ref[0]
    xnb = xnb_ref[0][:, :D]
    mm = functools.partial(jnp.dot, preferred_element_type=jnp.float32)

    edges = (xnb.reshape(RBLK, K, D) - xb[:, None, :]).reshape(RBLK * K, D)
    h1 = jnp.maximum(mm(edges, wp0_ref[...]), 0.0)
    pos = mm(h1, wp1_ref[...])
    posa = mm(pos, wa0c_ref[...])

    qa = mm(xb, mq_ref[...])
    ka = mm(xnb, mk_ref[...])
    vnb = mm(xnb, mv_ref[...])

    preact = (qa[:, None, :] - ka.reshape(RBLK, K, H * LAT)).reshape(
        RBLK * K, H * LAT) + posa
    act = jnp.maximum(preact, 0.0)
    logits = jnp.concatenate(
        [mm(act[:, h * LAT:(h + 1) * LAT], wa1_ref[h]) for h in range(H)],
        axis=1)

    a = logits.reshape(RBLK, K, CH)
    amax = jnp.max(a, axis=1, keepdims=True)
    e = jnp.exp(a - amax)
    att = e / jnp.sum(e, axis=1, keepdims=True)

    pos_t = jnp.concatenate([pos] * H, axis=1)
    val = (vnb + pos_t).reshape(RBLK, K, CH)
    mh = jnp.sum(att * val, axis=1)
    out_ref[0] = mm(mh, wout_ref[...])


def kernel(inputs, W_p0, W_p1, W_in, W_q, W_k, W_v, W_a0, W_a1, W_out):
    x = inputs

    f32 = jnp.float32
    W_inq = W_in @ W_q
    W_ink = W_in @ W_k
    Mq = jnp.einsum("dhx,hxl->dhl", W_inq.reshape(D, H, UNITS), W_a0).reshape(D, H * LAT)
    Mk = jnp.einsum("dhx,hxl->dhl", W_ink.reshape(D, H, UNITS), W_a0).reshape(D, H * LAT)
    Mv = W_in @ W_v
    Wa0c = jnp.transpose(W_a0, (1, 0, 2)).reshape(UNITS, H * LAT)

    wspec = lambda shape: pl.BlockSpec(shape, lambda b, r: tuple(0 for _ in shape))
    HB = 1
    outs = []
    for hh in range(B // HB):
        xh = x[hh * HB:(hh + 1) * HB]
        idx_t = pl.pallas_call(
            _topk_body,
            grid=(HB, NBLK),
            in_specs=[
                pl.BlockSpec((1, RBLK, D), lambda b, r: (b, r, 0)),
                pl.BlockSpec((1, N, D), lambda b, r: (b, 0, 0)),
            ],
            out_specs=pl.BlockSpec((1, 1, K, RBLK), lambda b, r: (b, r, 0, 0)),
            out_shape=jax.ShapeDtypeStruct((HB, NBLK, K, RBLK), jnp.int32),
            scratch_shapes=[pltpu.VMEM((N, RBLK), jnp.float32)],
        )(xh, xh)
        idx = jnp.transpose(idx_t, (0, 1, 3, 2)).reshape(HB, N, K)
        table = jnp.concatenate(
            [xh.reshape(HB * N, D), jnp.zeros((HB * N, TW - D), f32)], axis=1)
        xnb = _sc_gather(table, idx.reshape(HB * N * K // CHUNK, CHUNK))

        out_h = pl.pallas_call(
            _attn_body,
            grid=(HB, NBLK),
            in_specs=[
                pl.BlockSpec((1, RBLK, D), lambda b, r: (b, r, 0)),
                pl.BlockSpec((1, RBLK * K, TW), lambda b, r: (b, r, 0)),
                wspec((D, H * LAT)),
                wspec((D, H * LAT)),
                wspec((D, CH)),
                wspec((D, LAT)),
                wspec((LAT, UNITS)),
                wspec((UNITS, H * LAT)),
                wspec((H, LAT, UNITS)),
                wspec((CH, UNITS)),
            ],
            out_specs=pl.BlockSpec((1, RBLK, UNITS), lambda b, r: (b, r, 0)),
            out_shape=jax.ShapeDtypeStruct((HB, N, UNITS), f32),
        )(xh, xnb.reshape(HB, N * K, TW), Mq, Mk, Mv,
          W_p0, W_p1, Wa0c, W_a1, W_out)
        outs.append(out_h)
    return jnp.concatenate(outs, axis=0)

# --- scband reference (transcript-rebuilt; emitter-appended) ---
"""Pipeline reference for scband-multi-attention-layer-41549513621919 (READ-ONLY COPY).

The authoritative reference and input builder live on the scoring server;
editing this copy changes nothing except your own understanding.
"""

import jax, jax.numpy as jnp
import numpy as np

B, N, D = 4, 2048, 64
UNITS = 64
LAT = 32
K = 16
H = 4


def setup_inputs(seed: int = 0) -> dict:
    key = jax.random.key(seed)
    ks = jax.random.split(key, 10)
    s = 0.05
    inp = {}
    inp["inputs"] = jax.random.normal(ks[0], (B, N, D), dtype=jnp.float32)
    inp["W_p0"] = jax.random.normal(ks[1], (D, LAT), dtype=jnp.float32) * s
    inp["W_p1"] = jax.random.normal(ks[2], (LAT, UNITS), dtype=jnp.float32) * s
    inp["W_in"] = jax.random.normal(ks[3], (D, UNITS), dtype=jnp.float32) * s
    inp["W_q"] = jax.random.normal(ks[4], (UNITS, UNITS * H), dtype=jnp.float32) * s
    inp["W_k"] = jax.random.normal(ks[5], (UNITS, UNITS * H), dtype=jnp.float32) * s
    inp["W_v"] = jax.random.normal(ks[6], (UNITS, UNITS * H), dtype=jnp.float32) * s
    inp["W_a0"] = jax.random.normal(ks[7], (H, UNITS, LAT), dtype=jnp.float32) * s
    inp["W_a1"] = jax.random.normal(ks[8], (H, LAT, UNITS), dtype=jnp.float32) * s
    inp["W_out"] = jax.random.normal(ks[9], (UNITS * H, UNITS), dtype=jnp.float32) * s
    return inp


def reference(inputs, W_p0, W_p1, W_in, W_q, W_k, W_v, W_a0, W_a1, W_out):
    x = inputs
    b, n, d = x.shape
    # pairwise squared distance
    inner = jnp.einsum('bnd,bmd->bnm', x, x)
    sq = jnp.sum(x * x, axis=-1, keepdims=True)
    dist = sq - 2.0 * inner + jnp.transpose(sq, (0, 2, 1))
    # kNN indices (top_k of negated distance)
    _, nn_idx = jax.lax.top_k(-dist, K)  # [B, N, K]
    offs = (jnp.arange(b) * n).reshape(b, 1, 1)
    idx_flat = nn_idx + offs  # [B, N, K] into flattened [B*N, .]
    # edge features (return_edge_only=True): neighbors - target
    x_nb = x.reshape(-1, d)[idx_flat]  # [B, N, K, D]
    edges = x_nb - x[:, :, None, :]
    # position embedding
    pos = jnp.maximum(edges @ W_p0, 0.0) @ W_p1  # [B, N, K, UNITS]
    pos_t = jnp.tile(pos, (1, 1, 1, H))  # [B, N, K, UNITS*H]
    # projections
    xl = x @ W_in
    q = xl @ W_q
    kk = xl @ W_k
    v = xl @ W_v
    # query-key relation
    q_t = jnp.broadcast_to(q[:, :, None, :], (b, n, K, UNITS * H))
    k_nb = kk.reshape(-1, UNITS * H)[idx_flat]
    qk = q_t - k_nb  # [B, N, K, UNITS*H]
    # value neighbors
    v_nb = v.reshape(-1, UNITS * H)[idx_flat]
    # attention MLPs per head (1x1 convs == dense over last dim)
    att_in = qk + pos_t
    heads = jnp.split(att_in, H, axis=-1)
    outs = []
    for i in range(H):
        a = jnp.maximum(heads[i] @ W_a0[i], 0.0) @ W_a1[i]
        outs.append(a)
    att = jnp.concatenate(outs, axis=-1)  # [B, N, K, UNITS*H]
    att = jax.nn.softmax(att, axis=-2)
    val = v_nb + pos_t
    mh = jnp.sum(val * att, axis=-2)  # [B, N, UNITS*H]
    out = mh @ W_out  # [B, N, UNITS]
    return out

if __name__ == "__main__":
    import jax
    _d = setup_inputs()
    print(jax.jit(kernel)(*tuple(_d.values())))

</pallas_src>

<mosaic_0001>
#map = affine_map<(d0, d1) -> (0, 0)>
module attributes {stable_mosaic.version = 14 : i64} {
  func.func @gather(%arg0: i32, %arg1: i32, %arg2: memref<2048x128xf32, #tpu.memory_space<hbm>>, %arg3: memref<256x128xi32, #tpu.memory_space<hbm>>, %arg4: memref<32768x128xf32, #tpu.memory_space<hbm>>, %arg5: memref<8x128xi32, #tpu.memory_space<vmem>>, %arg6: memref<128x128xf32, #tpu.memory_space<vmem>>, %arg7: memref<128x128xf32, #tpu.memory_space<vmem>>, %arg8: memref<128x128xf32, #tpu.memory_space<vmem>>, %arg9: memref<128x128xf32, #tpu.memory_space<vmem>>, %arg10: memref<!tpu.dma_semaphore, #tpu.memory_space<semaphore_mem>>, %arg11: memref<!tpu.dma_semaphore, #tpu.memory_space<semaphore_mem>>, %arg12: memref<!tpu.dma_semaphore, #tpu.memory_space<semaphore_mem>>, %arg13: memref<!tpu.dma_semaphore, #tpu.memory_space<semaphore_mem>>, %arg14: memref<!tpu.dma_semaphore, #tpu.memory_space<semaphore_mem>>, %arg15: memref<!tpu.dma_semaphore, #tpu.memory_space<semaphore_mem>>, %arg16: memref<!tpu.dma_semaphore, #tpu.memory_space<semaphore_mem>>, %arg17: memref<!tpu.dma_semaphore, #tpu.memory_space<semaphore_mem>>) attributes {dimension_semantics = [#tpu.dimension_semantics<core_parallel>, #tpu.dimension_semantics<subcore_parallel>], iteration_bounds = array<i64: 2, 16>, scalar_prefetch = 0 : i64, scratch_operands = 13 : i64, tpu.core_type = #tpu.core_type<sc_vector_subcore>, window_params = [{transform_indices = #map}, {transform_indices = #map}, {transform_indices = #map}]} {
    %mul3A = arith.constant 2 : i32
    %mul3A_0 = arith.muli %arg1, %mul3A : i32
    %add3A = arith.addi %mul3A_0, %arg0 : i32
    %mul3A_1 = arith.constant 8 : i32
    %mul3A_2 = arith.muli %add3A, %mul3A_1 : i32
    "tpu.region"() ({
      %run_scoped3A = tpu.sem_alloc : memref<!tpu.dma_semaphore, #tpu.memory_space<semaphore_mem>>
      %dma_start3A_224 = arith.constant 0 : i32
      %dma_start3A_225 = tpu.memref_slice %arg3[%mul3A_2, %dma_start3A_224] : memref<256x128xi32, #tpu.memory_space<hbm>> -> memref<8x128xi32, #tpu.memory_space<hbm>>
      %dma_start3A_226 = arith.constant 0 : i32
      %dma_start3A_227 = tpu.memref_slice %arg3[%mul3A_2, %dma_start3A_226] : memref<256x128xi32, #tpu.memory_space<hbm>> -> memref<8x128xi32, #tpu.memory_space<hbm>>
      tpu.enqueue_dma source(%dma_start3A_227 : memref<8x128xi32, #tpu.memory_space<hbm>>) target(%arg5 : memref<8x128xi32, #tpu.memory_space<vmem>>) target_semaphore(%run_scoped3A : memref<!tpu.dma_semaphore, #tpu.memory_space<semaphore_mem>>)
      %dma_wait3A_228 = arith.constant 0 : i32
      %dma_wait3A_229 = tpu.memref_slice %arg3[%mul3A_2, %dma_wait3A_228] : memref<256x128xi32, #tpu.memory_space<hbm>> -> memref<8x128xi32, #tpu.memory_space<hbm>>
      %dma_wait3A_230 = arith.constant 0 : i32
      %dma_wait3A_231 = tpu.memref_slice %arg3[%mul3A_2, %dma_wait3A_230] : memref<256x128xi32, #tpu.memory_space<hbm>> -> memref<8x128xi32, #tpu.memory_space<hbm>>
      tpu.wait_dma2 semaphore(%run_scoped3A : memref<!tpu.dma_semaphore, #tpu.memory_space<semaphore_mem>>) src(%dma_wait3A_231 : memref<8x128xi32, #tpu.memory_space<hbm>>) dst(%arg5 : memref<8x128xi32, #tpu.memory_space<vmem>>)
      tpu.yield
    }) : () -> ()
    %dma_start3A = arith.constant 0 : i32
    %dma_start3A_3 = arith.constant 0 : i32
    %dma_start3A_4 = tpu.memref_slice %arg5[%dma_start3A, %dma_start3A_3] : memref<8x128xi32, #tpu.memory_space<vmem>> -> memref<1x128xi32, #tpu.memory_space<vmem>>
    %dma_start3A_5 = tpu.memref_squeeze %dma_start3A_4 : memref<1x128xi32, #tpu.memory_space<vmem>> -> memref<128xi32, #tpu.memory_space<vmem>>
    %dma_start3A_6 = arith.constant 0 : i32
    %dma_start3A_7 = arith.constant 0 : i32
    %dma_start3A_8 = tpu.memref_slice %arg2[%dma_start3A_6, %dma_start3A_7] : memref<2048x128xf32, #tpu.memory_space<hbm>> -> memref<2048x128xf32, #tpu.memory_space<hbm>>
    tpu.enqueue_indirect_dma source(%dma_start3A_8 : memref<2048x128xf32, #tpu.memory_space<hbm>>) target(%arg6 : memref<128x128xf32, #tpu.memory_space<vmem>>) offsets(%dma_start3A_5 : memref<128xi32, #tpu.memory_space<vmem>>) semaphore(%arg10 : memref<!tpu.dma_semaphore, #tpu.memory_space<semaphore_mem>>)
    %dma_start3A_9 = arith.constant 1 : i32
    %dma_start3A_10 = arith.constant 0 : i32
    %dma_start3A_11 = tpu.memref_slice %arg5[%dma_start3A_9, %dma_start3A_10] : memref<8x128xi32, #tpu.memory_space<vmem>> -> memref<1x128xi32, #tpu.memory_space<vmem>>
    %dma_start3A_12 = tpu.memref_squeeze %dma_start3A_11 : memref<1x128xi32, #tpu.memory_space<vmem>> -> memref<128xi32, #tpu.memory_space<vmem>>
    %dma_start3A_13 = arith.constant 0 : i32
    %dma_start3A_14 = arith.constant 0 : i32
    %dma_start3A_15 = tpu.memref_slice %arg2[%dma_start3A_13, %dma_start3A_14] : memref<2048x128xf32, #tpu.memory_space<hbm>> -> memref<2048x128xf32, #tpu.memory_space<hbm>>
    tpu.enqueue_indirect_dma source(%dma_start3A_15 : memref<2048x128xf32, #tpu.memory_space<hbm>>) target(%arg7 : memref<128x128xf32, #tpu.memory_space<vmem>>) offsets(%dma_start3A_12 : memref<128xi32, #tpu.memory_space<vmem>>) semaphore(%arg11 : memref<!tpu.dma_semaphore, #tpu.memory_space<semaphore_mem>>)
    %dma_wait3A = arith.constant 0 : i32
    %dma_wait3A_16 = arith.constant 0 : i32
    %dma_wait3A_17 = tpu.memref_slice %arg5[%dma_wait3A, %dma_wait3A_16] : memref<8x128xi32, #tpu.memory_space<vmem>> -> memref<1x128xi32, #tpu.memory_space<vmem>>
    %dma_wait3A_18 = tpu.memref_squeeze %dma_wait3A_17 : memref<1x128xi32, #tpu.memory_space<vmem>> -> memref<128xi32, #tpu.memory_space<vmem>>
    %dma_wait3A_19 = arith.constant 0 : i32
    %dma_wait3A_20 = arith.constant 0 : i32
    %dma_wait3A_21 = tpu.memref_slice %arg2[%dma_wait3A_19, %dma_wait3A_20] : memref<2048x128xf32, #tpu.memory_space<hbm>> -> memref<2048x128xf32, #tpu.memory_space<hbm>>
    tpu.wait_indirect_dma semaphore(%arg10 : memref<!tpu.dma_semaphore, #tpu.memory_space<semaphore_mem>>) src(%dma_wait3A_21 : memref<2048x128xf32, #tpu.memory_space<hbm>>) dst(%arg6 : memref<128x128xf32, #tpu.memory_space<vmem>>)
    %add3A_22 = arith.constant 1 : i32
    %add3A_23 = arith.addi %mul3A_2, %add3A_22 : i32
    %sub3A = arith.constant 1 : i32
    %sub3A_24 = arith.subi %add3A_23, %sub3A : i32
    %mul3A_25 = arith.constant 128 : i32
    %mul3A_26 = arith.muli %sub3A_24, %mul3A_25 : i32
    %dma_start3A_27 = arith.constant 0 : i32
    %dma_start3A_28 = tpu.memref_slice %arg4[%mul3A_26, %dma_start3A_27] : memref<32768x128xf32, #tpu.memory_space<hbm>> -> memref<128x128xf32, #tpu.memory_space<hbm>>
    %dma_start3A_29 = arith.constant 0 : i32
    %dma_start3A_30 = tpu.memref_slice %arg4[%mul3A_26, %dma_start3A_29] : memref<32768x128xf32, #tpu.memory_space<hbm>> -> memref<128x128xf32, #tpu.memory_space<hbm>>
    tpu.enqueue_dma source(%arg6 : memref<128x128xf32, #tpu.memory_space<vmem>>) target(%dma_start3A_30 : memref<128x128xf32, #tpu.memory_space<hbm>>) target_semaphore(%arg14 : memref<!tpu.dma_semaphore, #tpu.memory_space<semaphore_mem>>)
    %dma_start3A_31 = arith.constant 2 : i32
    %dma_start3A_32 = arith.constant 0 : i32
    %dma_start3A_33 = tpu.memref_slice %arg5[%dma_start3A_31, %dma_start3A_32] : memref<8x128xi32, #tpu.memory_space<vmem>> -> memref<1x128xi32, #tpu.memory_space<vmem>>
    %dma_start3A_34 = tpu.memref_squeeze %dma_start3A_33 : memref<1x128xi32, #tpu.memory_space<vmem>> -> memref<128xi32, #tpu.memory_space<vmem>>
    %dma_start3A_35 = arith.constant 0 : i32
    %dma_start3A_36 = arith.constant 0 : i32
    %dma_start3A_37 = tpu.memref_slice %arg2[%dma_start3A_35, %dma_start3A_36] : memref<2048x128xf32, #tpu.memory_space<hbm>> -> memref<2048x128xf32, #tpu.memory_space<hbm>>
    tpu.enqueue_indirect_dma source(%dma_start3A_37 : memref<2048x128xf32, #tpu.memory_space<hbm>>) target(%arg8 : memref<128x128xf32, #tpu.memory_space<vmem>>) offsets(%dma_start3A_34 : memref<128xi32, #tpu.memory_space<vmem>>) semaphore(%arg12 : memref<!tpu.dma_semaphore, #tpu.memory_space<semaphore_mem>>)
    %dma_wait3A_38 = arith.constant 1 : i32
    %dma_wait3A_39 = arith.constant 0 : i32
    %dma_wait3A_40 = tpu.memref_slice %arg5[%dma_wait3A_38, %dma_wait3A_39] : memref<8x128xi32, #tpu.memory_space<vmem>> -> memref<1x128xi32, #tpu.memory_space<vmem>>
    %dma_wait3A_41 = tpu.memref_squeeze %dma_wait3A_40 : memref<1x128xi32, #tpu.memory_space<vmem>> -> memref<128xi32, #tpu.memory_space<vmem>>
    %dma_wait3A_42 = arith.constant 0 : i32
    %dma_wait3A_43 = arith.constant 0 : i32
    %dma_wait3A_44 = tpu.memref_slice %arg2[%dma_wait3A_42, %dma_wait3A_43] : memref<2048x128xf32, #tpu.memory_space<hbm>> -> memref<2048x128xf32, #tpu.memory_space<hbm>>
    tpu.wait_indirect_dma semaphore(%arg11 : memref<!tpu.dma_semaphore, #tpu.memory_space<semaphore_mem>>) src(%dma_wait3A_44 : memref<2048x128xf32, #tpu.memory_space<hbm>>) dst(%arg7 : memref<128x128xf32, #tpu.memory_space<vmem>>)
    %add3A_45 = arith.constant 2 : i32
    %add3A_46 = arith.addi %mul3A_2, %add3A_45 : i32
    %sub3A_47 = arith.constant 1 : i32
    %sub3A_48 = arith.subi %add3A_46, %sub3A_47 : i32
    %mul3A_49 = arith.constant 128 : i32
    %mul3A_50 = arith.muli %sub3A_48, %mul3A_49 : i32
    %dma_start3A_51 = arith.constant 0 : i32
    %dma_start3A_52 = tpu.memref_slice %arg4[%mul3A_50, %dma_start3A_51] : memref<32768x128xf32, #tpu.memory_space<hbm>> -> memref<128x128xf32, #tpu.memory_space<hbm>>
    %dma_start3A_53 = arith.constant 0 : i32
    %dma_start3A_54 = tpu.memref_slice %arg4[%mul3A_50, %dma_start3A_53] : memref<32768x128xf32, #tpu.memory_space<hbm>> -> memref<128x128xf32, #tpu.memory_space<hbm>>
    tpu.enqueue_dma source(%arg7 : memref<128x128xf32, #tpu.memory_space<vmem>>) target(%dma_start3A_54 : memref<128x128xf32, #tpu.memory_space<hbm>>) target_semaphore(%arg15 : memref<!tpu.dma_semaphore, #tpu.memory_space<semaphore_mem>>)
    %dma_start3A_55 = arith.constant 3 : i32
    %dma_start3A_56 = arith.constant 0 : i32
    %dma_start3A_57 = tpu.memref_slice %arg5[%dma_start3A_55, %dma_start3A_56] : memref<8x128xi32, #tpu.memory_space<vmem>> -> memref<1x128xi32, #tpu.memory_space<vmem>>
    %dma_start3A_58 = tpu.memref_squeeze %dma_start3A_57 : memref<1x128xi32, #tpu.memory_space<vmem>> -> memref<128xi32, #tpu.memory_space<vmem>>
    %dma_start3A_59 = arith.constant 0 : i32
    %dma_start3A_60 = arith.constant 0 : i32
    %dma_start3A_61 = tpu.memref_slice %arg2[%dma_start3A_59, %dma_start3A_60] : memref<2048x128xf32, #tpu.memory_space<hbm>> -> memref<2048x128xf32, #tpu.memory_space<hbm>>
    tpu.enqueue_indirect_dma source(%dma_start3A_61 : memref<2048x128xf32, #tpu.memory_space<hbm>>) target(%arg9 : memref<128x128xf32, #tpu.memory_space<vmem>>) offsets(%dma_start3A_58 : memref<128xi32, #tpu.memory_space<vmem>>) semaphore(%arg13 : memref<!tpu.dma_semaphore, #tpu.memory_space<semaphore_mem>>)
    %dma_wait3A_62 = arith.constant 2 : i32
    %dma_wait3A_63 = arith.constant 0 : i32
    %dma_wait3A_64 = tpu.memref_slice %arg5[%dma_wait3A_62, %dma_wait3A_63] : memref<8x128xi32, #tpu.memory_space<vmem>> -> memref<1x128xi32, #tpu.memory_space<vmem>>
    %dma_wait3A_65 = tpu.memref_squeeze %dma_wait3A_64 : memref<1x128xi32, #tpu.memory_space<vmem>> -> memref<128xi32, #tpu.memory_space<vmem>>
    %dma_wait3A_66 = arith.constant 0 : i32
    %dma_wait3A_67 = arith.constant 0 : i32
    %dma_wait3A_68 = tpu.memref_slice %arg2[%dma_wait3A_66, %dma_wait3A_67] : memref<2048x128xf32, #tpu.memory_space<hbm>> -> memref<2048x128xf32, #tpu.memory_space<hbm>>
    tpu.wait_indirect_dma semaphore(%arg12 : memref<!tpu.dma_semaphore, #tpu.memory_space<semaphore_mem>>) src(%dma_wait3A_68 : memref<2048x128xf32, #tpu.memory_space<hbm>>) dst(%arg8 : memref<128x128xf32, #tpu.memory_space<vmem>>)
    %add3A_69 = arith.constant 3 : i32
    %add3A_70 = arith.addi %mul3A_2, %add3A_69 : i32
    %sub3A_71 = arith.constant 1 : i32
    %sub3A_72 = arith.subi %add3A_70, %sub3A_71 : i32
    %mul3A_73 = arith.constant 128 : i32
    %mul3A_74 = arith.muli %sub3A_72, %mul3A_73 : i32
    %dma_start3A_75 = arith.constant 0 : i32
    %dma_start3A_76 = tpu.memref_slice %arg4[%mul3A_74, %dma_start3A_75] : memref<32768x128xf32, #tpu.memory_space<hbm>> -> memref<128x128xf32, #tpu.memory_space<hbm>>
    %dma_start3A_77 = arith.constant 0 : i32
    %dma_start3A_78 = tpu.memref_slice %arg4[%mul3A_74, %dma_start3A_77] : memref<32768x128xf32, #tpu.memory_space<hbm>> -> memref<128x128xf32, #tpu.memory_space<hbm>>
    tpu.enqueue_dma source(%arg8 : memref<128x128xf32, #tpu.memory_space<vmem>>) target(%dma_start3A_78 : memref<128x128xf32, #tpu.memory_space<hbm>>) target_semaphore(%arg16 : memref<!tpu.dma_semaphore, #tpu.memory_space<semaphore_mem>>)
    %dma_wait3A_79 = arith.constant 0 : i32
    %dma_wait3A_80 = tpu.memref_slice %arg4[%mul3A_26, %dma_wait3A_79] : memref<32768x128xf32, #tpu.memory_space<hbm>> -> memref<128x128xf32, #tpu.memory_space<hbm>>
    %dma_wait3A_81 = arith.constant 0 : i32
    %dma_wait3A_82 = tpu.memref_slice %arg4[%mul3A_26, %dma_wait3A_81] : memref<32768x128xf32, #tpu.memory_space<hbm>> -> memref<128x128xf32, #tpu.memory_space<hbm>>
    tpu.wait_dma2 semaphore(%arg14 : memref<!tpu.dma_semaphore, #tpu.memory_space<semaphore_mem>>) src(%arg6 : memref<128x128xf32, #tpu.memory_space<vmem>>) dst(%dma_wait3A_82 : memref<128x128xf32, #tpu.memory_space<hbm>>)
    %dma_start3A_83 = arith.constant 4 : i32
    %dma_start3A_84 = arith.constant 0 : i32
    %dma_start3A_85 = tpu.memref_slice %arg5[%dma_start3A_83, %dma_start3A_84] : memref<8x128xi32, #tpu.memory_space<vmem>> -> memref<1x128xi32, #tpu.memory_space<vmem>>
    %dma_start3A_86 = tpu.memref_squeeze %dma_start3A_85 : memref<1x128xi32, #tpu.memory_space<vmem>> -> memref<128xi32, #tpu.memory_space<vmem>>
    %dma_start3A_87 = arith.constant 0 : i32
    %dma_start3A_88 = arith.constant 0 : i32
    %dma_start3A_89 = tpu.memref_slice %arg2[%dma_start3A_87, %dma_start3A_88] : memref<2048x128xf32, #tpu.memory_space<hbm>> -> memref<2048x128xf32, #tpu.memory_space<hbm>>
    tpu.enqueue_indirect_dma source(%dma_start3A_89 : memref<2048x128xf32, #tpu.memory_space<hbm>>) target(%arg6 : memref<128x128xf32, #tpu.memory_space<vmem>>) offsets(%dma_start3A_86 : memref<128xi32, #tpu.memory_space<vmem>>) semaphore(%arg10 : memref<!tpu.dma_semaphore, #tpu.memory_space<semaphore_mem>>)
    %dma_wait3A_90 = arith.constant 3 : i32
    %dma_wait3A_91 = arith.constant 0 : i32
    %dma_wait3A_92 = tpu.memref_slice %arg5[%dma_wait3A_90, %dma_wait3A_91] : memref<8x128xi32, #tpu.memory_space<vmem>> -> memref<1x128xi32, #tpu.memory_space<vmem>>
    %dma_wait3A_93 = tpu.memref_squeeze %dma_wait3A_92 : memref<1x128xi32, #tpu.memory_space<vmem>> -> memref<128xi32, #tpu.memory_space<vmem>>
    %dma_wait3A_94 = arith.constant 0 : i32
    %dma_wait3A_95 = arith.constant 0 : i32
    %dma_wait3A_96 = tpu.memref_slice %arg2[%dma_wait3A_94, %dma_wait3A_95] : memref<2048x128xf32, #tpu.memory_space<hbm>> -> memref<2048x128xf32, #tpu.memory_space<hbm>>
    tpu.wait_indirect_dma semaphore(%arg13 : memref<!tpu.dma_semaphore, #tpu.memory_space<semaphore_mem>>) src(%dma_wait3A_96 : memref<2048x128xf32, #tpu.memory_space<hbm>>) dst(%arg9 : memref<128x128xf32, #tpu.memory_space<vmem>>)
    %add3A_97 = arith.constant 4 : i32
    %add3A_98 = arith.addi %mul3A_2, %add3A_97 : i32
    %sub3A_99 = arith.constant 1 : i32
    %sub3A_100 = arith.subi %add3A_98, %sub3A_99 : i32
    %mul3A_101 = arith.constant 128 : i32
    %mul3A_102 = arith.muli %sub3A_100, %mul3A_101 : i32
    %dma_start3A_103 = arith.constant 0 : i32
    %dma_start3A_104 = tpu.memref_slice %arg4[%mul3A_102, %dma_start3A_103] : memref<32768x128xf32, #tpu.memory_space<hbm>> -> memref<128x128xf32, #tpu.memory_space<hbm>>
    %dma_start3A_105 = arith.constant 0 : i32
    %dma_start3A_106 = tpu.memref_slice %arg4[%mul3A_102, %dma_start3A_105] : memref<32768x128xf32, #tpu.memory_space<hbm>> -> memref<128x128xf32, #tpu.memory_space<hbm>>
    tpu.enqueue_dma source(%arg9 : memref<128x128xf32, #tpu.memory_space<vmem>>) target(%dma_start3A_106 : memref<128x128xf32, #tpu.memory_space<hbm>>) target_semaphore(%arg17 : memref<!tpu.dma_semaphore, #tpu.memory_space<semaphore_mem>>)
    %dma_wait3A_107 = arith.constant 0 : i32
    %dma_wait3A_108 = tpu.memref_slice %arg4[%mul3A_50, %dma_wait3A_107] : memref<32768x128xf32, #tpu.memory_space<hbm>> -> memref<128x128xf32, #tpu.memory_space<hbm>>
    %dma_wait3A_109 = arith.constant 0 : i32
    %dma_wait3A_110 = tpu.memref_slice %arg4[%mul3A_50, %dma_wait3A_109] : memref<32768x128xf32, #tpu.memory_space<hbm>> -> memref<128x128xf32, #tpu.memory_space<hbm>>
    tpu.wait_dma2 semaphore(%arg15 : memref<!tpu.dma_semaphore, #tpu.memory_space<semaphore_mem>>) src(%arg7 : memref<128x128xf32, #tpu.memory_space<vmem>>) dst(%dma_wait3A_110 : memref<128x128xf32, #tpu.memory_space<hbm>>)
    %dma_start3A_111 = arith.constant 5 : i32
    %dma_start3A_112 = arith.constant 0 : i32
    %dma_start3A_113 = tpu.memref_slice %arg5[%dma_start3A_111, %dma_start3A_112] : memref<8x128xi32, #tpu.memory_space<vmem>> -> memref<1x128xi32, #tpu.memory_space<vmem>>
    %dma_start3A_114 = tpu.memref_squeeze %dma_start3A_113 : memref<1x128xi32, #tpu.memory_space<vmem>> -> memref<128xi32, #tpu.memory_space<vmem>>
    %dma_start3A_115 = arith.constant 0 : i32
    %dma_start3A_116 = arith.constant 0 : i32
    %dma_start3A_117 = tpu.memref_slice %arg2[%dma_start3A_115, %dma_start3A_116] : memref<2048x128xf32, #tpu.memory_space<hbm>> -> memref<2048x128xf32, #tpu.memory_space<hbm>>
    tpu.enqueue_indirect_dma source(%dma_start3A_117 : memref<2048x128xf32, #tpu.memory_space<hbm>>) target(%arg7 : memref<128x128xf32, #tpu.memory_space<vmem>>) offsets(%dma_start3A_114 : memref<128xi32, #tpu.memory_space<vmem>>) semaphore(%arg11 : memref<!tpu.dma_semaphore, #tpu.memory_space<semaphore_mem>>)
    %dma_wait3A_118 = arith.constant 4 : i32
    %dma_wait3A_119 = arith.constant 0 : i32
    %dma_wait3A_120 = tpu.memref_slice %arg5[%dma_wait3A_118, %dma_wait3A_119] : memref<8x128xi32, #tpu.memory_space<vmem>> -> memref<1x128xi32, #tpu.memory_space<vmem>>
    %dma_wait3A_121 = tpu.memref_squeeze %dma_wait3A_120 : memref<1x128xi32, #tpu.memory_space<vmem>> -> memref<128xi32, #tpu.memory_space<vmem>>
    %dma_wait3A_122 = arith.constant 0 : i32
    %dma_wait3A_123 = arith.constant 0 : i32
    %dma_wait3A_124 = tpu.memref_slice %arg2[%dma_wait3A_122, %dma_wait3A_123] : memref<2048x128xf32, #tpu.memory_space<hbm>> -> memref<2048x128xf32, #tpu.memory_space<hbm>>
    tpu.wait_indirect_dma semaphore(%arg10 : memref<!tpu.dma_semaphore, #tpu.memory_space<semaphore_mem>>) src(%dma_wait3A_124 : memref<2048x128xf32, #tpu.memory_space<hbm>>) dst(%arg6 : memref<128x128xf32, #tpu.memory_space<vmem>>)
    %add3A_125 = arith.constant 5 : i32
    %add3A_126 = arith.addi %mul3A_2, %add3A_125 : i32
    %sub3A_127 = arith.constant 1 : i32
    %sub3A_128 = arith.subi %add3A_126, %sub3A_127 : i32
    %mul3A_129 = arith.constant 128 : i32
    %mul3A_130 = arith.muli %sub3A_128, %mul3A_129 : i32
    %dma_start3A_131 = arith.constant 0 : i32
    %dma_start3A_132 = tpu.memref_slice %arg4[%mul3A_130, %dma_start3A_131] : memref<32768x128xf32, #tpu.memory_space<hbm>> -> memref<128x128xf32, #tpu.memory_space<hbm>>
    %dma_start3A_133 = arith.constant 0 : i32
    %dma_start3A_134 = tpu.memref_slice %arg4[%mul3A_130, %dma_start3A_133] : memref<32768x128xf32, #tpu.memory_space<hbm>> -> memref<128x128xf32, #tpu.memory_space<hbm>>
    tpu.enqueue_dma source(%arg6 : memref<128x128xf32, #tpu.memory_space<vmem>>) target(%dma_start3A_134 : memref<128x128xf32, #tpu.memory_space<hbm>>) target_semaphore(%arg14 : memref<!tpu.dma_semaphore, #tpu.memory_space<semaphore_mem>>)
    %dma_wait3A_135 = arith.constant 0 : i32
    %dma_wait3A_136 = tpu.memref_slice %arg4[%mul3A_74, %dma_wait3A_135] : memref<32768x128xf32, #tpu.memory_space<hbm>> -> memref<128x128xf32, #tpu.memory_space<hbm>>
    %dma_wait3A_137 = arith.constant 0 : i32
    %dma_wait3A_138 = tpu.memref_slice %arg4[%mul3A_74, %dma_wait3A_137] : memref<32768x128xf32, #tpu.memory_space<hbm>> -> memref<128x128xf32, #tpu.memory_space<hbm>>
    tpu.wait_dma2 semaphore(%arg16 : memref<!tpu.dma_semaphore, #tpu.memory_space<semaphore_mem>>) src(%arg8 : memref<128x128xf32, #tpu.memory_space<vmem>>) dst(%dma_wait3A_138 : memref<128x128xf32, #tpu.memory_space<hbm>>)
    %dma_start3A_139 = arith.constant 6 : i32
    %dma_start3A_140 = arith.constant 0 : i32
    %dma_start3A_141 = tpu.memref_slice %arg5[%dma_start3A_139, %dma_start3A_140] : memref<8x128xi32, #tpu.memory_space<vmem>> -> memref<1x128xi32, #tpu.memory_space<vmem>>
    %dma_start3A_142 = tpu.memref_squeeze %dma_start3A_141 : memref<1x128xi32, #tpu.memory_space<vmem>> -> memref<128xi32, #tpu.memory_space<vmem>>
    %dma_start3A_143 = arith.constant 0 : i32
    %dma_start3A_144 = arith.constant 0 : i32
    %dma_start3A_145 = tpu.memref_slice %arg2[%dma_start3A_143, %dma_start3A_144] : memref<2048x128xf32, #tpu.memory_space<hbm>> -> memref<2048x128xf32, #tpu.memory_space<hbm>>
    tpu.enqueue_indirect_dma source(%dma_start3A_145 : memref<2048x128xf32, #tpu.memory_space<hbm>>) target(%arg8 : memref<128x128xf32, #tpu.memory_space<vmem>>) offsets(%dma_start3A_142 : memref<128xi32, #tpu.memory_space<vmem>>) semaphore(%arg12 : memref<!tpu.dma_semaphore, #tpu.memory_space<semaphore_mem>>)
    %dma_wait3A_146 = arith.constant 5 : i32
    %dma_wait3A_147 = arith.constant 0 : i32
    %dma_wait3A_148 = tpu.memref_slice %arg5[%dma_wait3A_146, %dma_wait3A_147] : memref<8x128xi32, #tpu.memory_space<vmem>> -> memref<1x128xi32, #tpu.memory_space<vmem>>
    %dma_wait3A_149 = tpu.memref_squeeze %dma_wait3A_148 : memref<1x128xi32, #tpu.memory_space<vmem>> -> memref<128xi32, #tpu.memory_space<vmem>>
    %dma_wait3A_150 = arith.constant 0 : i32
    %dma_wait3A_151 = arith.constant 0 : i32
    %dma_wait3A_152 = tpu.memref_slice %arg2[%dma_wait3A_150, %dma_wait3A_151] : memref<2048x128xf32, #tpu.memory_space<hbm>> -> memref<2048x128xf32, #tpu.memory_space<hbm>>
    tpu.wait_indirect_dma semaphore(%arg11 : memref<!tpu.dma_semaphore, #tpu.memory_space<semaphore_mem>>) src(%dma_wait3A_152 : memref<2048x128xf32, #tpu.memory_space<hbm>>) dst(%arg7 : memref<128x128xf32, #tpu.memory_space<vmem>>)
    %add3A_153 = arith.constant 6 : i32
    %add3A_154 = arith.addi %mul3A_2, %add3A_153 : i32
    %sub3A_155 = arith.constant 1 : i32
    %sub3A_156 = arith.subi %add3A_154, %sub3A_155 : i32
    %mul3A_157 = arith.constant 128 : i32
    %mul3A_158 = arith.muli %sub3A_156, %mul3A_157 : i32
    %dma_start3A_159 = arith.constant 0 : i32
    %dma_start3A_160 = tpu.memref_slice %arg4[%mul3A_158, %dma_start3A_159] : memref<32768x128xf32, #tpu.memory_space<hbm>> -> memref<128x128xf32, #tpu.memory_space<hbm>>
    %dma_start3A_161 = arith.constant 0 : i32
    %dma_start3A_162 = tpu.memref_slice %arg4[%mul3A_158, %dma_start3A_161] : memref<32768x128xf32, #tpu.memory_space<hbm>> -> memref<128x128xf32, #tpu.memory_space<hbm>>
    tpu.enqueue_dma source(%arg7 : memref<128x128xf32, #tpu.memory_space<vmem>>) target(%dma_start3A_162 : memref<128x128xf32, #tpu.memory_space<hbm>>) target_semaphore(%arg15 : memref<!tpu.dma_semaphore, #tpu.memory_space<semaphore_mem>>)
    %dma_wait3A_163 = arith.constant 0 : i32
    %dma_wait3A_164 = tpu.memref_slice %arg4[%mul3A_102, %dma_wait3A_163] : memref<32768x128xf32, #tpu.memory_space<hbm>> -> memref<128x128xf32, #tpu.memory_space<hbm>>
    %dma_wait3A_165 = arith.constant 0 : i32
    %dma_wait3A_166 = tpu.memref_slice %arg4[%mul3A_102, %dma_wait3A_165] : memref<32768x128xf32, #tpu.memory_space<hbm>> -> memref<128x128xf32, #tpu.memory_space<hbm>>
    tpu.wait_dma2 semaphore(%arg17 : memref<!tpu.dma_semaphore, #tpu.memory_space<semaphore_mem>>) src(%arg9 : memref<128x128xf32, #tpu.memory_space<vmem>>) dst(%dma_wait3A_166 : memref<128x128xf32, #tpu.memory_space<hbm>>)
    %dma_start3A_167 = arith.constant 7 : i32
    %dma_start3A_168 = arith.constant 0 : i32
    %dma_start3A_169 = tpu.memref_slice %arg5[%dma_start3A_167, %dma_start3A_168] : memref<8x128xi32, #tpu.memory_space<vmem>> -> memref<1x128xi32, #tpu.memory_space<vmem>>
    %dma_start3A_170 = tpu.memref_squeeze %dma_start3A_169 : memref<1x128xi32, #tpu.memory_space<vmem>> -> memref<128xi32, #tpu.memory_space<vmem>>
    %dma_start3A_171 = arith.constant 0 : i32
    %dma_start3A_172 = arith.constant 0 : i32
    %dma_start3A_173 = tpu.memref_slice %arg2[%dma_start3A_171, %dma_start3A_172] : memref<2048x128xf32, #tpu.memory_space<hbm>> -> memref<2048x128xf32, #tpu.memory_space<hbm>>
    tpu.enqueue_indirect_dma source(%dma_start3A_173 : memref<2048x128xf32, #tpu.memory_space<hbm>>) target(%arg9 : memref<128x128xf32, #tpu.memory_space<vmem>>) offsets(%dma_start3A_170 : memref<128xi32, #tpu.memory_space<vmem>>) semaphore(%arg13 : memref<!tpu.dma_semaphore, #tpu.memory_space<semaphore_mem>>)
    %dma_wait3A_174 = arith.constant 6 : i32
    %dma_wait3A_175 = arith.constant 0 : i32
    %dma_wait3A_176 = tpu.memref_slice %arg5[%dma_wait3A_174, %dma_wait3A_175] : memref<8x128xi32, #tpu.memory_space<vmem>> -> memref<1x128xi32, #tpu.memory_space<vmem>>
    %dma_wait3A_177 = tpu.memref_squeeze %dma_wait3A_176 : memref<1x128xi32, #tpu.memory_space<vmem>> -> memref<128xi32, #tpu.memory_space<vmem>>
    %dma_wait3A_178 = arith.constant 0 : i32
    %dma_wait3A_179 = arith.constant 0 : i32
    %dma_wait3A_180 = tpu.memref_slice %arg2[%dma_wait3A_178, %dma_wait3A_179] : memref<2048x128xf32, #tpu.memory_space<hbm>> -> memref<2048x128xf32, #tpu.memory_space<hbm>>
    tpu.wait_indirect_dma semaphore(%arg12 : memref<!tpu.dma_semaphore, #tpu.memory_space<semaphore_mem>>) src(%dma_wait3A_180 : memref<2048x128xf32, #tpu.memory_space<hbm>>) dst(%arg8 : memref<128x128xf32, #tpu.memory_space<vmem>>)
    %add3A_181 = arith.constant 7 : i32
    %add3A_182 = arith.addi %mul3A_2, %add3A_181 : i32
    %sub3A_183 = arith.constant 1 : i32
    %sub3A_184 = arith.subi %add3A_182, %sub3A_183 : i32
    %mul3A_185 = arith.constant 128 : i32
    %mul3A_186 = arith.muli %sub3A_184, %mul3A_185 : i32
    %dma_start3A_187 = arith.constant 0 : i32
    %dma_start3A_188 = tpu.memref_slice %arg4[%mul3A_186, %dma_start3A_187] : memref<32768x128xf32, #tpu.memory_space<hbm>> -> memref<128x128xf32, #tpu.memory_space<hbm>>
    %dma_start3A_189 = arith.constant 0 : i32
    %dma_start3A_190 = tpu.memref_slice %arg4[%mul3A_186, %dma_start3A_189] : memref<32768x128xf32, #tpu.memory_space<hbm>> -> memref<128x128xf32, #tpu.memory_space<hbm>>
    tpu.enqueue_dma source(%arg8 : memref<128x128xf32, #tpu.memory_space<vmem>>) target(%dma_start3A_190 : memref<128x128xf32, #tpu.memory_space<hbm>>) target_semaphore(%arg16 : memref<!tpu.dma_semaphore, #tpu.memory_space<semaphore_mem>>)
    %dma_wait3A_191 = arith.constant 7 : i32
    %dma_wait3A_192 = arith.constant 0 : i32
    %dma_wait3A_193 = tpu.memref_slice %arg5[%dma_wait3A_191, %dma_wait3A_192] : memref<8x128xi32, #tpu.memory_space<vmem>> -> memref<1x128xi32, #tpu.memory_space<vmem>>
    %dma_wait3A_194 = tpu.memref_squeeze %dma_wait3A_193 : memref<1x128xi32, #tpu.memory_space<vmem>> -> memref<128xi32, #tpu.memory_space<vmem>>
    %dma_wait3A_195 = arith.constant 0 : i32
    %dma_wait3A_196 = arith.constant 0 : i32
    %dma_wait3A_197 = tpu.memref_slice %arg2[%dma_wait3A_195, %dma_wait3A_196] : memref<2048x128xf32, #tpu.memory_space<hbm>> -> memref<2048x128xf32, #tpu.memory_space<hbm>>
    tpu.wait_indirect_dma semaphore(%arg13 : memref<!tpu.dma_semaphore, #tpu.memory_space<semaphore_mem>>) src(%dma_wait3A_197 : memref<2048x128xf32, #tpu.memory_space<hbm>>) dst(%arg9 : memref<128x128xf32, #tpu.memory_space<vmem>>)
    %add3A_198 = arith.constant 8 : i32
    %add3A_199 = arith.addi %mul3A_2, %add3A_198 : i32
    %sub3A_200 = arith.constant 1 : i32
    %sub3A_201 = arith.subi %add3A_199, %sub3A_200 : i32
    %mul3A_202 = arith.constant 128 : i32
    %mul3A_203 = arith.muli %sub3A_201, %mul3A_202 : i32
    %dma_start3A_204 = arith.constant 0 : i32
    %dma_start3A_205 = tpu.memref_slice %arg4[%mul3A_203, %dma_start3A_204] : memref<32768x128xf32, #tpu.memory_space<hbm>> -> memref<128x128xf32, #tpu.memory_space<hbm>>
    %dma_start3A_206 = arith.constant 0 : i32
    %dma_start3A_207 = tpu.memref_slice %arg4[%mul3A_203, %dma_start3A_206] : memref<32768x128xf32, #tpu.memory_space<hbm>> -> memref<128x128xf32, #tpu.memory_space<hbm>>
    tpu.enqueue_dma source(%arg9 : memref<128x128xf32, #tpu.memory_space<vmem>>) target(%dma_start3A_207 : memref<128x128xf32, #tpu.memory_space<hbm>>) target_semaphore(%arg17 : memref<!tpu.dma_semaphore, #tpu.memory_space<semaphore_mem>>)
    %dma_wait3A_208 = arith.constant 0 : i32
    %dma_wait3A_209 = tpu.memref_slice %arg4[%mul3A_130, %dma_wait3A_208] : memref<32768x128xf32, #tpu.memory_space<hbm>> -> memref<128x128xf32, #tpu.memory_space<hbm>>
    %dma_wait3A_210 = arith.constant 0 : i32
    %dma_wait3A_211 = tpu.memref_slice %arg4[%mul3A_130, %dma_wait3A_210] : memref<32768x128xf32, #tpu.memory_space<hbm>> -> memref<128x128xf32, #tpu.memory_space<hbm>>
    tpu.wait_dma2 semaphore(%arg14 : memref<!tpu.dma_semaphore, #tpu.memory_space<semaphore_mem>>) src(%arg6 : memref<128x128xf32, #tpu.memory_space<vmem>>) dst(%dma_wait3A_211 : memref<128x128xf32, #tpu.memory_space<hbm>>)
    %dma_wait3A_212 = arith.constant 0 : i32
    %dma_wait3A_213 = tpu.memref_slice %arg4[%mul3A_158, %dma_wait3A_212] : memref<32768x128xf32, #tpu.memory_space<hbm>> -> memref<128x128xf32, #tpu.memory_space<hbm>>
    %dma_wait3A_214 = arith.constant 0 : i32
    %dma_wait3A_215 = tpu.memref_slice %arg4[%mul3A_158, %dma_wait3A_214] : memref<32768x128xf32, #tpu.memory_space<hbm>> -> memref<128x128xf32, #tpu.memory_space<hbm>>
    tpu.wait_dma2 semaphore(%arg15 : memref<!tpu.dma_semaphore, #tpu.memory_space<semaphore_mem>>) src(%arg7 : memref<128x128xf32, #tpu.memory_space<vmem>>) dst(%dma_wait3A_215 : memref<128x128xf32, #tpu.memory_space<hbm>>)
    %dma_wait3A_216 = arith.constant 0 : i32
    %dma_wait3A_217 = tpu.memref_slice %arg4[%mul3A_186, %dma_wait3A_216] : memref<32768x128xf32, #tpu.memory_space<hbm>> -> memref<128x128xf32, #tpu.memory_space<hbm>>
    %dma_wait3A_218 = arith.constant 0 : i32
    %dma_wait3A_219 = tpu.memref_slice %arg4[%mul3A_186, %dma_wait3A_218] : memref<32768x128xf32, #tpu.memory_space<hbm>> -> memref<128x128xf32, #tpu.memory_space<hbm>>
    tpu.wait_dma2 semaphore(%arg16 : memref<!tpu.dma_semaphore, #tpu.memory_space<semaphore_mem>>) src(%arg8 : memref<128x128xf32, #tpu.memory_space<vmem>>) dst(%dma_wait3A_219 : memref<128x128xf32, #tpu.memory_space<hbm>>)
    %dma_wait3A_220 = arith.constant 0 : i32
    %dma_wait3A_221 = tpu.memref_slice %arg4[%mul3A_203, %dma_wait3A_220] : memref<32768x128xf32, #tpu.memory_space<hbm>> -> memref<128x128xf32, #tpu.memory_space<hbm>>
    %dma_wait3A_222 = arith.constant 0 : i32
    %dma_wait3A_223 = tpu.memref_slice %arg4[%mul3A_203, %dma_wait3A_222] : memref<32768x128xf32, #tpu.memory_space<hbm>> -> memref<128x128xf32, #tpu.memory_space<hbm>>
    tpu.wait_dma2 semaphore(%arg17 : memref<!tpu.dma_semaphore, #tpu.memory_space<semaphore_mem>>) src(%arg9 : memref<128x128xf32, #tpu.memory_space<vmem>>) dst(%dma_wait3A_223 : memref<128x128xf32, #tpu.memory_space<hbm>>)
    return
  }
}

#map = affine_map<(d0, d1) -> (0, 0)>
module attributes {stable_mosaic.version = 14 : i64} {
  func.func @gather(%arg0: i32, %arg1: i32, %arg2: memref<2048x128xf32, #tpu.memory_space<hbm>>, %arg3: memref<256x128xi32, #tpu.memory_space<hbm>>, %arg4: memref<32768x128xf32, #tpu.memory_space<hbm>>, %arg5: memref<8x128xi32, #tpu.memory_space<vmem>>, %arg6: memref<128x128xf32, #tpu.memory_space<vmem>>, %arg7: memref<128x128xf32, #tpu.memory_space<vmem>>, %arg8: memref<128x128xf32, #tpu.memory_space<vmem>>, %arg9: memref<128x128xf32, #tpu.memory_space<vmem>>, %arg10: memref<!tpu.dma_semaphore, #tpu.memory_space<semaphore_mem>>, %arg11: memref<!tpu.dma_semaphore, #tpu.memory_space<semaphore_mem>>, %arg12: memref<!tpu.dma_semaphore, #tpu.memory_space<semaphore_mem>>, %arg13: memref<!tpu.dma_semaphore, #tpu.memory_space<semaphore_mem>>, %arg14: memref<!tpu.dma_semaphore, #tpu.memory_space<semaphore_mem>>, %arg15: memref<!tpu.dma_semaphore, #tpu.memory_space<semaphore_mem>>, %arg16: memref<!tpu.dma_semaphore, #tpu.memory_space<semaphore_mem>>, %arg17: memref<!tpu.dma_semaphore, #tpu.memory_space<semaphore_mem>>) attributes {dimension_semantics = [#tpu.dimension_semantics<core_parallel>, #tpu.dimension_semantics<subcore_parallel>], iteration_bounds = array<i64: 2, 16>, scalar_prefetch = 0 : i64, scratch_operands = 13 : i64, tpu.core_type = #tpu.core_type<sc_vector_subcore>, window_params = [{transform_indices = #map}, {transform_indices = #map}, {transform_indices = #map}]} {
    %mul3A = arith.constant 2 : i32
    %mul3A_0 = arith.muli %arg1, %mul3A : i32
    %add3A = arith.addi %mul3A_0, %arg0 : i32
    %mul3A_1 = arith.constant 8 : i32
    %mul3A_2 = arith.muli %add3A, %mul3A_1 : i32
    "tpu.region"() ({
      %run_scoped3A = tpu.sem_alloc : memref<!tpu.dma_semaphore, #tpu.memory_space<semaphore_mem>>
      %dma_start3A_224 = arith.constant 0 : i32
      %dma_start3A_225 = tpu.memref_slice %arg3[%mul3A_2, %dma_start3A_224] : memref<256x128xi32, #tpu.memory_space<hbm>> -> memref<8x128xi32, #tpu.memory_space<hbm>>
      %dma_start3A_226 = arith.constant 0 : i32
      %dma_start3A_227 = tpu.memref_slice %arg3[%mul3A_2, %dma_start3A_226] : memref<256x128xi32, #tpu.memory_space<hbm>> -> memref<8x128xi32, #tpu.memory_space<hbm>>
      tpu.enqueue_dma source(%dma_start3A_227 : memref<8x128xi32, #tpu.memory_space<hbm>>) target(%arg5 : memref<8x128xi32, #tpu.memory_space<vmem>>) target_semaphore(%run_scoped3A : memref<!tpu.dma_semaphore, #tpu.memory_space<semaphore_mem>>)
      %dma_wait3A_228 = arith.constant 0 : i32
      %dma_wait3A_229 = tpu.memref_slice %arg3[%mul3A_2, %dma_wait3A_228] : memref<256x128xi32, #tpu.memory_space<hbm>> -> memref<8x128xi32, #tpu.memory_space<hbm>>
      %dma_wait3A_230 = arith.constant 0 : i32
      %dma_wait3A_231 = tpu.memref_slice %arg3[%mul3A_2, %dma_wait3A_230] : memref<256x128xi32, #tpu.memory_space<hbm>> -> memref<8x128xi32, #tpu.memory_space<hbm>>
      tpu.wait_dma2 semaphore(%run_scoped3A : memref<!tpu.dma_semaphore, #tpu.memory_space<semaphore_mem>>) src(%dma_wait3A_231 : memref<8x128xi32, #tpu.memory_space<hbm>>) dst(%arg5 : memref<8x128xi32, #tpu.memory_space<vmem>>)
      tpu.yield
    }) : () -> ()
    %dma_start3A = arith.constant 0 : i32
    %dma_start3A_3 = arith.constant 0 : i32
    %dma_start3A_4 = tpu.memref_slice %arg5[%dma_start3A, %dma_start3A_3] : memref<8x128xi32, #tpu.memory_space<vmem>> -> memref<1x128xi32, #tpu.memory_space<vmem>>
    %dma_start3A_5 = tpu.memref_squeeze %dma_start3A_4 : memref<1x128xi32, #tpu.memory_space<vmem>> -> memref<128xi32, #tpu.memory_space<vmem>>
    %dma_start3A_6 = arith.constant 0 : i32
    %dma_start3A_7 = arith.constant 0 : i32
    %dma_start3A_8 = tpu.memref_slice %arg2[%dma_start3A_6, %dma_start3A_7] : memref<2048x128xf32, #tpu.memory_space<hbm>> -> memref<2048x128xf32, #tpu.memory_space<hbm>>
    tpu.enqueue_indirect_dma source(%dma_start3A_8 : memref<2048x128xf32, #tpu.memory_space<hbm>>) target(%arg6 : memref<128x128xf32, #tpu.memory_space<vmem>>) offsets(%dma_start3A_5 : memref<128xi32, #tpu.memory_space<vmem>>) semaphore(%arg10 : memref<!tpu.dma_semaphore, #tpu.memory_space<semaphore_mem>>)
    %dma_start3A_9 = arith.constant 1 : i32
    %dma_start3A_10 = arith.constant 0 : i32
    %dma_start3A_11 = tpu.memref_slice %arg5[%dma_start3A_9, %dma_start3A_10] : memref<8x128xi32, #tpu.memory_space<vmem>> -> memref<1x128xi32, #tpu.memory_space<vmem>>
    %dma_start3A_12 = tpu.memref_squeeze %dma_start3A_11 : memref<1x128xi32, #tpu.memory_space<vmem>> -> memref<128xi32, #tpu.memory_space<vmem>>
    %dma_start3A_13 = arith.constant 0 : i32
    %dma_start3A_14 = arith.constant 0 : i32
    %dma_start3A_15 = tpu.memref_slice %arg2[%dma_start3A_13, %dma_start3A_14] : memref<2048x128xf32, #tpu.memory_space<hbm>> -> memref<2048x128xf32, #tpu.memory_space<hbm>>
    tpu.enqueue_indirect_dma source(%dma_start3A_15 : memref<2048x128xf32, #tpu.memory_space<hbm>>) target(%arg7 : memref<128x128xf32, #tpu.memory_space<vmem>>) offsets(%dma_start3A_12 : memref<128xi32, #tpu.memory_space<vmem>>) semaphore(%arg11 : memref<!tpu.dma_semaphore, #tpu.memory_space<semaphore_mem>>)
    %dma_wait3A = arith.constant 0 : i32
    %dma_wait3A_16 = arith.constant 0 : i32
    %dma_wait3A_17 = tpu.memref_slice %arg5[%dma_wait3A, %dma_wait3A_16] : memref<8x128xi32, #tpu.memory_space<vmem>> -> memref<1x128xi32, #tpu.memory_space<vmem>>
    %dma_wait3A_18 = tpu.memref_squeeze %dma_wait3A_17 : memref<1x128xi32, #tpu.memory_space<vmem>> -> memref<128xi32, #tpu.memory_space<vmem>>
    %dma_wait3A_19 = arith.constant 0 : i32
    %dma_wait3A_20 = arith.constant 0 : i32
    %dma_wait3A_21 = tpu.memref_slice %arg2[%dma_wait3A_19, %dma_wait3A_20] : memref<2048x128xf32, #tpu.memory_space<hbm>> -> memref<2048x128xf32, #tpu.memory_space<hbm>>
    tpu.wait_indirect_dma semaphore(%arg10 : memref<!tpu.dma_semaphore, #tpu.memory_space<semaphore_mem>>) src(%dma_wait3A_21 : memref<2048x128xf32, #tpu.memory_space<hbm>>) dst(%arg6 : memref<128x128xf32, #tpu.memory_space<vmem>>)
    %add3A_22 = arith.constant 1 : i32
    %add3A_23 = arith.addi %mul3A_2, %add3A_22 : i32
    %sub3A = arith.constant 1 : i32
    %sub3A_24 = arith.subi %add3A_23, %sub3A : i32
    %mul3A_25 = arith.constant 128 : i32
    %mul3A_26 = arith.muli %sub3A_24, %mul3A_25 : i32
    %dma_start3A_27 = arith.constant 0 : i32
    %dma_start3A_28 = tpu.memref_slice %arg4[%mul3A_26, %dma_start3A_27] : memref<32768x128xf32, #tpu.memory_space<hbm>> -> memref<128x128xf32, #tpu.memory_space<hbm>>
    %dma_start3A_29 = arith.constant 0 : i32
    %dma_start3A_30 = tpu.memref_slice %arg4[%mul3A_26, %dma_start3A_29] : memref<32768x128xf32, #tpu.memory_space<hbm>> -> memref<128x128xf32, #tpu.memory_space<hbm>>
    tpu.enqueue_dma source(%arg6 : memref<128x128xf32, #tpu.memory_space<vmem>>) target(%dma_start3A_30 : memref<128x128xf32, #tpu.memory_space<hbm>>) target_semaphore(%arg14 : memref<!tpu.dma_semaphore, #tpu.memory_space<semaphore_mem>>)
    %dma_start3A_31 = arith.constant 2 : i32
    %dma_start3A_32 = arith.constant 0 : i32
    %dma_start3A_33 = tpu.memref_slice %arg5[%dma_start3A_31, %dma_start3A_32] : memref<8x128xi32, #tpu.memory_space<vmem>> -> memref<1x128xi32, #tpu.memory_space<vmem>>
    %dma_start3A_34 = tpu.memref_squeeze %dma_start3A_33 : memref<1x128xi32, #tpu.memory_space<vmem>> -> memref<128xi32, #tpu.memory_space<vmem>>
    %dma_start3A_35 = arith.constant 0 : i32
    %dma_start3A_36 = arith.constant 0 : i32
    %dma_start3A_37 = tpu.memref_slice %arg2[%dma_start3A_35, %dma_start3A_36] : memref<2048x128xf32, #tpu.memory_space<hbm>> -> memref<2048x128xf32, #tpu.memory_space<hbm>>
    tpu.enqueue_indirect_dma source(%dma_start3A_37 : memref<2048x128xf32, #tpu.memory_space<hbm>>) target(%arg8 : memref<128x128xf32, #tpu.memory_space<vmem>>) offsets(%dma_start3A_34 : memref<128xi32, #tpu.memory_space<vmem>>) semaphore(%arg12 : memref<!tpu.dma_semaphore, #tpu.memory_space<semaphore_mem>>)
    %dma_wait3A_38 = arith.constant 1 : i32
    %dma_wait3A_39 = arith.constant 0 : i32
    %dma_wait3A_40 = tpu.memref_slice %arg5[%dma_wait3A_38, %dma_wait3A_39] : memref<8x128xi32, #tpu.memory_space<vmem>> -> memref<1x128xi32, #tpu.memory_space<vmem>>
    %dma_wait3A_41 = tpu.memref_squeeze %dma_wait3A_40 : memref<1x128xi32, #tpu.memory_space<vmem>> -> memref<128xi32, #tpu.memory_space<vmem>>
    %dma_wait3A_42 = arith.constant 0 : i32
    %dma_wait3A_43 = arith.constant 0 : i32
    %dma_wait3A_44 = tpu.memref_slice %arg2[%dma_wait3A_42, %dma_wait3A_43] : memref<2048x128xf32, #tpu.memory_space<hbm>> -> memref<2048x128xf32, #tpu.memory_space<hbm>>
    tpu.wait_indirect_dma semaphore(%arg11 : memref<!tpu.dma_semaphore, #tpu.memory_space<semaphore_mem>>) src(%dma_wait3A_44 : memref<2048x128xf32, #tpu.memory_space<hbm>>) dst(%arg7 : memref<128x128xf32, #tpu.memory_space<vmem>>)
    %add3A_45 = arith.constant 2 : i32
    %add3A_46 = arith.addi %mul3A_2, %add3A_45 : i32
    %sub3A_47 = arith.constant 1 : i32
    %sub3A_48 = arith.subi %add3A_46, %sub3A_47 : i32
    %mul3A_49 = arith.constant 128 : i32
    %mul3A_50 = arith.muli %sub3A_48, %mul3A_49 : i32
    %dma_start3A_51 = arith.constant 0 : i32
    %dma_start3A_52 = tpu.memref_slice %arg4[%mul3A_50, %dma_start3A_51] : memref<32768x128xf32, #tpu.memory_space<hbm>> -> memref<128x128xf32, #tpu.memory_space<hbm>>
    %dma_start3A_53 = arith.constant 0 : i32
    %dma_start3A_54 = tpu.memref_slice %arg4[%mul3A_50, %dma_start3A_53] : memref<32768x128xf32, #tpu.memory_space<hbm>> -> memref<128x128xf32, #tpu.memory_space<hbm>>
    tpu.enqueue_dma source(%arg7 : memref<128x128xf32, #tpu.memory_space<vmem>>) target(%dma_start3A_54 : memref<128x128xf32, #tpu.memory_space<hbm>>) target_semaphore(%arg15 : memref<!tpu.dma_semaphore, #tpu.memory_space<semaphore_mem>>)
    %dma_start3A_55 = arith.constant 3 : i32
    %dma_start3A_56 = arith.constant 0 : i32
    %dma_start3A_57 = tpu.memref_slice %arg5[%dma_start3A_55, %dma_start3A_56] : memref<8x128xi32, #tpu.memory_space<vmem>> -> memref<1x128xi32, #tpu.memory_space<vmem>>
    %dma_start3A_58 = tpu.memref_squeeze %dma_start3A_57 : memref<1x128xi32, #tpu.memory_space<vmem>> -> memref<128xi32, #tpu.memory_space<vmem>>
    %dma_start3A_59 = arith.constant 0 : i32
    %dma_start3A_60 = arith.constant 0 : i32
    %dma_start3A_61 = tpu.memref_slice %arg2[%dma_start3A_59, %dma_start3A_60] : memref<2048x128xf32, #tpu.memory_space<hbm>> -> memref<2048x128xf32, #tpu.memory_space<hbm>>
    tpu.enqueue_indirect_dma source(%dma_start3A_61 : memref<2048x128xf32, #tpu.memory_space<hbm>>) target(%arg9 : memref<128x128xf32, #tpu.memory_space<vmem>>) offsets(%dma_start3A_58 : memref<128xi32, #tpu.memory_space<vmem>>) semaphore(%arg13 : memref<!tpu.dma_semaphore, #tpu.memory_space<semaphore_mem>>)
    %dma_wait3A_62 = arith.constant 2 : i32
    %dma_wait3A_63 = arith.constant 0 : i32
    %dma_wait3A_64 = tpu.memref_slice %arg5[%dma_wait3A_62, %dma_wait3A_63] : memref<8x128xi32, #tpu.memory_space<vmem>> -> memref<1x128xi32, #tpu.memory_space<vmem>>
    %dma_wait3A_65 = tpu.memref_squeeze %dma_wait3A_64 : memref<1x128xi32, #tpu.memory_space<vmem>> -> memref<128xi32, #tpu.memory_space<vmem>>
    %dma_wait3A_66 = arith.constant 0 : i32
    %dma_wait3A_67 = arith.constant 0 : i32
    %dma_wait3A_68 = tpu.memref_slice %arg2[%dma_wait3A_66, %dma_wait3A_67] : memref<2048x128xf32, #tpu.memory_space<hbm>> -> memref<2048x128xf32, #tpu.memory_space<hbm>>
    tpu.wait_indirect_dma semaphore(%arg12 : memref<!tpu.dma_semaphore, #tpu.memory_space<semaphore_mem>>) src(%dma_wait3A_68 : memref<2048x128xf32, #tpu.memory_space<hbm>>) dst(%arg8 : memref<128x128xf32, #tpu.memory_space<vmem>>)
    %add3A_69 = arith.constant 3 : i32
    %add3A_70 = arith.addi %mul3A_2, %add3A_69 : i32
    %sub3A_71 = arith.constant 1 : i32
    %sub3A_72 = arith.subi %add3A_70, %sub3A_71 : i32
    %mul3A_73 = arith.constant 128 : i32
    %mul3A_74 = arith.muli %sub3A_72, %mul3A_73 : i32
    %dma_start3A_75 = arith.constant 0 : i32
    %dma_start3A_76 = tpu.memref_slice %arg4[%mul3A_74, %dma_start3A_75] : memref<32768x128xf32, #tpu.memory_space<hbm>> -> memref<128x128xf32, #tpu.memory_space<hbm>>
    %dma_start3A_77 = arith.constant 0 : i32
    %dma_start3A_78 = tpu.memref_slice %arg4[%mul3A_74, %dma_start3A_77] : memref<32768x128xf32, #tpu.memory_space<hbm>> -> memref<128x128xf32, #tpu.memory_space<hbm>>
    tpu.enqueue_dma source(%arg8 : memref<128x128xf32, #tpu.memory_space<vmem>>) target(%dma_start3A_78 : memref<128x128xf32, #tpu.memory_space<hbm>>) target_semaphore(%arg16 : memref<!tpu.dma_semaphore, #tpu.memory_space<semaphore_mem>>)
    %dma_wait3A_79 = arith.constant 0 : i32
    %dma_wait3A_80 = tpu.memref_slice %arg4[%mul3A_26, %dma_wait3A_79] : memref<32768x128xf32, #tpu.memory_space<hbm>> -> memref<128x128xf32, #tpu.memory_space<hbm>>
    %dma_wait3A_81 = arith.constant 0 : i32
    %dma_wait3A_82 = tpu.memref_slice %arg4[%mul3A_26, %dma_wait3A_81] : memref<32768x128xf32, #tpu.memory_space<hbm>> -> memref<128x128xf32, #tpu.memory_space<hbm>>
    tpu.wait_dma2 semaphore(%arg14 : memref<!tpu.dma_semaphore, #tpu.memory_space<semaphore_mem>>) src(%arg6 : memref<128x128xf32, #tpu.memory_space<vmem>>) dst(%dma_wait3A_82 : memref<128x128xf32, #tpu.memory_space<hbm>>)
    %dma_start3A_83 = arith.constant 4 : i32
    %dma_start3A_84 = arith.constant 0 : i32
    %dma_start3A_85 = tpu.memref_slice %arg5[%dma_start3A_83, %dma_start3A_84] : memref<8x128xi32, #tpu.memory_space<vmem>> -> memref<1x128xi32, #tpu.memory_space<vmem>>
    %dma_start3A_86 = tpu.memref_squeeze %dma_start3A_85 : memref<1x128xi32, #tpu.memory_space<vmem>> -> memref<128xi32, #tpu.memory_space<vmem>>
    %dma_start3A_87 = arith.constant 0 : i32
    %dma_start3A_88 = arith.constant 0 : i32
    %dma_start3A_89 = tpu.memref_slice %arg2[%dma_start3A_87, %dma_start3A_88] : memref<2048x128xf32, #tpu.memory_space<hbm>> -> memref<2048x128xf32, #tpu.memory_space<hbm>>
    tpu.enqueue_indirect_dma source(%dma_start3A_89 : memref<2048x128xf32, #tpu.memory_space<hbm>>) target(%arg6 : memref<128x128xf32, #tpu.memory_space<vmem>>) offsets(%dma_start3A_86 : memref<128xi32, #tpu.memory_space<vmem>>) semaphore(%arg10 : memref<!tpu.dma_semaphore, #tpu.memory_space<semaphore_mem>>)
    %dma_wait3A_90 = arith.constant 3 : i32
    %dma_wait3A_91 = arith.constant 0 : i32
    %dma_wait3A_92 = tpu.memref_slice %arg5[%dma_wait3A_90, %dma_wait3A_91] : memref<8x128xi32, #tpu.memory_space<vmem>> -> memref<1x128xi32, #tpu.memory_space<vmem>>
    %dma_wait3A_93 = tpu.memref_squeeze %dma_wait3A_92 : memref<1x128xi32, #tpu.memory_space<vmem>> -> memref<128xi32, #tpu.memory_space<vmem>>
    %dma_wait3A_94 = arith.constant 0 : i32
    %dma_wait3A_95 = arith.constant 0 : i32
    %dma_wait3A_96 = tpu.memref_slice %arg2[%dma_wait3A_94, %dma_wait3A_95] : memref<2048x128xf32, #tpu.memory_space<hbm>> -> memref<2048x128xf32, #tpu.memory_space<hbm>>
    tpu.wait_indirect_dma semaphore(%arg13 : memref<!tpu.dma_semaphore, #tpu.memory_space<semaphore_mem>>) src(%dma_wait3A_96 : memref<2048x128xf32, #tpu.memory_space<hbm>>) dst(%arg9 : memref<128x128xf32, #tpu.memory_space<vmem>>)
    %add3A_97 = arith.constant 4 : i32
    %add3A_98 = arith.addi %mul3A_2, %add3A_97 : i32
    %sub3A_99 = arith.constant 1 : i32
    %sub3A_100 = arith.subi %add3A_98, %sub3A_99 : i32
    %mul3A_101 = arith.constant 128 : i32
    %mul3A_102 = arith.muli %sub3A_100, %mul3A_101 : i32
    %dma_start3A_103 = arith.constant 0 : i32
    %dma_start3A_104 = tpu.memref_slice %arg4[%mul3A_102, %dma_start3A_103] : memref<32768x128xf32, #tpu.memory_space<hbm>> -> memref<128x128xf32, #tpu.memory_space<hbm>>
    %dma_start3A_105 = arith.constant 0 : i32
    %dma_start3A_106 = tpu.memref_slice %arg4[%mul3A_102, %dma_start3A_105] : memref<32768x128xf32, #tpu.memory_space<hbm>> -> memref<128x128xf32, #tpu.memory_space<hbm>>
    tpu.enqueue_dma source(%arg9 : memref<128x128xf32, #tpu.memory_space<vmem>>) target(%dma_start3A_106 : memref<128x128xf32, #tpu.memory_space<hbm>>) target_semaphore(%arg17 : memref<!tpu.dma_semaphore, #tpu.memory_space<semaphore_mem>>)
    %dma_wait3A_107 = arith.constant 0 : i32
    %dma_wait3A_108 = tpu.memref_slice %arg4[%mul3A_50, %dma_wait3A_107] : memref<32768x128xf32, #tpu.memory_space<hbm>> -> memref<128x128xf32, #tpu.memory_space<hbm>>
    %dma_wait3A_109 = arith.constant 0 : i32
    %dma_wait3A_110 = tpu.memref_slice %arg4[%mul3A_50, %dma_wait3A_109] : memref<32768x128xf32, #tpu.memory_space<hbm>> -> memref<128x128xf32, #tpu.memory_space<hbm>>
    tpu.wait_dma2 semaphore(%arg15 : memref<!tpu.dma_semaphore, #tpu.memory_space<semaphore_mem>>) src(%arg7 : memref<128x128xf32, #tpu.memory_space<vmem>>) dst(%dma_wait3A_110 : memref<128x128xf32, #tpu.memory_space<hbm>>)
    %dma_start3A_111 = arith.constant 5 : i32
    %dma_start3A_112 = arith.constant 0 : i32
    %dma_start3A_113 = tpu.memref_slice %arg5[%dma_start3A_111, %dma_start3A_112] : memref<8x128xi32, #tpu.memory_space<vmem>> -> memref<1x128xi32, #tpu.memory_space<vmem>>
    %dma_start3A_114 = tpu.memref_squeeze %dma_start3A_113 : memref<1x128xi32, #tpu.memory_space<vmem>> -> memref<128xi32, #tpu.memory_space<vmem>>
    %dma_start3A_115 = arith.constant 0 : i32
    %dma_start3A_116 = arith.constant 0 : i32
    %dma_start3A_117 = tpu.memref_slice %arg2[%dma_start3A_115, %dma_start3A_116] : memref<2048x128xf32, #tpu.memory_space<hbm>> -> memref<2048x128xf32, #tpu.memory_space<hbm>>
    tpu.enqueue_indirect_dma source(%dma_start3A_117 : memref<2048x128xf32, #tpu.memory_space<hbm>>) target(%arg7 : memref<128x128xf32, #tpu.memory_space<vmem>>) offsets(%dma_start3A_114 : memref<128xi32, #tpu.memory_space<vmem>>) semaphore(%arg11 : memref<!tpu.dma_semaphore, #tpu.memory_space<semaphore_mem>>)
    %dma_wait3A_118 = arith.constant 4 : i32
    %dma_wait3A_119 = arith.constant 0 : i32
    %dma_wait3A_120 = tpu.memref_slice %arg5[%dma_wait3A_118, %dma_wait3A_119] : memref<8x128xi32, #tpu.memory_space<vmem>> -> memref<1x128xi32, #tpu.memory_space<vmem>>
    %dma_wait3A_121 = tpu.memref_squeeze %dma_wait3A_120 : memref<1x128xi32, #tpu.memory_space<vmem>> -> memref<128xi32, #tpu.memory_space<vmem>>
    %dma_wait3A_122 = arith.constant 0 : i32
    %dma_wait3A_123 = arith.constant 0 : i32
    %dma_wait3A_124 = tpu.memref_slice %arg2[%dma_wait3A_122, %dma_wait3A_123] : memref<2048x128xf32, #tpu.memory_space<hbm>> -> memref<2048x128xf32, #tpu.memory_space<hbm>>
    tpu.wait_indirect_dma semaphore(%arg10 : memref<!tpu.dma_semaphore, #tpu.memory_space<semaphore_mem>>) src(%dma_wait3A_124 : memref<2048x128xf32, #tpu.memory_space<hbm>>) dst(%arg6 : memref<128x128xf32, #tpu.memory_space<vmem>>)
    %add3A_125 = arith.constant 5 : i32
    %add3A_126 = arith.addi %mul3A_2, %add3A_125 : i32
    %sub3A_127 = arith.constant 1 : i32
    %sub3A_128 = arith.subi %add3A_126, %sub3A_127 : i32
    %mul3A_129 = arith.constant 128 : i32
    %mul3A_130 = arith.muli %sub3A_128, %mul3A_129 : i32
    %dma_start3A_131 = arith.constant 0 : i32
    %dma_start3A_132 = tpu.memref_slice %arg4[%mul3A_130, %dma_start3A_131] : memref<32768x128xf32, #tpu.memory_space<hbm>> -> memref<128x128xf32, #tpu.memory_space<hbm>>
    %dma_start3A_133 = arith.constant 0 : i32
    %dma_start3A_134 = tpu.memref_slice %arg4[%mul3A_130, %dma_start3A_133] : memref<32768x128xf32, #tpu.memory_space<hbm>> -> memref<128x128xf32, #tpu.memory_space<hbm>>
    tpu.enqueue_dma source(%arg6 : memref<128x128xf32, #tpu.memory_space<vmem>>) target(%dma_start3A_134 : memref<128x128xf32, #tpu.memory_space<hbm>>) target_semaphore(%arg14 : memref<!tpu.dma_semaphore, #tpu.memory_space<semaphore_mem>>)
    %dma_wait3A_135 = arith.constant 0 : i32
    %dma_wait3A_136 = tpu.memref_slice %arg4[%mul3A_74, %dma_wait3A_135] : memref<32768x128xf32, #tpu.memory_space<hbm>> -> memref<128x128xf32, #tpu.memory_space<hbm>>
    %dma_wait3A_137 = arith.constant 0 : i32
    %dma_wait3A_138 = tpu.memref_slice %arg4[%mul3A_74, %dma_wait3A_137] : memref<32768x128xf32, #tpu.memory_space<hbm>> -> memref<128x128xf32, #tpu.memory_space<hbm>>
    tpu.wait_dma2 semaphore(%arg16 : memref<!tpu.dma_semaphore, #tpu.memory_space<semaphore_mem>>) src(%arg8 : memref<128x128xf32, #tpu.memory_space<vmem>>) dst(%dma_wait3A_138 : memref<128x128xf32, #tpu.memory_space<hbm>>)
    %dma_start3A_139 = arith.constant 6 : i32
    %dma_start3A_140 = arith.constant 0 : i32
    %dma_start3A_141 = tpu.memref_slice %arg5[%dma_start3A_139, %dma_start3A_140] : memref<8x128xi32, #tpu.memory_space<vmem>> -> memref<1x128xi32, #tpu.memory_space<vmem>>
    %dma_start3A_142 = tpu.memref_squeeze %dma_start3A_141 : memref<1x128xi32, #tpu.memory_space<vmem>> -> memref<128xi32, #tpu.memory_space<vmem>>
    %dma_start3A_143 = arith.constant 0 : i32
    %dma_start3A_144 = arith.constant 0 : i32
    %dma_start3A_145 = tpu.memref_slice %arg2[%dma_start3A_143, %dma_start3A_144] : memref<2048x128xf32, #tpu.memory_space<hbm>> -> memref<2048x128xf32, #tpu.memory_space<hbm>>
    tpu.enqueue_indirect_dma source(%dma_start3A_145 : memref<2048x128xf32, #tpu.memory_space<hbm>>) target(%arg8 : memref<128x128xf32, #tpu.memory_space<vmem>>) offsets(%dma_start3A_142 : memref<128xi32, #tpu.memory_space<vmem>>) semaphore(%arg12 : memref<!tpu.dma_semaphore, #tpu.memory_space<semaphore_mem>>)
    %dma_wait3A_146 = arith.constant 5 : i32
    %dma_wait3A_147 = arith.constant 0 : i32
    %dma_wait3A_148 = tpu.memref_slice %arg5[%dma_wait3A_146, %dma_wait3A_147] : memref<8x128xi32, #tpu.memory_space<vmem>> -> memref<1x128xi32, #tpu.memory_space<vmem>>
    %dma_wait3A_149 = tpu.memref_squeeze %dma_wait3A_148 : memref<1x128xi32, #tpu.memory_space<vmem>> -> memref<128xi32, #tpu.memory_space<vmem>>
    %dma_wait3A_150 = arith.constant 0 : i32
    %dma_wait3A_151 = arith.constant 0 : i32
    %dma_wait3A_152 = tpu.memref_slice %arg2[%dma_wait3A_150, %dma_wait3A_151] : memref<2048x128xf32, #tpu.memory_space<hbm>> -> memref<2048x128xf32, #tpu.memory_space<hbm>>
    tpu.wait_indirect_dma semaphore(%arg11 : memref<!tpu.dma_semaphore, #tpu.memory_space<semaphore_mem>>) src(%dma_wait3A_152 : memref<2048x128xf32, #tpu.memory_space<hbm>>) dst(%arg7 : memref<128x128xf32, #tpu.memory_space<vmem>>)
    %add3A_153 = arith.constant 6 : i32
    %add3A_154 = arith.addi %mul3A_2, %add3A_153 : i32
    %sub3A_155 = arith.constant 1 : i32
    %sub3A_156 = arith.subi %add3A_154, %sub3A_155 : i32
    %mul3A_157 = arith.constant 128 : i32
    %mul3A_158 = arith.muli %sub3A_156, %mul3A_157 : i32
    %dma_start3A_159 = arith.constant 0 : i32
    %dma_start3A_160 = tpu.memref_slice %arg4[%mul3A_158, %dma_start3A_159] : memref<32768x128xf32, #tpu.memory_space<hbm>> -> memref<128x128xf32, #tpu.memory_space<hbm>>
    %dma_start3A_161 = arith.constant 0 : i32
    %dma_start3A_162 = tpu.memref_slice %arg4[%mul3A_158, %dma_start3A_161] : memref<32768x128xf32, #tpu.memory_space<hbm>> -> memref<128x128xf32, #tpu.memory_space<hbm>>
    tpu.enqueue_dma source(%arg7 : memref<128x128xf32, #tpu.memory_space<vmem>>) target(%dma_start3A_162 : memref<128x128xf32, #tpu.memory_space<hbm>>) target_semaphore(%arg15 : memref<!tpu.dma_semaphore, #tpu.memory_space<semaphore_mem>>)
    %dma_wait3A_163 = arith.constant 0 : i32
    %dma_wait3A_164 = tpu.memref_slice %arg4[%mul3A_102, %dma_wait3A_163] : memref<32768x128xf32, #tpu.memory_space<hbm>> -> memref<128x128xf32, #tpu.memory_space<hbm>>
    %dma_wait3A_165 = arith.constant 0 : i32
    %dma_wait3A_166 = tpu.memref_slice %arg4[%mul3A_102, %dma_wait3A_165] : memref<32768x128xf32, #tpu.memory_space<hbm>> -> memref<128x128xf32, #tpu.memory_space<hbm>>
    tpu.wait_dma2 semaphore(%arg17 : memref<!tpu.dma_semaphore, #tpu.memory_space<semaphore_mem>>) src(%arg9 : memref<128x128xf32, #tpu.memory_space<vmem>>) dst(%dma_wait3A_166 : memref<128x128xf32, #tpu.memory_space<hbm>>)
    %dma_start3A_167 = arith.constant 7 : i32
    %dma_start3A_168 = arith.constant 0 : i32
    %dma_start3A_169 = tpu.memref_slice %arg5[%dma_start3A_167, %dma_start3A_168] : memref<8x128xi32, #tpu.memory_space<vmem>> -> memref<1x128xi32, #tpu.memory_space<vmem>>
    %dma_start3A_170 = tpu.memref_squeeze %dma_start3A_169 : memref<1x128xi32, #tpu.memory_space<vmem>> -> memref<128xi32, #tpu.memory_space<vmem>>
    %dma_start3A_171 = arith.constant 0 : i32
    %dma_start3A_172 = arith.constant 0 : i32
    %dma_start3A_173 = tpu.memref_slice %arg2[%dma_start3A_171, %dma_start3A_172] : memref<2048x128xf32, #tpu.memory_space<hbm>> -> memref<2048x128xf32, #tpu.memory_space<hbm>>
    tpu.enqueue_indirect_dma source(%dma_start3A_173 : memref<2048x128xf32, #tpu.memory_space<hbm>>) target(%arg9 : memref<128x128xf32, #tpu.memory_space<vmem>>) offsets(%dma_start3A_170 : memref<128xi32, #tpu.memory_space<vmem>>) semaphore(%arg13 : memref<!tpu.dma_semaphore, #tpu.memory_space<semaphore_mem>>)
    %dma_wait3A_174 = arith.constant 6 : i32
    %dma_wait3A_175 = arith.constant 0 : i32
    %dma_wait3A_176 = tpu.memref_slice %arg5[%dma_wait3A_174, %dma_wait3A_175] : memref<8x128xi32, #tpu.memory_space<vmem>> -> memref<1x128xi32, #tpu.memory_space<vmem>>
    %dma_wait3A_177 = tpu.memref_squeeze %dma_wait3A_176 : memref<1x128xi32, #tpu.memory_space<vmem>> -> memref<128xi32, #tpu.memory_space<vmem>>
    %dma_wait3A_178 = arith.constant 0 : i32
    %dma_wait3A_179 = arith.constant 0 : i32
    %dma_wait3A_180 = tpu.memref_slice %arg2[%dma_wait3A_178, %dma_wait3A_179] : memref<2048x128xf32, #tpu.memory_space<hbm>> -> memref<2048x128xf32, #tpu.memory_space<hbm>>
    tpu.wait_indirect_dma semaphore(%arg12 : memref<!tpu.dma_semaphore, #tpu.memory_space<semaphore_mem>>) src(%dma_wait3A_180 : memref<2048x128xf32, #tpu.memory_space<hbm>>) dst(%arg8 : memref<128x128xf32, #tpu.memory_space<vmem>>)
    %add3A_181 = arith.constant 7 : i32
    %add3A_182 = arith.addi %mul3A_2, %add3A_181 : i32
    %sub3A_183 = arith.constant 1 : i32
    %sub3A_184 = arith.subi %add3A_182, %sub3A_183 : i32
    %mul3A_185 = arith.constant 128 : i32
    %mul3A_186 = arith.muli %sub3A_184, %mul3A_185 : i32
    %dma_start3A_187 = arith.constant 0 : i32
    %dma_start3A_188 = tpu.memref_slice %arg4[%mul3A_186, %dma_start3A_187] : memref<32768x128xf32, #tpu.memory_space<hbm>> -> memref<128x128xf32, #tpu.memory_space<hbm>>
    %dma_start3A_189 = arith.constant 0 : i32
    %dma_start3A_190 = tpu.memref_slice %arg4[%mul3A_186, %dma_start3A_189] : memref<32768x128xf32, #tpu.memory_space<hbm>> -> memref<128x128xf32, #tpu.memory_space<hbm>>
    tpu.enqueue_dma source(%arg8 : memref<128x128xf32, #tpu.memory_space<vmem>>) target(%dma_start3A_190 : memref<128x128xf32, #tpu.memory_space<hbm>>) target_semaphore(%arg16 : memref<!tpu.dma_semaphore, #tpu.memory_space<semaphore_mem>>)
    %dma_wait3A_191 = arith.constant 7 : i32
    %dma_wait3A_192 = arith.constant 0 : i32
    %dma_wait3A_193 = tpu.memref_slice %arg5[%dma_wait3A_191, %dma_wait3A_192] : memref<8x128xi32, #tpu.memory_space<vmem>> -> memref<1x128xi32, #tpu.memory_space<vmem>>
    %dma_wait3A_194 = tpu.memref_squeeze %dma_wait3A_193 : memref<1x128xi32, #tpu.memory_space<vmem>> -> memref<128xi32, #tpu.memory_space<vmem>>
    %dma_wait3A_195 = arith.constant 0 : i32
    %dma_wait3A_196 = arith.constant 0 : i32
    %dma_wait3A_197 = tpu.memref_slice %arg2[%dma_wait3A_195, %dma_wait3A_196] : memref<2048x128xf32, #tpu.memory_space<hbm>> -> memref<2048x128xf32, #tpu.memory_space<hbm>>
    tpu.wait_indirect_dma semaphore(%arg13 : memref<!tpu.dma_semaphore, #tpu.memory_space<semaphore_mem>>) src(%dma_wait3A_197 : memref<2048x128xf32, #tpu.memory_space<hbm>>) dst(%arg9 : memref<128x128xf32, #tpu.memory_space<vmem>>)
    %add3A_198 = arith.constant 8 : i32
    %add3A_199 = arith.addi %mul3A_2, %add3A_198 : i32
    %sub3A_200 = arith.constant 1 : i32
    %sub3A_201 = arith.subi %add3A_199, %sub3A_200 : i32
    %mul3A_202 = arith.constant 128 : i32
    %mul3A_203 = arith.muli %sub3A_201, %mul3A_202 : i32
    %dma_start3A_204 = arith.constant 0 : i32
    %dma_start3A_205 = tpu.memref_slice %arg4[%mul3A_203, %dma_start3A_204] : memref<32768x128xf32, #tpu.memory_space<hbm>> -> memref<128x128xf32, #tpu.memory_space<hbm>>
    %dma_start3A_206 = arith.constant 0 : i32
    %dma_start3A_207 = tpu.memref_slice %arg4[%mul3A_203, %dma_start3A_206] : memref<32768x128xf32, #tpu.memory_space<hbm>> -> memref<128x128xf32, #tpu.memory_space<hbm>>
    tpu.enqueue_dma source(%arg9 : memref<128x128xf32, #tpu.memory_space<vmem>>) target(%dma_start3A_207 : memref<128x128xf32, #tpu.memory_space<hbm>>) target_semaphore(%arg17 : memref<!tpu.dma_semaphore, #tpu.memory_space<semaphore_mem>>)
    %dma_wait3A_208 = arith.constant 0 : i32
    %dma_wait3A_209 = tpu.memref_slice %arg4[%mul3A_130, %dma_wait3A_208] : memref<32768x128xf32, #tpu.memory_space<hbm>> -> memref<128x128xf32, #tpu.memory_space<hbm>>
    %dma_wait3A_210 = arith.constant 0 : i32
    %dma_wait3A_211 = tpu.memref_slice %arg4[%mul3A_130, %dma_wait3A_210] : memref<32768x128xf32, #tpu.memory_space<hbm>> -> memref<128x128xf32, #tpu.memory_space<hbm>>
    tpu.wait_dma2 semaphore(%arg14 : memref<!tpu.dma_semaphore, #tpu.memory_space<semaphore_mem>>) src(%arg6 : memref<128x128xf32, #tpu.memory_space<vmem>>) dst(%dma_wait3A_211 : memref<128x128xf32, #tpu.memory_space<hbm>>)
    %dma_wait3A_212 = arith.constant 0 : i32
    %dma_wait3A_213 = tpu.memref_slice %arg4[%mul3A_158, %dma_wait3A_212] : memref<32768x128xf32, #tpu.memory_space<hbm>> -> memref<128x128xf32, #tpu.memory_space<hbm>>
    %dma_wait3A_214 = arith.constant 0 : i32
    %dma_wait3A_215 = tpu.memref_slice %arg4[%mul3A_158, %dma_wait3A_214] : memref<32768x128xf32, #tpu.memory_space<hbm>> -> memref<128x128xf32, #tpu.memory_space<hbm>>
    tpu.wait_dma2 semaphore(%arg15 : memref<!tpu.dma_semaphore, #tpu.memory_space<semaphore_mem>>) src(%arg7 : memref<128x128xf32, #tpu.memory_space<vmem>>) dst(%dma_wait3A_215 : memref<128x128xf32, #tpu.memory_space<hbm>>)
    %dma_wait3A_216 = arith.constant 0 : i32
    %dma_wait3A_217 = tpu.memref_slice %arg4[%mul3A_186, %dma_wait3A_216] : memref<32768x128xf32, #tpu.memory_space<hbm>> -> memref<128x128xf32, #tpu.memory_space<hbm>>
    %dma_wait3A_218 = arith.constant 0 : i32
    %dma_wait3A_219 = tpu.memref_slice %arg4[%mul3A_186, %dma_wait3A_218] : memref<32768x128xf32, #tpu.memory_space<hbm>> -> memref<128x128xf32, #tpu.memory_space<hbm>>
    tpu.wait_dma2 semaphore(%arg16 : memref<!tpu.dma_semaphore, #tpu.memory_space<semaphore_mem>>) src(%arg8 : memref<128x128xf32, #tpu.memory_space<vmem>>) dst(%dma_wait3A_219 : memref<128x128xf32, #tpu.memory_space<hbm>>)
    %dma_wait3A_220 = arith.constant 0 : i32
    %dma_wait3A_221 = tpu.memref_slice %arg4[%mul3A_203, %dma_wait3A_220] : memref<32768x128xf32, #tpu.memory_space<hbm>> -> memref<128x128xf32, #tpu.memory_space<hbm>>
    %dma_wait3A_222 = arith.constant 0 : i32
    %dma_wait3A_223 = tpu.memref_slice %arg4[%mul3A_203, %dma_wait3A_222] : memref<32768x128xf32, #tpu.memory_space<hbm>> -> memref<128x128xf32, #tpu.memory_space<hbm>>
    tpu.wait_dma2 semaphore(%arg17 : memref<!tpu.dma_semaphore, #tpu.memory_space<semaphore_mem>>) src(%arg9 : memref<128x128xf32, #tpu.memory_space<vmem>>) dst(%dma_wait3A_223 : memref<128x128xf32, #tpu.memory_space<hbm>>)
    return
  }
}

#map = affine_map<(d0, d1) -> (0, 0)>
module attributes {stable_mosaic.version = 14 : i64} {
  func.func @gather(%arg0: i32, %arg1: i32, %arg2: memref<2048x128xf32, #tpu.memory_space<hbm>>, %arg3: memref<256x128xi32, #tpu.memory_space<hbm>>, %arg4: memref<32768x128xf32, #tpu.memory_space<hbm>>, %arg5: memref<8x128xi32, #tpu.memory_space<vmem>>, %arg6: memref<128x128xf32, #tpu.memory_space<vmem>>, %arg7: memref<128x128xf32, #tpu.memory_space<vmem>>, %arg8: memref<128x128xf32, #tpu.memory_space<vmem>>, %arg9: memref<128x128xf32, #tpu.memory_space<vmem>>, %arg10: memref<!tpu.dma_semaphore, #tpu.memory_space<semaphore_mem>>, %arg11: memref<!tpu.dma_semaphore, #tpu.memory_space<semaphore_mem>>, %arg12: memref<!tpu.dma_semaphore, #tpu.memory_space<semaphore_mem>>, %arg13: memref<!tpu.dma_semaphore, #tpu.memory_space<semaphore_mem>>, %arg14: memref<!tpu.dma_semaphore, #tpu.memory_space<semaphore_mem>>, %arg15: memref<!tpu.dma_semaphore, #tpu.memory_space<semaphore_mem>>, %arg16: memref<!tpu.dma_semaphore, #tpu.memory_space<semaphore_mem>>, %arg17: memref<!tpu.dma_semaphore, #tpu.memory_space<semaphore_mem>>) attributes {dimension_semantics = [#tpu.dimension_semantics<core_parallel>, #tpu.dimension_semantics<subcore_parallel>], iteration_bounds = array<i64: 2, 16>, scalar_prefetch = 0 : i64, scratch_operands = 13 : i64, tpu.core_type = #tpu.core_type<sc_vector_subcore>, window_params = [{transform_indices = #map}, {transform_indices = #map}, {transform_indices = #map}]} {
    %mul3A = arith.constant 2 : i32
    %mul3A_0 = arith.muli %arg1, %mul3A : i32
    %add3A = arith.addi %mul3A_0, %arg0 : i32
    %mul3A_1 = arith.constant 8 : i32
    %mul3A_2 = arith.muli %add3A, %mul3A_1 : i32
    "tpu.region"() ({
      %run_scoped3A = tpu.sem_alloc : memref<!tpu.dma_semaphore, #tpu.memory_space<semaphore_mem>>
      %dma_start3A_224 = arith.constant 0 : i32
      %dma_start3A_225 = tpu.memref_slice %arg3[%mul3A_2, %dma_start3A_224] : memref<256x128xi32, #tpu.memory_space<hbm>> -> memref<8x128xi32, #tpu.memory_space<hbm>>
      %dma_start3A_226 = arith.constant 0 : i32
      %dma_start3A_227 = tpu.memref_slice %arg3[%mul3A_2, %dma_start3A_226] : memref<256x128xi32, #tpu.memory_space<hbm>> -> memref<8x128xi32, #tpu.memory_space<hbm>>
      tpu.enqueue_dma source(%dma_start3A_227 : memref<8x128xi32, #tpu.memory_space<hbm>>) target(%arg5 : memref<8x128xi32, #tpu.memory_space<vmem>>) target_semaphore(%run_scoped3A : memref<!tpu.dma_semaphore, #tpu.memory_space<semaphore_mem>>)
      %dma_wait3A_228 = arith.constant 0 : i32
      %dma_wait3A_229 = tpu.memref_slice %arg3[%mul3A_2, %dma_wait3A_228] : memref<256x128xi32, #tpu.memory_space<hbm>> -> memref<8x128xi32, #tpu.memory_space<hbm>>
      %dma_wait3A_230 = arith.constant 0 : i32
      %dma_wait3A_231 = tpu.memref_slice %arg3[%mul3A_2, %dma_wait3A_230] : memref<256x128xi32, #tpu.memory_space<hbm>> -> memref<8x128xi32, #tpu.memory_space<hbm>>
      tpu.wait_dma2 semaphore(%run_scoped3A : memref<!tpu.dma_semaphore, #tpu.memory_space<semaphore_mem>>) src(%dma_wait3A_231 : memref<8x128xi32, #tpu.memory_space<hbm>>) dst(%arg5 : memref<8x128xi32, #tpu.memory_space<vmem>>)
      tpu.yield
    }) : () -> ()
    %dma_start3A = arith.constant 0 : i32
    %dma_start3A_3 = arith.constant 0 : i32
    %dma_start3A_4 = tpu.memref_slice %arg5[%dma_start3A, %dma_start3A_3] : memref<8x128xi32, #tpu.memory_space<vmem>> -> memref<1x128xi32, #tpu.memory_space<vmem>>
    %dma_start3A_5 = tpu.memref_squeeze %dma_start3A_4 : memref<1x128xi32, #tpu.memory_space<vmem>> -> memref<128xi32, #tpu.memory_space<vmem>>
    %dma_start3A_6 = arith.constant 0 : i32
    %dma_start3A_7 = arith.constant 0 : i32
    %dma_start3A_8 = tpu.memref_slice %arg2[%dma_start3A_6, %dma_start3A_7] : memref<2048x128xf32, #tpu.memory_space<hbm>> -> memref<2048x128xf32, #tpu.memory_space<hbm>>
    tpu.enqueue_indirect_dma source(%dma_start3A_8 : memref<2048x128xf32, #tpu.memory_space<hbm>>) target(%arg6 : memref<128x128xf32, #tpu.memory_space<vmem>>) offsets(%dma_start3A_5 : memref<128xi32, #tpu.memory_space<vmem>>) semaphore(%arg10 : memref<!tpu.dma_semaphore, #tpu.memory_space<semaphore_mem>>)
    %dma_start3A_9 = arith.constant 1 : i32
    %dma_start3A_10 = arith.constant 0 : i32
    %dma_start3A_11 = tpu.memref_slice %arg5[%dma_start3A_9, %dma_start3A_10] : memref<8x128xi32, #tpu.memory_space<vmem>> -> memref<1x128xi32, #tpu.memory_space<vmem>>
    %dma_start3A_12 = tpu.memref_squeeze %dma_start3A_11 : memref<1x128xi32, #tpu.memory_space<vmem>> -> memref<128xi32, #tpu.memory_space<vmem>>
    %dma_start3A_13 = arith.constant 0 : i32
    %dma_start3A_14 = arith.constant 0 : i32
    %dma_start3A_15 = tpu.memref_slice %arg2[%dma_start3A_13, %dma_start3A_14] : memref<2048x128xf32, #tpu.memory_space<hbm>> -> memref<2048x128xf32, #tpu.memory_space<hbm>>
    tpu.enqueue_indirect_dma source(%dma_start3A_15 : memref<2048x128xf32, #tpu.memory_space<hbm>>) target(%arg7 : memref<128x128xf32, #tpu.memory_space<vmem>>) offsets(%dma_start3A_12 : memref<128xi32, #tpu.memory_space<vmem>>) semaphore(%arg11 : memref<!tpu.dma_semaphore, #tpu.memory_space<semaphore_mem>>)
    %dma_wait3A = arith.constant 0 : i32
    %dma_wait3A_16 = arith.constant 0 : i32
    %dma_wait3A_17 = tpu.memref_slice %arg5[%dma_wait3A, %dma_wait3A_16] : memref<8x128xi32, #tpu.memory_space<vmem>> -> memref<1x128xi32, #tpu.memory_space<vmem>>
    %dma_wait3A_18 = tpu.memref_squeeze %dma_wait3A_17 : memref<1x128xi32, #tpu.memory_space<vmem>> -> memref<128xi32, #tpu.memory_space<vmem>>
    %dma_wait3A_19 = arith.constant 0 : i32
    %dma_wait3A_20 = arith.constant 0 : i32
    %dma_wait3A_21 = tpu.memref_slice %arg2[%dma_wait3A_19, %dma_wait3A_20] : memref<2048x128xf32, #tpu.memory_space<hbm>> -> memref<2048x128xf32, #tpu.memory_space<hbm>>
    tpu.wait_indirect_dma semaphore(%arg10 : memref<!tpu.dma_semaphore, #tpu.memory_space<semaphore_mem>>) src(%dma_wait3A_21 : memref<2048x128xf32, #tpu.memory_space<hbm>>) dst(%arg6 : memref<128x128xf32, #tpu.memory_space<vmem>>)
    %add3A_22 = arith.constant 1 : i32
    %add3A_23 = arith.addi %mul3A_2, %add3A_22 : i32
    %sub3A = arith.constant 1 : i32
    %sub3A_24 = arith.subi %add3A_23, %sub3A : i32
    %mul3A_25 = arith.constant 128 : i32
    %mul3A_26 = arith.muli %sub3A_24, %mul3A_25 : i32
    %dma_start3A_27 = arith.constant 0 : i32
    %dma_start3A_28 = tpu.memref_slice %arg4[%mul3A_26, %dma_start3A_27] : memref<32768x128xf32, #tpu.memory_space<hbm>> -> memref<128x128xf32, #tpu.memory_space<hbm>>
    %dma_start3A_29 = arith.constant 0 : i32
    %dma_start3A_30 = tpu.memref_slice %arg4[%mul3A_26, %dma_start3A_29] : memref<32768x128xf32, #tpu.memory_space<hbm>> -> memref<128x128xf32, #tpu.memory_space<hbm>>
    tpu.enqueue_dma source(%arg6 : memref<128x128xf32, #tpu.memory_space<vmem>>) target(%dma_start3A_30 : memref<128x128xf32, #tpu.memory_space<hbm>>) target_semaphore(%arg14 : memref<!tpu.dma_semaphore, #tpu.memory_space<semaphore_mem>>)
    %dma_start3A_31 = arith.constant 2 : i32
    %dma_start3A_32 = arith.constant 0 : i32
    %dma_start3A_33 = tpu.memref_slice %arg5[%dma_start3A_31, %dma_start3A_32] : memref<8x128xi32, #tpu.memory_space<vmem>> -> memref<1x128xi32, #tpu.memory_space<vmem>>
    %dma_start3A_34 = tpu.memref_squeeze %dma_start3A_33 : memref<1x128xi32, #tpu.memory_space<vmem>> -> memref<128xi32, #tpu.memory_space<vmem>>
    %dma_start3A_35 = arith.constant 0 : i32
    %dma_start3A_36 = arith.constant 0 : i32
    %dma_start3A_37 = tpu.memref_slice %arg2[%dma_start3A_35, %dma_start3A_36] : memref<2048x128xf32, #tpu.memory_space<hbm>> -> memref<2048x128xf32, #tpu.memory_space<hbm>>
    tpu.enqueue_indirect_dma source(%dma_start3A_37 : memref<2048x128xf32, #tpu.memory_space<hbm>>) target(%arg8 : memref<128x128xf32, #tpu.memory_space<vmem>>) offsets(%dma_start3A_34 : memref<128xi32, #tpu.memory_space<vmem>>) semaphore(%arg12 : memref<!tpu.dma_semaphore, #tpu.memory_space<semaphore_mem>>)
    %dma_wait3A_38 = arith.constant 1 : i32
    %dma_wait3A_39 = arith.constant 0 : i32
    %dma_wait3A_40 = tpu.memref_slice %arg5[%dma_wait3A_38, %dma_wait3A_39] : memref<8x128xi32, #tpu.memory_space<vmem>> -> memref<1x128xi32, #tpu.memory_space<vmem>>
    %dma_wait3A_41 = tpu.memref_squeeze %dma_wait3A_40 : memref<1x128xi32, #tpu.memory_space<vmem>> -> memref<128xi32, #tpu.memory_space<vmem>>
    %dma_wait3A_42 = arith.constant 0 : i32
    %dma_wait3A_43 = arith.constant 0 : i32
    %dma_wait3A_44 = tpu.memref_slice %arg2[%dma_wait3A_42, %dma_wait3A_43] : memref<2048x128xf32, #tpu.memory_space<hbm>> -> memref<2048x128xf32, #tpu.memory_space<hbm>>
    tpu.wait_indirect_dma semaphore(%arg11 : memref<!tpu.dma_semaphore, #tpu.memory_space<semaphore_mem>>) src(%dma_wait3A_44 : memref<2048x128xf32, #tpu.memory_space<hbm>>) dst(%arg7 : memref<128x128xf32, #tpu.memory_space<vmem>>)
    %add3A_45 = arith.constant 2 : i32
    %add3A_46 = arith.addi %mul3A_2, %add3A_45 : i32
    %sub3A_47 = arith.constant 1 : i32
    %sub3A_48 = arith.subi %add3A_46, %sub3A_47 : i32
    %mul3A_49 = arith.constant 128 : i32
    %mul3A_50 = arith.muli %sub3A_48, %mul3A_49 : i32
    %dma_start3A_51 = arith.constant 0 : i32
    %dma_start3A_52 = tpu.memref_slice %arg4[%mul3A_50, %dma_start3A_51] : memref<32768x128xf32, #tpu.memory_space<hbm>> -> memref<128x128xf32, #tpu.memory_space<hbm>>
    %dma_start3A_53 = arith.constant 0 : i32
    %dma_start3A_54 = tpu.memref_slice %arg4[%mul3A_50, %dma_start3A_53] : memref<32768x128xf32, #tpu.memory_space<hbm>> -> memref<128x128xf32, #tpu.memory_space<hbm>>
    tpu.enqueue_dma source(%arg7 : memref<128x128xf32, #tpu.memory_space<vmem>>) target(%dma_start3A_54 : memref<128x128xf32, #tpu.memory_space<hbm>>) target_semaphore(%arg15 : memref<!tpu.dma_semaphore, #tpu.memory_space<semaphore_mem>>)
    %dma_start3A_55 = arith.constant 3 : i32
    %dma_start3A_56 = arith.constant 0 : i32
    %dma_start3A_57 = tpu.memref_slice %arg5[%dma_start3A_55, %dma_start3A_56] : memref<8x128xi32, #tpu.memory_space<vmem>> -> memref<1x128xi32, #tpu.memory_space<vmem>>
    %dma_start3A_58 = tpu.memref_squeeze %dma_start3A_57 : memref<1x128xi32, #tpu.memory_space<vmem>> -> memref<128xi32, #tpu.memory_space<vmem>>
    %dma_start3A_59 = arith.constant 0 : i32
    %dma_start3A_60 = arith.constant 0 : i32
    %dma_start3A_61 = tpu.memref_slice %arg2[%dma_start3A_59, %dma_start3A_60] : memref<2048x128xf32, #tpu.memory_space<hbm>> -> memref<2048x128xf32, #tpu.memory_space<hbm>>
    tpu.enqueue_indirect_dma source(%dma_start3A_61 : memref<2048x128xf32, #tpu.memory_space<hbm>>) target(%arg9 : memref<128x128xf32, #tpu.memory_space<vmem>>) offsets(%dma_start3A_58 : memref<128xi32, #tpu.memory_space<vmem>>) semaphore(%arg13 : memref<!tpu.dma_semaphore, #tpu.memory_space<semaphore_mem>>)
    %dma_wait3A_62 = arith.constant 2 : i32
    %dma_wait3A_63 = arith.constant 0 : i32
    %dma_wait3A_64 = tpu.memref_slice %arg5[%dma_wait3A_62, %dma_wait3A_63] : memref<8x128xi32, #tpu.memory_space<vmem>> -> memref<1x128xi32, #tpu.memory_space<vmem>>
    %dma_wait3A_65 = tpu.memref_squeeze %dma_wait3A_64 : memref<1x128xi32, #tpu.memory_space<vmem>> -> memref<128xi32, #tpu.memory_space<vmem>>
    %dma_wait3A_66 = arith.constant 0 : i32
    %dma_wait3A_67 = arith.constant 0 : i32
    %dma_wait3A_68 = tpu.memref_slice %arg2[%dma_wait3A_66, %dma_wait3A_67] : memref<2048x128xf32, #tpu.memory_space<hbm>> -> memref<2048x128xf32, #tpu.memory_space<hbm>>
    tpu.wait_indirect_dma semaphore(%arg12 : memref<!tpu.dma_semaphore, #tpu.memory_space<semaphore_mem>>) src(%dma_wait3A_68 : memref<2048x128xf32, #tpu.memory_space<hbm>>) dst(%arg8 : memref<128x128xf32, #tpu.memory_space<vmem>>)
    %add3A_69 = arith.constant 3 : i32
    %add3A_70 = arith.addi %mul3A_2, %add3A_69 : i32
    %sub3A_71 = arith.constant 1 : i32
    %sub3A_72 = arith.subi %add3A_70, %sub3A_71 : i32
    %mul3A_73 = arith.constant 128 : i32
    %mul3A_74 = arith.muli %sub3A_72, %mul3A_73 : i32
    %dma_start3A_75 = arith.constant 0 : i32
    %dma_start3A_76 = tpu.memref_slice %arg4[%mul3A_74, %dma_start3A_75] : memref<32768x128xf32, #tpu.memory_space<hbm>> -> memref<128x128xf32, #tpu.memory_space<hbm>>
    %dma_start3A_77 = arith.constant 0 : i32
    %dma_start3A_78 = tpu.memref_slice %arg4[%mul3A_74, %dma_start3A_77] : memref<32768x128xf32, #tpu.memory_space<hbm>> -> memref<128x128xf32, #tpu.memory_space<hbm>>
    tpu.enqueue_dma source(%arg8 : memref<128x128xf32, #tpu.memory_space<vmem>>) target(%dma_start3A_78 : memref<128x128xf32, #tpu.memory_space<hbm>>) target_semaphore(%arg16 : memref<!tpu.dma_semaphore, #tpu.memory_space<semaphore_mem>>)
    %dma_wait3A_79 = arith.constant 0 : i32
    %dma_wait3A_80 = tpu.memref_slice %arg4[%mul3A_26, %dma_wait3A_79] : memref<32768x128xf32, #tpu.memory_space<hbm>> -> memref<128x128xf32, #tpu.memory_space<hbm>>
    %dma_wait3A_81 = arith.constant 0 : i32
    %dma_wait3A_82 = tpu.memref_slice %arg4[%mul3A_26, %dma_wait3A_81] : memref<32768x128xf32, #tpu.memory_space<hbm>> -> memref<128x128xf32, #tpu.memory_space<hbm>>
    tpu.wait_dma2 semaphore(%arg14 : memref<!tpu.dma_semaphore, #tpu.memory_space<semaphore_mem>>) src(%arg6 : memref<128x128xf32, #tpu.memory_space<vmem>>) dst(%dma_wait3A_82 : memref<128x128xf32, #tpu.memory_space<hbm>>)
    %dma_start3A_83 = arith.constant 4 : i32
    %dma_start3A_84 = arith.constant 0 : i32
    %dma_start3A_85 = tpu.memref_slice %arg5[%dma_start3A_83, %dma_start3A_84] : memref<8x128xi32, #tpu.memory_space<vmem>> -> memref<1x128xi32, #tpu.memory_space<vmem>>
    %dma_start3A_86 = tpu.memref_squeeze %dma_start3A_85 : memref<1x128xi32, #tpu.memory_space<vmem>> -> memref<128xi32, #tpu.memory_space<vmem>>
    %dma_start3A_87 = arith.constant 0 : i32
    %dma_start3A_88 = arith.constant 0 : i32
    %dma_start3A_89 = tpu.memref_slice %arg2[%dma_start3A_87, %dma_start3A_88] : memref<2048x128xf32, #tpu.memory_space<hbm>> -> memref<2048x128xf32, #tpu.memory_space<hbm>>
    tpu.enqueue_indirect_dma source(%dma_start3A_89 : memref<2048x128xf32, #tpu.memory_space<hbm>>) target(%arg6 : memref<128x128xf32, #tpu.memory_space<vmem>>) offsets(%dma_start3A_86 : memref<128xi32, #tpu.memory_space<vmem>>) semaphore(%arg10 : memref<!tpu.dma_semaphore, #tpu.memory_space<semaphore_mem>>)
    %dma_wait3A_90 = arith.constant 3 : i32
    %dma_wait3A_91 = arith.constant 0 : i32
    %dma_wait3A_92 = tpu.memref_slice %arg5[%dma_wait3A_90, %dma_wait3A_91] : memref<8x128xi32, #tpu.memory_space<vmem>> -> memref<1x128xi32, #tpu.memory_space<vmem>>
    %dma_wait3A_93 = tpu.memref_squeeze %dma_wait3A_92 : memref<1x128xi32, #tpu.memory_space<vmem>> -> memref<128xi32, #tpu.memory_space<vmem>>
    %dma_wait3A_94 = arith.constant 0 : i32
    %dma_wait3A_95 = arith.constant 0 : i32
    %dma_wait3A_96 = tpu.memref_slice %arg2[%dma_wait3A_94, %dma_wait3A_95] : memref<2048x128xf32, #tpu.memory_space<hbm>> -> memref<2048x128xf32, #tpu.memory_space<hbm>>
    tpu.wait_indirect_dma semaphore(%arg13 : memref<!tpu.dma_semaphore, #tpu.memory_space<semaphore_mem>>) src(%dma_wait3A_96 : memref<2048x128xf32, #tpu.memory_space<hbm>>) dst(%arg9 : memref<128x128xf32, #tpu.memory_space<vmem>>)
    %add3A_97 = arith.constant 4 : i32
    %add3A_98 = arith.addi %mul3A_2, %add3A_97 : i32
    %sub3A_99 = arith.constant 1 : i32
    %sub3A_100 = arith.subi %add3A_98, %sub3A_99 : i32
    %mul3A_101 = arith.constant 128 : i32
    %mul3A_102 = arith.muli %sub3A_100, %mul3A_101 : i32
    %dma_start3A_103 = arith.constant 0 : i32
    %dma_start3A_104 = tpu.memref_slice %arg4[%mul3A_102, %dma_start3A_103] : memref<32768x128xf32, #tpu.memory_space<hbm>> -> memref<128x128xf32, #tpu.memory_space<hbm>>
    %dma_start3A_105 = arith.constant 0 : i32
    %dma_start3A_106 = tpu.memref_slice %arg4[%mul3A_102, %dma_start3A_105] : memref<32768x128xf32, #tpu.memory_space<hbm>> -> memref<128x128xf32, #tpu.memory_space<hbm>>
    tpu.enqueue_dma source(%arg9 : memref<128x128xf32, #tpu.memory_space<vmem>>) target(%dma_start3A_106 : memref<128x128xf32, #tpu.memory_space<hbm>>) target_semaphore(%arg17 : memref<!tpu.dma_semaphore, #tpu.memory_space<semaphore_mem>>)
    %dma_wait3A_107 = arith.constant 0 : i32
    %dma_wait3A_108 = tpu.memref_slice %arg4[%mul3A_50, %dma_wait3A_107] : memref<32768x128xf32, #tpu.memory_space<hbm>> -> memref<128x128xf32, #tpu.memory_space<hbm>>
    %dma_wait3A_109 = arith.constant 0 : i32
    %dma_wait3A_110 = tpu.memref_slice %arg4[%mul3A_50, %dma_wait3A_109] : memref<32768x128xf32, #tpu.memory_space<hbm>> -> memref<128x128xf32, #tpu.memory_space<hbm>>
    tpu.wait_dma2 semaphore(%arg15 : memref<!tpu.dma_semaphore, #tpu.memory_space<semaphore_mem>>) src(%arg7 : memref<128x128xf32, #tpu.memory_space<vmem>>) dst(%dma_wait3A_110 : memref<128x128xf32, #tpu.memory_space<hbm>>)
    %dma_start3A_111 = arith.constant 5 : i32
    %dma_start3A_112 = arith.constant 0 : i32
    %dma_start3A_113 = tpu.memref_slice %arg5[%dma_start3A_111, %dma_start3A_112] : memref<8x128xi32, #tpu.memory_space<vmem>> -> memref<1x128xi32, #tpu.memory_space<vmem>>
    %dma_start3A_114 = tpu.memref_squeeze %dma_start3A_113 : memref<1x128xi32, #tpu.memory_space<vmem>> -> memref<128xi32, #tpu.memory_space<vmem>>
    %dma_start3A_115 = arith.constant 0 : i32
    %dma_start3A_116 = arith.constant 0 : i32
    %dma_start3A_117 = tpu.memref_slice %arg2[%dma_start3A_115, %dma_start3A_116] : memref<2048x128xf32, #tpu.memory_space<hbm>> -> memref<2048x128xf32, #tpu.memory_space<hbm>>
    tpu.enqueue_indirect_dma source(%dma_start3A_117 : memref<2048x128xf32, #tpu.memory_space<hbm>>) target(%arg7 : memref<128x128xf32, #tpu.memory_space<vmem>>) offsets(%dma_start3A_114 : memref<128xi32, #tpu.memory_space<vmem>>) semaphore(%arg11 : memref<!tpu.dma_semaphore, #tpu.memory_space<semaphore_mem>>)
    %dma_wait3A_118 = arith.constant 4 : i32
    %dma_wait3A_119 = arith.constant 0 : i32
    %dma_wait3A_120 = tpu.memref_slice %arg5[%dma_wait3A_118, %dma_wait3A_119] : memref<8x128xi32, #tpu.memory_space<vmem>> -> memref<1x128xi32, #tpu.memory_space<vmem>>
    %dma_wait3A_121 = tpu.memref_squeeze %dma_wait3A_120 : memref<1x128xi32, #tpu.memory_space<vmem>> -> memref<128xi32, #tpu.memory_space<vmem>>
    %dma_wait3A_122 = arith.constant 0 : i32
    %dma_wait3A_123 = arith.constant 0 : i32
    %dma_wait3A_124 = tpu.memref_slice %arg2[%dma_wait3A_122, %dma_wait3A_123] : memref<2048x128xf32, #tpu.memory_space<hbm>> -> memref<2048x128xf32, #tpu.memory_space<hbm>>
    tpu.wait_indirect_dma semaphore(%arg10 : memref<!tpu.dma_semaphore, #tpu.memory_space<semaphore_mem>>) src(%dma_wait3A_124 : memref<2048x128xf32, #tpu.memory_space<hbm>>) dst(%arg6 : memref<128x128xf32, #tpu.memory_space<vmem>>)
    %add3A_125 = arith.constant 5 : i32
    %add3A_126 = arith.addi %mul3A_2, %add3A_125 : i32
    %sub3A_127 = arith.constant 1 : i32
    %sub3A_128 = arith.subi %add3A_126, %sub3A_127 : i32
    %mul3A_129 = arith.constant 128 : i32
    %mul3A_130 = arith.muli %sub3A_128, %mul3A_129 : i32
    %dma_start3A_131 = arith.constant 0 : i32
    %dma_start3A_132 = tpu.memref_slice %arg4[%mul3A_130, %dma_start3A_131] : memref<32768x128xf32, #tpu.memory_space<hbm>> -> memref<128x128xf32, #tpu.memory_space<hbm>>
    %dma_start3A_133 = arith.constant 0 : i32
    %dma_start3A_134 = tpu.memref_slice %arg4[%mul3A_130, %dma_start3A_133] : memref<32768x128xf32, #tpu.memory_space<hbm>> -> memref<128x128xf32, #tpu.memory_space<hbm>>
    tpu.enqueue_dma source(%arg6 : memref<128x128xf32, #tpu.memory_space<vmem>>) target(%dma_start3A_134 : memref<128x128xf32, #tpu.memory_space<hbm>>) target_semaphore(%arg14 : memref<!tpu.dma_semaphore, #tpu.memory_space<semaphore_mem>>)
    %dma_wait3A_135 = arith.constant 0 : i32
    %dma_wait3A_136 = tpu.memref_slice %arg4[%mul3A_74, %dma_wait3A_135] : memref<32768x128xf32, #tpu.memory_space<hbm>> -> memref<128x128xf32, #tpu.memory_space<hbm>>
    %dma_wait3A_137 = arith.constant 0 : i32
    %dma_wait3A_138 = tpu.memref_slice %arg4[%mul3A_74, %dma_wait3A_137] : memref<32768x128xf32, #tpu.memory_space<hbm>> -> memref<128x128xf32, #tpu.memory_space<hbm>>
    tpu.wait_dma2 semaphore(%arg16 : memref<!tpu.dma_semaphore, #tpu.memory_space<semaphore_mem>>) src(%arg8 : memref<128x128xf32, #tpu.memory_space<vmem>>) dst(%dma_wait3A_138 : memref<128x128xf32, #tpu.memory_space<hbm>>)
    %dma_start3A_139 = arith.constant 6 : i32
    %dma_start3A_140 = arith.constant 0 : i32
    %dma_start3A_141 = tpu.memref_slice %arg5[%dma_start3A_139, %dma_start3A_140] : memref<8x128xi32, #tpu.memory_space<vmem>> -> memref<1x128xi32, #tpu.memory_space<vmem>>
    %dma_start3A_142 = tpu.memref_squeeze %dma_start3A_141 : memref<1x128xi32, #tpu.memory_space<vmem>> -> memref<128xi32, #tpu.memory_space<vmem>>
    %dma_start3A_143 = arith.constant 0 : i32
    %dma_start3A_144 = arith.constant 0 : i32
    %dma_start3A_145 = tpu.memref_slice %arg2[%dma_start3A_143, %dma_start3A_144] : memref<2048x128xf32, #tpu.memory_space<hbm>> -> memref<2048x128xf32, #tpu.memory_space<hbm>>
    tpu.enqueue_indirect_dma source(%dma_start3A_145 : memref<2048x128xf32, #tpu.memory_space<hbm>>) target(%arg8 : memref<128x128xf32, #tpu.memory_space<vmem>>) offsets(%dma_start3A_142 : memref<128xi32, #tpu.memory_space<vmem>>) semaphore(%arg12 : memref<!tpu.dma_semaphore, #tpu.memory_space<semaphore_mem>>)
    %dma_wait3A_146 = arith.constant 5 : i32
    %dma_wait3A_147 = arith.constant 0 : i32
    %dma_wait3A_148 = tpu.memref_slice %arg5[%dma_wait3A_146, %dma_wait3A_147] : memref<8x128xi32, #tpu.memory_space<vmem>> -> memref<1x128xi32, #tpu.memory_space<vmem>>
    %dma_wait3A_149 = tpu.memref_squeeze %dma_wait3A_148 : memref<1x128xi32, #tpu.memory_space<vmem>> -> memref<128xi32, #tpu.memory_space<vmem>>
    %dma_wait3A_150 = arith.constant 0 : i32
    %dma_wait3A_151 = arith.constant 0 : i32
    %dma_wait3A_152 = tpu.memref_slice %arg2[%dma_wait3A_150, %dma_wait3A_151] : memref<2048x128xf32, #tpu.memory_space<hbm>> -> memref<2048x128xf32, #tpu.memory_space<hbm>>
    tpu.wait_indirect_dma semaphore(%arg11 : memref<!tpu.dma_semaphore, #tpu.memory_space<semaphore_mem>>) src(%dma_wait3A_152 : memref<2048x128xf32, #tpu.memory_space<hbm>>) dst(%arg7 : memref<128x128xf32, #tpu.memory_space<vmem>>)
    %add3A_153 = arith.constant 6 : i32
    %add3A_154 = arith.addi %mul3A_2, %add3A_153 : i32
    %sub3A_155 = arith.constant 1 : i32
    %sub3A_156 = arith.subi %add3A_154, %sub3A_155 : i32
    %mul3A_157 = arith.constant 128 : i32
    %mul3A_158 = arith.muli %sub3A_156, %mul3A_157 : i32
    %dma_start3A_159 = arith.constant 0 : i32
    %dma_start3A_160 = tpu.memref_slice %arg4[%mul3A_158, %dma_start3A_159] : memref<32768x128xf32, #tpu.memory_space<hbm>> -> memref<128x128xf32, #tpu.memory_space<hbm>>
    %dma_start3A_161 = arith.constant 0 : i32
    %dma_start3A_162 = tpu.memref_slice %arg4[%mul3A_158, %dma_start3A_161] : memref<32768x128xf32, #tpu.memory_space<hbm>> -> memref<128x128xf32, #tpu.memory_space<hbm>>
    tpu.enqueue_dma source(%arg7 : memref<128x128xf32, #tpu.memory_space<vmem>>) target(%dma_start3A_162 : memref<128x128xf32, #tpu.memory_space<hbm>>) target_semaphore(%arg15 : memref<!tpu.dma_semaphore, #tpu.memory_space<semaphore_mem>>)
    %dma_wait3A_163 = arith.constant 0 : i32
    %dma_wait3A_164 = tpu.memref_slice %arg4[%mul3A_102, %dma_wait3A_163] : memref<32768x128xf32, #tpu.memory_space<hbm>> -> memref<128x128xf32, #tpu.memory_space<hbm>>
    %dma_wait3A_165 = arith.constant 0 : i32
    %dma_wait3A_166 = tpu.memref_slice %arg4[%mul3A_102, %dma_wait3A_165] : memref<32768x128xf32, #tpu.memory_space<hbm>> -> memref<128x128xf32, #tpu.memory_space<hbm>>
    tpu.wait_dma2 semaphore(%arg17 : memref<!tpu.dma_semaphore, #tpu.memory_space<semaphore_mem>>) src(%arg9 : memref<128x128xf32, #tpu.memory_space<vmem>>) dst(%dma_wait3A_166 : memref<128x128xf32, #tpu.memory_space<hbm>>)
    %dma_start3A_167 = arith.constant 7 : i32
    %dma_start3A_168 = arith.constant 0 : i32
    %dma_start3A_169 = tpu.memref_slice %arg5[%dma_start3A_167, %dma_start3A_168] : memref<8x128xi32, #tpu.memory_space<vmem>> -> memref<1x128xi32, #tpu.memory_space<vmem>>
    %dma_start3A_170 = tpu.memref_squeeze %dma_start3A_169 : memref<1x128xi32, #tpu.memory_space<vmem>> -> memref<128xi32, #tpu.memory_space<vmem>>
    %dma_start3A_171 = arith.constant 0 : i32
    %dma_start3A_172 = arith.constant 0 : i32
    %dma_start3A_173 = tpu.memref_slice %arg2[%dma_start3A_171, %dma_start3A_172] : memref<2048x128xf32, #tpu.memory_space<hbm>> -> memref<2048x128xf32, #tpu.memory_space<hbm>>
    tpu.enqueue_indirect_dma source(%dma_start3A_173 : memref<2048x128xf32, #tpu.memory_space<hbm>>) target(%arg9 : memref<128x128xf32, #tpu.memory_space<vmem>>) offsets(%dma_start3A_170 : memref<128xi32, #tpu.memory_space<vmem>>) semaphore(%arg13 : memref<!tpu.dma_semaphore, #tpu.memory_space<semaphore_mem>>)
    %dma_wait3A_174 = arith.constant 6 : i32
    %dma_wait3A_175 = arith.constant 0 : i32
    %dma_wait3A_176 = tpu.memref_slice %arg5[%dma_wait3A_174, %dma_wait3A_175] : memref<8x128xi32, #tpu.memory_space<vmem>> -> memref<1x128xi32, #tpu.memory_space<vmem>>
    %dma_wait3A_177 = tpu.memref_squeeze %dma_wait3A_176 : memref<1x128xi32, #tpu.memory_space<vmem>> -> memref<128xi32, #tpu.memory_space<vmem>>
    %dma_wait3A_178 = arith.constant 0 : i32
    %dma_wait3A_179 = arith.constant 0 : i32
    %dma_wait3A_180 = tpu.memref_slice %arg2[%dma_wait3A_178, %dma_wait3A_179] : memref<2048x128xf32, #tpu.memory_space<hbm>> -> memref<2048x128xf32, #tpu.memory_space<hbm>>
    tpu.wait_indirect_dma semaphore(%arg12 : memref<!tpu.dma_semaphore, #tpu.memory_space<semaphore_mem>>) src(%dma_wait3A_180 : memref<2048x128xf32, #tpu.memory_space<hbm>>) dst(%arg8 : memref<128x128xf32, #tpu.memory_space<vmem>>)
    %add3A_181 = arith.constant 7 : i32
    %add3A_182 = arith.addi %mul3A_2, %add3A_181 : i32
    %sub3A_183 = arith.constant 1 : i32
    %sub3A_184 = arith.subi %add3A_182, %sub3A_183 : i32
    %mul3A_185 = arith.constant 128 : i32
    %mul3A_186 = arith.muli %sub3A_184, %mul3A_185 : i32
    %dma_start3A_187 = arith.constant 0 : i32
    %dma_start3A_188 = tpu.memref_slice %arg4[%mul3A_186, %dma_start3A_187] : memref<32768x128xf32, #tpu.memory_space<hbm>> -> memref<128x128xf32, #tpu.memory_space<hbm>>
    %dma_start3A_189 = arith.constant 0 : i32
    %dma_start3A_190 = tpu.memref_slice %arg4[%mul3A_186, %dma_start3A_189] : memref<32768x128xf32, #tpu.memory_space<hbm>> -> memref<128x128xf32, #tpu.memory_space<hbm>>
    tpu.enqueue_dma source(%arg8 : memref<128x128xf32, #tpu.memory_space<vmem>>) target(%dma_start3A_190 : memref<128x128xf32, #tpu.memory_space<hbm>>) target_semaphore(%arg16 : memref<!tpu.dma_semaphore, #tpu.memory_space<semaphore_mem>>)
    %dma_wait3A_191 = arith.constant 7 : i32
    %dma_wait3A_192 = arith.constant 0 : i32
    %dma_wait3A_193 = tpu.memref_slice %arg5[%dma_wait3A_191, %dma_wait3A_192] : memref<8x128xi32, #tpu.memory_space<vmem>> -> memref<1x128xi32, #tpu.memory_space<vmem>>
    %dma_wait3A_194 = tpu.memref_squeeze %dma_wait3A_193 : memref<1x128xi32, #tpu.memory_space<vmem>> -> memref<128xi32, #tpu.memory_space<vmem>>
    %dma_wait3A_195 = arith.constant 0 : i32
    %dma_wait3A_196 = arith.constant 0 : i32
    %dma_wait3A_197 = tpu.memref_slice %arg2[%dma_wait3A_195, %dma_wait3A_196] : memref<2048x128xf32, #tpu.memory_space<hbm>> -> memref<2048x128xf32, #tpu.memory_space<hbm>>
    tpu.wait_indirect_dma semaphore(%arg13 : memref<!tpu.dma_semaphore, #tpu.memory_space<semaphore_mem>>) src(%dma_wait3A_197 : memref<2048x128xf32, #tpu.memory_space<hbm>>) dst(%arg9 : memref<128x128xf32, #tpu.memory_space<vmem>>)
    %add3A_198 = arith.constant 8 : i32
    %add3A_199 = arith.addi %mul3A_2, %add3A_198 : i32
    %sub3A_200 = arith.constant 1 : i32
    %sub3A_201 = arith.subi %add3A_199, %sub3A_200 : i32
    %mul3A_202 = arith.constant 128 : i32
    %mul3A_203 = arith.muli %sub3A_201, %mul3A_202 : i32
    %dma_start3A_204 = arith.constant 0 : i32
    %dma_start3A_205 = tpu.memref_slice %arg4[%mul3A_203, %dma_start3A_204] : memref<32768x128xf32, #tpu.memory_space<hbm>> -> memref<128x128xf32, #tpu.memory_space<hbm>>
    %dma_start3A_206 = arith.constant 0 : i32
    %dma_start3A_207 = tpu.memref_slice %arg4[%mul3A_203, %dma_start3A_206] : memref<32768x128xf32, #tpu.memory_space<hbm>> -> memref<128x128xf32, #tpu.memory_space<hbm>>
    tpu.enqueue_dma source(%arg9 : memref<128x128xf32, #tpu.memory_space<vmem>>) target(%dma_start3A_207 : memref<128x128xf32, #tpu.memory_space<hbm>>) target_semaphore(%arg17 : memref<!tpu.dma_semaphore, #tpu.memory_space<semaphore_mem>>)
    %dma_wait3A_208 = arith.constant 0 : i32
    %dma_wait3A_209 = tpu.memref_slice %arg4[%mul3A_130, %dma_wait3A_208] : memref<32768x128xf32, #tpu.memory_space<hbm>> -> memref<128x128xf32, #tpu.memory_space<hbm>>
    %dma_wait3A_210 = arith.constant 0 : i32
    %dma_wait3A_211 = tpu.memref_slice %arg4[%mul3A_130, %dma_wait3A_210] : memref<32768x128xf32, #tpu.memory_space<hbm>> -> memref<128x128xf32, #tpu.memory_space<hbm>>
    tpu.wait_dma2 semaphore(%arg14 : memref<!tpu.dma_semaphore, #tpu.memory_space<semaphore_mem>>) src(%arg6 : memref<128x128xf32, #tpu.memory_space<vmem>>) dst(%dma_wait3A_211 : memref<128x128xf32, #tpu.memory_space<hbm>>)
    %dma_wait3A_212 = arith.constant 0 : i32
    %dma_wait3A_213 = tpu.memref_slice %arg4[%mul3A_158, %dma_wait3A_212] : memref<32768x128xf32, #tpu.memory_space<hbm>> -> memref<128x128xf32, #tpu.memory_space<hbm>>
    %dma_wait3A_214 = arith.constant 0 : i32
    %dma_wait3A_215 = tpu.memref_slice %arg4[%mul3A_158, %dma_wait3A_214] : memref<32768x128xf32, #tpu.memory_space<hbm>> -> memref<128x128xf32, #tpu.memory_space<hbm>>
    tpu.wait_dma2 semaphore(%arg15 : memref<!tpu.dma_semaphore, #tpu.memory_space<semaphore_mem>>) src(%arg7 : memref<128x128xf32, #tpu.memory_space<vmem>>) dst(%dma_wait3A_215 : memref<128x128xf32, #tpu.memory_space<hbm>>)
    %dma_wait3A_216 = arith.constant 0 : i32
    %dma_wait3A_217 = tpu.memref_slice %arg4[%mul3A_186, %dma_wait3A_216] : memref<32768x128xf32, #tpu.memory_space<hbm>> -> memref<128x128xf32, #tpu.memory_space<hbm>>
    %dma_wait3A_218 = arith.constant 0 : i32
    %dma_wait3A_219 = tpu.memref_slice %arg4[%mul3A_186, %dma_wait3A_218] : memref<32768x128xf32, #tpu.memory_space<hbm>> -> memref<128x128xf32, #tpu.memory_space<hbm>>
    tpu.wait_dma2 semaphore(%arg16 : memref<!tpu.dma_semaphore, #tpu.memory_space<semaphore_mem>>) src(%arg8 : memref<128x128xf32, #tpu.memory_space<vmem>>) dst(%dma_wait3A_219 : memref<128x128xf32, #tpu.memory_space<hbm>>)
    %dma_wait3A_220 = arith.constant 0 : i32
    %dma_wait3A_221 = tpu.memref_slice %arg4[%mul3A_203, %dma_wait3A_220] : memref<32768x128xf32, #tpu.memory_space<hbm>> -> memref<128x128xf32, #tpu.memory_space<hbm>>
    %dma_wait3A_222 = arith.constant 0 : i32
    %dma_wait3A_223 = tpu.memref_slice %arg4[%mul3A_203, %dma_wait3A_222] : memref<32768x128xf32, #tpu.memory_space<hbm>> -> memref<128x128xf32, #tpu.memory_space<hbm>>
    tpu.wait_dma2 semaphore(%arg17 : memref<!tpu.dma_semaphore, #tpu.memory_space<semaphore_mem>>) src(%arg9 : memref<128x128xf32, #tpu.memory_space<vmem>>) dst(%dma_wait3A_223 : memref<128x128xf32, #tpu.memory_space<hbm>>)
    return
  }
}

#map = affine_map<(d0, d1) -> (0, 0)>
module attributes {stable_mosaic.version = 14 : i64} {
  func.func @gather(%arg0: i32, %arg1: i32, %arg2: memref<2048x128xf32, #tpu.memory_space<hbm>>, %arg3: memref<256x128xi32, #tpu.memory_space<hbm>>, %arg4: memref<32768x128xf32, #tpu.memory_space<hbm>>, %arg5: memref<8x128xi32, #tpu.memory_space<vmem>>, %arg6: memref<128x128xf32, #tpu.memory_space<vmem>>, %arg7: memref<128x128xf32, #tpu.memory_space<vmem>>, %arg8: memref<128x128xf32, #tpu.memory_space<vmem>>, %arg9: memref<128x128xf32, #tpu.memory_space<vmem>>, %arg10: memref<!tpu.dma_semaphore, #tpu.memory_space<semaphore_mem>>, %arg11: memref<!tpu.dma_semaphore, #tpu.memory_space<semaphore_mem>>, %arg12: memref<!tpu.dma_semaphore, #tpu.memory_space<semaphore_mem>>, %arg13: memref<!tpu.dma_semaphore, #tpu.memory_space<semaphore_mem>>, %arg14: memref<!tpu.dma_semaphore, #tpu.memory_space<semaphore_mem>>, %arg15: memref<!tpu.dma_semaphore, #tpu.memory_space<semaphore_mem>>, %arg16: memref<!tpu.dma_semaphore, #tpu.memory_space<semaphore_mem>>, %arg17: memref<!tpu.dma_semaphore, #tpu.memory_space<semaphore_mem>>) attributes {dimension_semantics = [#tpu.dimension_semantics<core_parallel>, #tpu.dimension_semantics<subcore_parallel>], iteration_bounds = array<i64: 2, 16>, scalar_prefetch = 0 : i64, scratch_operands = 13 : i64, tpu.core_type = #tpu.core_type<sc_vector_subcore>, window_params = [{transform_indices = #map}, {transform_indices = #map}, {transform_indices = #map}]} {
    %mul3A = arith.constant 2 : i32
    %mul3A_0 = arith.muli %arg1, %mul3A : i32
    %add3A = arith.addi %mul3A_0, %arg0 : i32
    %mul3A_1 = arith.constant 8 : i32
    %mul3A_2 = arith.muli %add3A, %mul3A_1 : i32
    "tpu.region"() ({
      %run_scoped3A = tpu.sem_alloc : memref<!tpu.dma_semaphore, #tpu.memory_space<semaphore_mem>>
      %dma_start3A_224 = arith.constant 0 : i32
      %dma_start3A_225 = tpu.memref_slice %arg3[%mul3A_2, %dma_start3A_224] : memref<256x128xi32, #tpu.memory_space<hbm>> -> memref<8x128xi32, #tpu.memory_space<hbm>>
      %dma_start3A_226 = arith.constant 0 : i32
      %dma_start3A_227 = tpu.memref_slice %arg3[%mul3A_2, %dma_start3A_226] : memref<256x128xi32, #tpu.memory_space<hbm>> -> memref<8x128xi32, #tpu.memory_space<hbm>>
      tpu.enqueue_dma source(%dma_start3A_227 : memref<8x128xi32, #tpu.memory_space<hbm>>) target(%arg5 : memref<8x128xi32, #tpu.memory_space<vmem>>) target_semaphore(%run_scoped3A : memref<!tpu.dma_semaphore, #tpu.memory_space<semaphore_mem>>)
      %dma_wait3A_228 = arith.constant 0 : i32
      %dma_wait3A_229 = tpu.memref_slice %arg3[%mul3A_2, %dma_wait3A_228] : memref<256x128xi32, #tpu.memory_space<hbm>> -> memref<8x128xi32, #tpu.memory_space<hbm>>
      %dma_wait3A_230 = arith.constant 0 : i32
      %dma_wait3A_231 = tpu.memref_slice %arg3[%mul3A_2, %dma_wait3A_230] : memref<256x128xi32, #tpu.memory_space<hbm>> -> memref<8x128xi32, #tpu.memory_space<hbm>>
      tpu.wait_dma2 semaphore(%run_scoped3A : memref<!tpu.dma_semaphore, #tpu.memory_space<semaphore_mem>>) src(%dma_wait3A_231 : memref<8x128xi32, #tpu.memory_space<hbm>>) dst(%arg5 : memref<8x128xi32, #tpu.memory_space<vmem>>)
      tpu.yield
    }) : () -> ()
    %dma_start3A = arith.constant 0 : i32
    %dma_start3A_3 = arith.constant 0 : i32
    %dma_start3A_4 = tpu.memref_slice %arg5[%dma_start3A, %dma_start3A_3] : memref<8x128xi32, #tpu.memory_space<vmem>> -> memref<1x128xi32, #tpu.memory_space<vmem>>
    %dma_start3A_5 = tpu.memref_squeeze %dma_start3A_4 : memref<1x128xi32, #tpu.memory_space<vmem>> -> memref<128xi32, #tpu.memory_space<vmem>>
    %dma_start3A_6 = arith.constant 0 : i32
    %dma_start3A_7 = arith.constant 0 : i32
    %dma_start3A_8 = tpu.memref_slice %arg2[%dma_start3A_6, %dma_start3A_7] : memref<2048x128xf32, #tpu.memory_space<hbm>> -> memref<2048x128xf32, #tpu.memory_space<hbm>>
    tpu.enqueue_indirect_dma source(%dma_start3A_8 : memref<2048x128xf32, #tpu.memory_space<hbm>>) target(%arg6 : memref<128x128xf32, #tpu.memory_space<vmem>>) offsets(%dma_start3A_5 : memref<128xi32, #tpu.memory_space<vmem>>) semaphore(%arg10 : memref<!tpu.dma_semaphore, #tpu.memory_space<semaphore_mem>>)
    %dma_start3A_9 = arith.constant 1 : i32
    %dma_start3A_10 = arith.constant 0 : i32
    %dma_start3A_11 = tpu.memref_slice %arg5[%dma_start3A_9, %dma_start3A_10] : memref<8x128xi32, #tpu.memory_space<vmem>> -> memref<1x128xi32, #tpu.memory_space<vmem>>
    %dma_start3A_12 = tpu.memref_squeeze %dma_start3A_11 : memref<1x128xi32, #tpu.memory_space<vmem>> -> memref<128xi32, #tpu.memory_space<vmem>>
    %dma_start3A_13 = arith.constant 0 : i32
    %dma_start3A_14 = arith.constant 0 : i32
    %dma_start3A_15 = tpu.memref_slice %arg2[%dma_start3A_13, %dma_start3A_14] : memref<2048x128xf32, #tpu.memory_space<hbm>> -> memref<2048x128xf32, #tpu.memory_space<hbm>>
    tpu.enqueue_indirect_dma source(%dma_start3A_15 : memref<2048x128xf32, #tpu.memory_space<hbm>>) target(%arg7 : memref<128x128xf32, #tpu.memory_space<vmem>>) offsets(%dma_start3A_12 : memref<128xi32, #tpu.memory_space<vmem>>) semaphore(%arg11 : memref<!tpu.dma_semaphore, #tpu.memory_space<semaphore_mem>>)
    %dma_wait3A = arith.constant 0 : i32
    %dma_wait3A_16 = arith.constant 0 : i32
    %dma_wait3A_17 = tpu.memref_slice %arg5[%dma_wait3A, %dma_wait3A_16] : memref<8x128xi32, #tpu.memory_space<vmem>> -> memref<1x128xi32, #tpu.memory_space<vmem>>
    %dma_wait3A_18 = tpu.memref_squeeze %dma_wait3A_17 : memref<1x128xi32, #tpu.memory_space<vmem>> -> memref<128xi32, #tpu.memory_space<vmem>>
    %dma_wait3A_19 = arith.constant 0 : i32
    %dma_wait3A_20 = arith.constant 0 : i32
    %dma_wait3A_21 = tpu.memref_slice %arg2[%dma_wait3A_19, %dma_wait3A_20] : memref<2048x128xf32, #tpu.memory_space<hbm>> -> memref<2048x128xf32, #tpu.memory_space<hbm>>
    tpu.wait_indirect_dma semaphore(%arg10 : memref<!tpu.dma_semaphore, #tpu.memory_space<semaphore_mem>>) src(%dma_wait3A_21 : memref<2048x128xf32, #tpu.memory_space<hbm>>) dst(%arg6 : memref<128x128xf32, #tpu.memory_space<vmem>>)
    %add3A_22 = arith.constant 1 : i32
    %add3A_23 = arith.addi %mul3A_2, %add3A_22 : i32
    %sub3A = arith.constant 1 : i32
    %sub3A_24 = arith.subi %add3A_23, %sub3A : i32
    %mul3A_25 = arith.constant 128 : i32
    %mul3A_26 = arith.muli %sub3A_24, %mul3A_25 : i32
    %dma_start3A_27 = arith.constant 0 : i32
    %dma_start3A_28 = tpu.memref_slice %arg4[%mul3A_26, %dma_start3A_27] : memref<32768x128xf32, #tpu.memory_space<hbm>> -> memref<128x128xf32, #tpu.memory_space<hbm>>
    %dma_start3A_29 = arith.constant 0 : i32
    %dma_start3A_30 = tpu.memref_slice %arg4[%mul3A_26, %dma_start3A_29] : memref<32768x128xf32, #tpu.memory_space<hbm>> -> memref<128x128xf32, #tpu.memory_space<hbm>>
    tpu.enqueue_dma source(%arg6 : memref<128x128xf32, #tpu.memory_space<vmem>>) target(%dma_start3A_30 : memref<128x128xf32, #tpu.memory_space<hbm>>) target_semaphore(%arg14 : memref<!tpu.dma_semaphore, #tpu.memory_space<semaphore_mem>>)
    %dma_start3A_31 = arith.constant 2 : i32
    %dma_start3A_32 = arith.constant 0 : i32
    %dma_start3A_33 = tpu.memref_slice %arg5[%dma_start3A_31, %dma_start3A_32] : memref<8x128xi32, #tpu.memory_space<vmem>> -> memref<1x128xi32, #tpu.memory_space<vmem>>
    %dma_start3A_34 = tpu.memref_squeeze %dma_start3A_33 : memref<1x128xi32, #tpu.memory_space<vmem>> -> memref<128xi32, #tpu.memory_space<vmem>>
    %dma_start3A_35 = arith.constant 0 : i32
    %dma_start3A_36 = arith.constant 0 : i32
    %dma_start3A_37 = tpu.memref_slice %arg2[%dma_start3A_35, %dma_start3A_36] : memref<2048x128xf32, #tpu.memory_space<hbm>> -> memref<2048x128xf32, #tpu.memory_space<hbm>>
    tpu.enqueue_indirect_dma source(%dma_start3A_37 : memref<2048x128xf32, #tpu.memory_space<hbm>>) target(%arg8 : memref<128x128xf32, #tpu.memory_space<vmem>>) offsets(%dma_start3A_34 : memref<128xi32, #tpu.memory_space<vmem>>) semaphore(%arg12 : memref<!tpu.dma_semaphore, #tpu.memory_space<semaphore_mem>>)
    %dma_wait3A_38 = arith.constant 1 : i32
    %dma_wait3A_39 = arith.constant 0 : i32
    %dma_wait3A_40 = tpu.memref_slice %arg5[%dma_wait3A_38, %dma_wait3A_39] : memref<8x128xi32, #tpu.memory_space<vmem>> -> memref<1x128xi32, #tpu.memory_space<vmem>>
    %dma_wait3A_41 = tpu.memref_squeeze %dma_wait3A_40 : memref<1x128xi32, #tpu.memory_space<vmem>> -> memref<128xi32, #tpu.memory_space<vmem>>
    %dma_wait3A_42 = arith.constant 0 : i32
    %dma_wait3A_43 = arith.constant 0 : i32
    %dma_wait3A_44 = tpu.memref_slice %arg2[%dma_wait3A_42, %dma_wait3A_43] : memref<2048x128xf32, #tpu.memory_space<hbm>> -> memref<2048x128xf32, #tpu.memory_space<hbm>>
    tpu.wait_indirect_dma semaphore(%arg11 : memref<!tpu.dma_semaphore, #tpu.memory_space<semaphore_mem>>) src(%dma_wait3A_44 : memref<2048x128xf32, #tpu.memory_space<hbm>>) dst(%arg7 : memref<128x128xf32, #tpu.memory_space<vmem>>)
    %add3A_45 = arith.constant 2 : i32
    %add3A_46 = arith.addi %mul3A_2, %add3A_45 : i32
    %sub3A_47 = arith.constant 1 : i32
    %sub3A_48 = arith.subi %add3A_46, %sub3A_47 : i32
    %mul3A_49 = arith.constant 128 : i32
    %mul3A_50 = arith.muli %sub3A_48, %mul3A_49 : i32
    %dma_start3A_51 = arith.constant 0 : i32
    %dma_start3A_52 = tpu.memref_slice %arg4[%mul3A_50, %dma_start3A_51] : memref<32768x128xf32, #tpu.memory_space<hbm>> -> memref<128x128xf32, #tpu.memory_space<hbm>>
    %dma_start3A_53 = arith.constant 0 : i32
    %dma_start3A_54 = tpu.memref_slice %arg4[%mul3A_50, %dma_start3A_53] : memref<32768x128xf32, #tpu.memory_space<hbm>> -> memref<128x128xf32, #tpu.memory_space<hbm>>
    tpu.enqueue_dma source(%arg7 : memref<128x128xf32, #tpu.memory_space<vmem>>) target(%dma_start3A_54 : memref<128x128xf32, #tpu.memory_space<hbm>>) target_semaphore(%arg15 : memref<!tpu.dma_semaphore, #tpu.memory_space<semaphore_mem>>)
    %dma_start3A_55 = arith.constant 3 : i32
    %dma_start3A_56 = arith.constant 0 : i32
    %dma_start3A_57 = tpu.memref_slice %arg5[%dma_start3A_55, %dma_start3A_56] : memref<8x128xi32, #tpu.memory_space<vmem>> -> memref<1x128xi32, #tpu.memory_space<vmem>>
    %dma_start3A_58 = tpu.memref_squeeze %dma_start3A_57 : memref<1x128xi32, #tpu.memory_space<vmem>> -> memref<128xi32, #tpu.memory_space<vmem>>
    %dma_start3A_59 = arith.constant 0 : i32
    %dma_start3A_60 = arith.constant 0 : i32
    %dma_start3A_61 = tpu.memref_slice %arg2[%dma_start3A_59, %dma_start3A_60] : memref<2048x128xf32, #tpu.memory_space<hbm>> -> memref<2048x128xf32, #tpu.memory_space<hbm>>
    tpu.enqueue_indirect_dma source(%dma_start3A_61 : memref<2048x128xf32, #tpu.memory_space<hbm>>) target(%arg9 : memref<128x128xf32, #tpu.memory_space<vmem>>) offsets(%dma_start3A_58 : memref<128xi32, #tpu.memory_space<vmem>>) semaphore(%arg13 : memref<!tpu.dma_semaphore, #tpu.memory_space<semaphore_mem>>)
    %dma_wait3A_62 = arith.constant 2 : i32
    %dma_wait3A_63 = arith.constant 0 : i32
    %dma_wait3A_64 = tpu.memref_slice %arg5[%dma_wait3A_62, %dma_wait3A_63] : memref<8x128xi32, #tpu.memory_space<vmem>> -> memref<1x128xi32, #tpu.memory_space<vmem>>
    %dma_wait3A_65 = tpu.memref_squeeze %dma_wait3A_64 : memref<1x128xi32, #tpu.memory_space<vmem>> -> memref<128xi32, #tpu.memory_space<vmem>>
    %dma_wait3A_66 = arith.constant 0 : i32
    %dma_wait3A_67 = arith.constant 0 : i32
    %dma_wait3A_68 = tpu.memref_slice %arg2[%dma_wait3A_66, %dma_wait3A_67] : memref<2048x128xf32, #tpu.memory_space<hbm>> -> memref<2048x128xf32, #tpu.memory_space<hbm>>
    tpu.wait_indirect_dma semaphore(%arg12 : memref<!tpu.dma_semaphore, #tpu.memory_space<semaphore_mem>>) src(%dma_wait3A_68 : memref<2048x128xf32, #tpu.memory_space<hbm>>) dst(%arg8 : memref<128x128xf32, #tpu.memory_space<vmem>>)
    %add3A_69 = arith.constant 3 : i32
    %add3A_70 = arith.addi %mul3A_2, %add3A_69 : i32
    %sub3A_71 = arith.constant 1 : i32
    %sub3A_72 = arith.subi %add3A_70, %sub3A_71 : i32
    %mul3A_73 = arith.constant 128 : i32
    %mul3A_74 = arith.muli %sub3A_72, %mul3A_73 : i32
    %dma_start3A_75 = arith.constant 0 : i32
    %dma_start3A_76 = tpu.memref_slice %arg4[%mul3A_74, %dma_start3A_75] : memref<32768x128xf32, #tpu.memory_space<hbm>> -> memref<128x128xf32, #tpu.memory_space<hbm>>
    %dma_start3A_77 = arith.constant 0 : i32
    %dma_start3A_78 = tpu.memref_slice %arg4[%mul3A_74, %dma_start3A_77] : memref<32768x128xf32, #tpu.memory_space<hbm>> -> memref<128x128xf32, #tpu.memory_space<hbm>>
    tpu.enqueue_dma source(%arg8 : memref<128x128xf32, #tpu.memory_space<vmem>>) target(%dma_start3A_78 : memref<128x128xf32, #tpu.memory_space<hbm>>) target_semaphore(%arg16 : memref<!tpu.dma_semaphore, #tpu.memory_space<semaphore_mem>>)
    %dma_wait3A_79 = arith.constant 0 : i32
    %dma_wait3A_80 = tpu.memref_slice %arg4[%mul3A_26, %dma_wait3A_79] : memref<32768x128xf32, #tpu.memory_space<hbm>> -> memref<128x128xf32, #tpu.memory_space<hbm>>
    %dma_wait3A_81 = arith.constant 0 : i32
    %dma_wait3A_82 = tpu.memref_slice %arg4[%mul3A_26, %dma_wait3A_81] : memref<32768x128xf32, #tpu.memory_space<hbm>> -> memref<128x128xf32, #tpu.memory_space<hbm>>
    tpu.wait_dma2 semaphore(%arg14 : memref<!tpu.dma_semaphore, #tpu.memory_space<semaphore_mem>>) src(%arg6 : memref<128x128xf32, #tpu.memory_space<vmem>>) dst(%dma_wait3A_82 : memref<128x128xf32, #tpu.memory_space<hbm>>)
    %dma_start3A_83 = arith.constant 4 : i32
    %dma_start3A_84 = arith.constant 0 : i32
    %dma_start3A_85 = tpu.memref_slice %arg5[%dma_start3A_83, %dma_start3A_84] : memref<8x128xi32, #tpu.memory_space<vmem>> -> memref<1x128xi32, #tpu.memory_space<vmem>>
    %dma_start3A_86 = tpu.memref_squeeze %dma_start3A_85 : memref<1x128xi32, #tpu.memory_space<vmem>> -> memref<128xi32, #tpu.memory_space<vmem>>
    %dma_start3A_87 = arith.constant 0 : i32
    %dma_start3A_88 = arith.constant 0 : i32
    %dma_start3A_89 = tpu.memref_slice %arg2[%dma_start3A_87, %dma_start3A_88] : memref<2048x128xf32, #tpu.memory_space<hbm>> -> memref<2048x128xf32, #tpu.memory_space<hbm>>
    tpu.enqueue_indirect_dma source(%dma_start3A_89 : memref<2048x128xf32, #tpu.memory_space<hbm>>) target(%arg6 : memref<128x128xf32, #tpu.memory_space<vmem>>) offsets(%dma_start3A_86 : memref<128xi32, #tpu.memory_space<vmem>>) semaphore(%arg10 : memref<!tpu.dma_semaphore, #tpu.memory_space<semaphore_mem>>)
    %dma_wait3A_90 = arith.constant 3 : i32
    %dma_wait3A_91 = arith.constant 0 : i32
    %dma_wait3A_92 = tpu.memref_slice %arg5[%dma_wait3A_90, %dma_wait3A_91] : memref<8x128xi32, #tpu.memory_space<vmem>> -> memref<1x128xi32, #tpu.memory_space<vmem>>
    %dma_wait3A_93 = tpu.memref_squeeze %dma_wait3A_92 : memref<1x128xi32, #tpu.memory_space<vmem>> -> memref<128xi32, #tpu.memory_space<vmem>>
    %dma_wait3A_94 = arith.constant 0 : i32
    %dma_wait3A_95 = arith.constant 0 : i32
    %dma_wait3A_96 = tpu.memref_slice %arg2[%dma_wait3A_94, %dma_wait3A_95] : memref<2048x128xf32, #tpu.memory_space<hbm>> -> memref<2048x128xf32, #tpu.memory_space<hbm>>
    tpu.wait_indirect_dma semaphore(%arg13 : memref<!tpu.dma_semaphore, #tpu.memory_space<semaphore_mem>>) src(%dma_wait3A_96 : memref<2048x128xf32, #tpu.memory_space<hbm>>) dst(%arg9 : memref<128x128xf32, #tpu.memory_space<vmem>>)
    %add3A_97 = arith.constant 4 : i32
    %add3A_98 = arith.addi %mul3A_2, %add3A_97 : i32
    %sub3A_99 = arith.constant 1 : i32
    %sub3A_100 = arith.subi %add3A_98, %sub3A_99 : i32
    %mul3A_101 = arith.constant 128 : i32
    %mul3A_102 = arith.muli %sub3A_100, %mul3A_101 : i32
    %dma_start3A_103 = arith.constant 0 : i32
    %dma_start3A_104 = tpu.memref_slice %arg4[%mul3A_102, %dma_start3A_103] : memref<32768x128xf32, #tpu.memory_space<hbm>> -> memref<128x128xf32, #tpu.memory_space<hbm>>
    %dma_start3A_105 = arith.constant 0 : i32
    %dma_start3A_106 = tpu.memref_slice %arg4[%mul3A_102, %dma_start3A_105] : memref<32768x128xf32, #tpu.memory_space<hbm>> -> memref<128x128xf32, #tpu.memory_space<hbm>>
    tpu.enqueue_dma source(%arg9 : memref<128x128xf32, #tpu.memory_space<vmem>>) target(%dma_start3A_106 : memref<128x128xf32, #tpu.memory_space<hbm>>) target_semaphore(%arg17 : memref<!tpu.dma_semaphore, #tpu.memory_space<semaphore_mem>>)
    %dma_wait3A_107 = arith.constant 0 : i32
    %dma_wait3A_108 = tpu.memref_slice %arg4[%mul3A_50, %dma_wait3A_107] : memref<32768x128xf32, #tpu.memory_space<hbm>> -> memref<128x128xf32, #tpu.memory_space<hbm>>
    %dma_wait3A_109 = arith.constant 0 : i32
    %dma_wait3A_110 = tpu.memref_slice %arg4[%mul3A_50, %dma_wait3A_109] : memref<32768x128xf32, #tpu.memory_space<hbm>> -> memref<128x128xf32, #tpu.memory_space<hbm>>
    tpu.wait_dma2 semaphore(%arg15 : memref<!tpu.dma_semaphore, #tpu.memory_space<semaphore_mem>>) src(%arg7 : memref<128x128xf32, #tpu.memory_space<vmem>>) dst(%dma_wait3A_110 : memref<128x128xf32, #tpu.memory_space<hbm>>)
    %dma_start3A_111 = arith.constant 5 : i32
    %dma_start3A_112 = arith.constant 0 : i32
    %dma_start3A_113 = tpu.memref_slice %arg5[%dma_start3A_111, %dma_start3A_112] : memref<8x128xi32, #tpu.memory_space<vmem>> -> memref<1x128xi32, #tpu.memory_space<vmem>>
    %dma_start3A_114 = tpu.memref_squeeze %dma_start3A_113 : memref<1x128xi32, #tpu.memory_space<vmem>> -> memref<128xi32, #tpu.memory_space<vmem>>
    %dma_start3A_115 = arith.constant 0 : i32
    %dma_start3A_116 = arith.constant 0 : i32
    %dma_start3A_117 = tpu.memref_slice %arg2[%dma_start3A_115, %dma_start3A_116] : memref<2048x128xf32, #tpu.memory_space<hbm>> -> memref<2048x128xf32, #tpu.memory_space<hbm>>
    tpu.enqueue_indirect_dma source(%dma_start3A_117 : memref<2048x128xf32, #tpu.memory_space<hbm>>) target(%arg7 : memref<128x128xf32, #tpu.memory_space<vmem>>) offsets(%dma_start3A_114 : memref<128xi32, #tpu.memory_space<vmem>>) semaphore(%arg11 : memref<!tpu.dma_semaphore, #tpu.memory_space<semaphore_mem>>)
    %dma_wait3A_118 = arith.constant 4 : i32
    %dma_wait3A_119 = arith.constant 0 : i32
    %dma_wait3A_120 = tpu.memref_slice %arg5[%dma_wait3A_118, %dma_wait3A_119] : memref<8x128xi32, #tpu.memory_space<vmem>> -> memref<1x128xi32, #tpu.memory_space<vmem>>
    %dma_wait3A_121 = tpu.memref_squeeze %dma_wait3A_120 : memref<1x128xi32, #tpu.memory_space<vmem>> -> memref<128xi32, #tpu.memory_space<vmem>>
    %dma_wait3A_122 = arith.constant 0 : i32
    %dma_wait3A_123 = arith.constant 0 : i32
    %dma_wait3A_124 = tpu.memref_slice %arg2[%dma_wait3A_122, %dma_wait3A_123] : memref<2048x128xf32, #tpu.memory_space<hbm>> -> memref<2048x128xf32, #tpu.memory_space<hbm>>
    tpu.wait_indirect_dma semaphore(%arg10 : memref<!tpu.dma_semaphore, #tpu.memory_space<semaphore_mem>>) src(%dma_wait3A_124 : memref<2048x128xf32, #tpu.memory_space<hbm>>) dst(%arg6 : memref<128x128xf32, #tpu.memory_space<vmem>>)
    %add3A_125 = arith.constant 5 : i32
    %add3A_126 = arith.addi %mul3A_2, %add3A_125 : i32
    %sub3A_127 = arith.constant 1 : i32
    %sub3A_128 = arith.subi %add3A_126, %sub3A_127 : i32
    %mul3A_129 = arith.constant 128 : i32
    %mul3A_130 = arith.muli %sub3A_128, %mul3A_129 : i32
    %dma_start3A_131 = arith.constant 0 : i32
    %dma_start3A_132 = tpu.memref_slice %arg4[%mul3A_130, %dma_start3A_131] : memref<32768x128xf32, #tpu.memory_space<hbm>> -> memref<128x128xf32, #tpu.memory_space<hbm>>
    %dma_start3A_133 = arith.constant 0 : i32
    %dma_start3A_134 = tpu.memref_slice %arg4[%mul3A_130, %dma_start3A_133] : memref<32768x128xf32, #tpu.memory_space<hbm>> -> memref<128x128xf32, #tpu.memory_space<hbm>>
    tpu.enqueue_dma source(%arg6 : memref<128x128xf32, #tpu.memory_space<vmem>>) target(%dma_start3A_134 : memref<128x128xf32, #tpu.memory_space<hbm>>) target_semaphore(%arg14 : memref<!tpu.dma_semaphore, #tpu.memory_space<semaphore_mem>>)
    %dma_wait3A_135 = arith.constant 0 : i32
    %dma_wait3A_136 = tpu.memref_slice %arg4[%mul3A_74, %dma_wait3A_135] : memref<32768x128xf32, #tpu.memory_space<hbm>> -> memref<128x128xf32, #tpu.memory_space<hbm>>
    %dma_wait3A_137 = arith.constant 0 : i32
    %dma_wait3A_138 = tpu.memref_slice %arg4[%mul3A_74, %dma_wait3A_137] : memref<32768x128xf32, #tpu.memory_space<hbm>> -> memref<128x128xf32, #tpu.memory_space<hbm>>
    tpu.wait_dma2 semaphore(%arg16 : memref<!tpu.dma_semaphore, #tpu.memory_space<semaphore_mem>>) src(%arg8 : memref<128x128xf32, #tpu.memory_space<vmem>>) dst(%dma_wait3A_138 : memref<128x128xf32, #tpu.memory_space<hbm>>)
    %dma_start3A_139 = arith.constant 6 : i32
    %dma_start3A_140 = arith.constant 0 : i32
    %dma_start3A_141 = tpu.memref_slice %arg5[%dma_start3A_139, %dma_start3A_140] : memref<8x128xi32, #tpu.memory_space<vmem>> -> memref<1x128xi32, #tpu.memory_space<vmem>>
    %dma_start3A_142 = tpu.memref_squeeze %dma_start3A_141 : memref<1x128xi32, #tpu.memory_space<vmem>> -> memref<128xi32, #tpu.memory_space<vmem>>
    %dma_start3A_143 = arith.constant 0 : i32
    %dma_start3A_144 = arith.constant 0 : i32
    %dma_start3A_145 = tpu.memref_slice %arg2[%dma_start3A_143, %dma_start3A_144] : memref<2048x128xf32, #tpu.memory_space<hbm>> -> memref<2048x128xf32, #tpu.memory_space<hbm>>
    tpu.enqueue_indirect_dma source(%dma_start3A_145 : memref<2048x128xf32, #tpu.memory_space<hbm>>) target(%arg8 : memref<128x128xf32, #tpu.memory_space<vmem>>) offsets(%dma_start3A_142 : memref<128xi32, #tpu.memory_space<vmem>>) semaphore(%arg12 : memref<!tpu.dma_semaphore, #tpu.memory_space<semaphore_mem>>)
    %dma_wait3A_146 = arith.constant 5 : i32
    %dma_wait3A_147 = arith.constant 0 : i32
    %dma_wait3A_148 = tpu.memref_slice %arg5[%dma_wait3A_146, %dma_wait3A_147] : memref<8x128xi32, #tpu.memory_space<vmem>> -> memref<1x128xi32, #tpu.memory_space<vmem>>
    %dma_wait3A_149 = tpu.memref_squeeze %dma_wait3A_148 : memref<1x128xi32, #tpu.memory_space<vmem>> -> memref<128xi32, #tpu.memory_space<vmem>>
    %dma_wait3A_150 = arith.constant 0 : i32
    %dma_wait3A_151 = arith.constant 0 : i32
    %dma_wait3A_152 = tpu.memref_slice %arg2[%dma_wait3A_150, %dma_wait3A_151] : memref<2048x128xf32, #tpu.memory_space<hbm>> -> memref<2048x128xf32, #tpu.memory_space<hbm>>
    tpu.wait_indirect_dma semaphore(%arg11 : memref<!tpu.dma_semaphore, #tpu.memory_space<semaphore_mem>>) src(%dma_wait3A_152 : memref<2048x128xf32, #tpu.memory_space<hbm>>) dst(%arg7 : memref<128x128xf32, #tpu.memory_space<vmem>>)
    %add3A_153 = arith.constant 6 : i32
    %add3A_154 = arith.addi %mul3A_2, %add3A_153 : i32
    %sub3A_155 = arith.constant 1 : i32
    %sub3A_156 = arith.subi %add3A_154, %sub3A_155 : i32
    %mul3A_157 = arith.constant 128 : i32
    %mul3A_158 = arith.muli %sub3A_156, %mul3A_157 : i32
    %dma_start3A_159 = arith.constant 0 : i32
    %dma_start3A_160 = tpu.memref_slice %arg4[%mul3A_158, %dma_start3A_159] : memref<32768x128xf32, #tpu.memory_space<hbm>> -> memref<128x128xf32, #tpu.memory_space<hbm>>
    %dma_start3A_161 = arith.constant 0 : i32
    %dma_start3A_162 = tpu.memref_slice %arg4[%mul3A_158, %dma_start3A_161] : memref<32768x128xf32, #tpu.memory_space<hbm>> -> memref<128x128xf32, #tpu.memory_space<hbm>>
    tpu.enqueue_dma source(%arg7 : memref<128x128xf32, #tpu.memory_space<vmem>>) target(%dma_start3A_162 : memref<128x128xf32, #tpu.memory_space<hbm>>) target_semaphore(%arg15 : memref<!tpu.dma_semaphore, #tpu.memory_space<semaphore_mem>>)
    %dma_wait3A_163 = arith.constant 0 : i32
    %dma_wait3A_164 = tpu.memref_slice %arg4[%mul3A_102, %dma_wait3A_163] : memref<32768x128xf32, #tpu.memory_space<hbm>> -> memref<128x128xf32, #tpu.memory_space<hbm>>
    %dma_wait3A_165 = arith.constant 0 : i32
    %dma_wait3A_166 = tpu.memref_slice %arg4[%mul3A_102, %dma_wait3A_165] : memref<32768x128xf32, #tpu.memory_space<hbm>> -> memref<128x128xf32, #tpu.memory_space<hbm>>
    tpu.wait_dma2 semaphore(%arg17 : memref<!tpu.dma_semaphore, #tpu.memory_space<semaphore_mem>>) src(%arg9 : memref<128x128xf32, #tpu.memory_space<vmem>>) dst(%dma_wait3A_166 : memref<128x128xf32, #tpu.memory_space<hbm>>)
    %dma_start3A_167 = arith.constant 7 : i32
    %dma_start3A_168 = arith.constant 0 : i32
    %dma_start3A_169 = tpu.memref_slice %arg5[%dma_start3A_167, %dma_start3A_168] : memref<8x128xi32, #tpu.memory_space<vmem>> -> memref<1x128xi32, #tpu.memory_space<vmem>>
    %dma_start3A_170 = tpu.memref_squeeze %dma_start3A_169 : memref<1x128xi32, #tpu.memory_space<vmem>> -> memref<128xi32, #tpu.memory_space<vmem>>
    %dma_start3A_171 = arith.constant 0 : i32
    %dma_start3A_172 = arith.constant 0 : i32
    %dma_start3A_173 = tpu.memref_slice %arg2[%dma_start3A_171, %dma_start3A_172] : memref<2048x128xf32, #tpu.memory_space<hbm>> -> memref<2048x128xf32, #tpu.memory_space<hbm>>
    tpu.enqueue_indirect_dma source(%dma_start3A_173 : memref<2048x128xf32, #tpu.memory_space<hbm>>) target(%arg9 : memref<128x128xf32, #tpu.memory_space<vmem>>) offsets(%dma_start3A_170 : memref<128xi32, #tpu.memory_space<vmem>>) semaphore(%arg13 : memref<!tpu.dma_semaphore, #tpu.memory_space<semaphore_mem>>)
    %dma_wait3A_174 = arith.constant 6 : i32
    %dma_wait3A_175 = arith.constant 0 : i32
    %dma_wait3A_176 = tpu.memref_slice %arg5[%dma_wait3A_174, %dma_wait3A_175] : memref<8x128xi32, #tpu.memory_space<vmem>> -> memref<1x128xi32, #tpu.memory_space<vmem>>
    %dma_wait3A_177 = tpu.memref_squeeze %dma_wait3A_176 : memref<1x128xi32, #tpu.memory_space<vmem>> -> memref<128xi32, #tpu.memory_space<vmem>>
    %dma_wait3A_178 = arith.constant 0 : i32
    %dma_wait3A_179 = arith.constant 0 : i32
    %dma_wait3A_180 = tpu.memref_slice %arg2[%dma_wait3A_178, %dma_wait3A_179] : memref<2048x128xf32, #tpu.memory_space<hbm>> -> memref<2048x128xf32, #tpu.memory_space<hbm>>
    tpu.wait_indirect_dma semaphore(%arg12 : memref<!tpu.dma_semaphore, #tpu.memory_space<semaphore_mem>>) src(%dma_wait3A_180 : memref<2048x128xf32, #tpu.memory_space<hbm>>) dst(%arg8 : memref<128x128xf32, #tpu.memory_space<vmem>>)
    %add3A_181 = arith.constant 7 : i32
    %add3A_182 = arith.addi %mul3A_2, %add3A_181 : i32
    %sub3A_183 = arith.constant 1 : i32
    %sub3A_184 = arith.subi %add3A_182, %sub3A_183 : i32
    %mul3A_185 = arith.constant 128 : i32
    %mul3A_186 = arith.muli %sub3A_184, %mul3A_185 : i32
    %dma_start3A_187 = arith.constant 0 : i32
    %dma_start3A_188 = tpu.memref_slice %arg4[%mul3A_186, %dma_start3A_187] : memref<32768x128xf32, #tpu.memory_space<hbm>> -> memref<128x128xf32, #tpu.memory_space<hbm>>
    %dma_start3A_189 = arith.constant 0 : i32
    %dma_start3A_190 = tpu.memref_slice %arg4[%mul3A_186, %dma_start3A_189] : memref<32768x128xf32, #tpu.memory_space<hbm>> -> memref<128x128xf32, #tpu.memory_space<hbm>>
    tpu.enqueue_dma source(%arg8 : memref<128x128xf32, #tpu.memory_space<vmem>>) target(%dma_start3A_190 : memref<128x128xf32, #tpu.memory_space<hbm>>) target_semaphore(%arg16 : memref<!tpu.dma_semaphore, #tpu.memory_space<semaphore_mem>>)
    %dma_wait3A_191 = arith.constant 7 : i32
    %dma_wait3A_192 = arith.constant 0 : i32
    %dma_wait3A_193 = tpu.memref_slice %arg5[%dma_wait3A_191, %dma_wait3A_192] : memref<8x128xi32, #tpu.memory_space<vmem>> -> memref<1x128xi32, #tpu.memory_space<vmem>>
    %dma_wait3A_194 = tpu.memref_squeeze %dma_wait3A_193 : memref<1x128xi32, #tpu.memory_space<vmem>> -> memref<128xi32, #tpu.memory_space<vmem>>
    %dma_wait3A_195 = arith.constant 0 : i32
    %dma_wait3A_196 = arith.constant 0 : i32
    %dma_wait3A_197 = tpu.memref_slice %arg2[%dma_wait3A_195, %dma_wait3A_196] : memref<2048x128xf32, #tpu.memory_space<hbm>> -> memref<2048x128xf32, #tpu.memory_space<hbm>>
    tpu.wait_indirect_dma semaphore(%arg13 : memref<!tpu.dma_semaphore, #tpu.memory_space<semaphore_mem>>) src(%dma_wait3A_197 : memref<2048x128xf32, #tpu.memory_space<hbm>>) dst(%arg9 : memref<128x128xf32, #tpu.memory_space<vmem>>)
    %add3A_198 = arith.constant 8 : i32
    %add3A_199 = arith.addi %mul3A_2, %add3A_198 : i32
    %sub3A_200 = arith.constant 1 : i32
    %sub3A_201 = arith.subi %add3A_199, %sub3A_200 : i32
    %mul3A_202 = arith.constant 128 : i32
    %mul3A_203 = arith.muli %sub3A_201, %mul3A_202 : i32
    %dma_start3A_204 = arith.constant 0 : i32
    %dma_start3A_205 = tpu.memref_slice %arg4[%mul3A_203, %dma_start3A_204] : memref<32768x128xf32, #tpu.memory_space<hbm>> -> memref<128x128xf32, #tpu.memory_space<hbm>>
    %dma_start3A_206 = arith.constant 0 : i32
    %dma_start3A_207 = tpu.memref_slice %arg4[%mul3A_203, %dma_start3A_206] : memref<32768x128xf32, #tpu.memory_space<hbm>> -> memref<128x128xf32, #tpu.memory_space<hbm>>
    tpu.enqueue_dma source(%arg9 : memref<128x128xf32, #tpu.memory_space<vmem>>) target(%dma_start3A_207 : memref<128x128xf32, #tpu.memory_space<hbm>>) target_semaphore(%arg17 : memref<!tpu.dma_semaphore, #tpu.memory_space<semaphore_mem>>)
    %dma_wait3A_208 = arith.constant 0 : i32
    %dma_wait3A_209 = tpu.memref_slice %arg4[%mul3A_130, %dma_wait3A_208] : memref<32768x128xf32, #tpu.memory_space<hbm>> -> memref<128x128xf32, #tpu.memory_space<hbm>>
    %dma_wait3A_210 = arith.constant 0 : i32
    %dma_wait3A_211 = tpu.memref_slice %arg4[%mul3A_130, %dma_wait3A_210] : memref<32768x128xf32, #tpu.memory_space<hbm>> -> memref<128x128xf32, #tpu.memory_space<hbm>>
    tpu.wait_dma2 semaphore(%arg14 : memref<!tpu.dma_semaphore, #tpu.memory_space<semaphore_mem>>) src(%arg6 : memref<128x128xf32, #tpu.memory_space<vmem>>) dst(%dma_wait3A_211 : memref<128x128xf32, #tpu.memory_space<hbm>>)
    %dma_wait3A_212 = arith.constant 0 : i32
    %dma_wait3A_213 = tpu.memref_slice %arg4[%mul3A_158, %dma_wait3A_212] : memref<32768x128xf32, #tpu.memory_space<hbm>> -> memref<128x128xf32, #tpu.memory_space<hbm>>
    %dma_wait3A_214 = arith.constant 0 : i32
    %dma_wait3A_215 = tpu.memref_slice %arg4[%mul3A_158, %dma_wait3A_214] : memref<32768x128xf32, #tpu.memory_space<hbm>> -> memref<128x128xf32, #tpu.memory_space<hbm>>
    tpu.wait_dma2 semaphore(%arg15 : memref<!tpu.dma_semaphore, #tpu.memory_space<semaphore_mem>>) src(%arg7 : memref<128x128xf32, #tpu.memory_space<vmem>>) dst(%dma_wait3A_215 : memref<128x128xf32, #tpu.memory_space<hbm>>)
    %dma_wait3A_216 = arith.constant 0 : i32
    %dma_wait3A_217 = tpu.memref_slice %arg4[%mul3A_186, %dma_wait3A_216] : memref<32768x128xf32, #tpu.memory_space<hbm>> -> memref<128x128xf32, #tpu.memory_space<hbm>>
    %dma_wait3A_218 = arith.constant 0 : i32
    %dma_wait3A_219 = tpu.memref_slice %arg4[%mul3A_186, %dma_wait3A_218] : memref<32768x128xf32, #tpu.memory_space<hbm>> -> memref<128x128xf32, #tpu.memory_space<hbm>>
    tpu.wait_dma2 semaphore(%arg16 : memref<!tpu.dma_semaphore, #tpu.memory_space<semaphore_mem>>) src(%arg8 : memref<128x128xf32, #tpu.memory_space<vmem>>) dst(%dma_wait3A_219 : memref<128x128xf32, #tpu.memory_space<hbm>>)
    %dma_wait3A_220 = arith.constant 0 : i32
    %dma_wait3A_221 = tpu.memref_slice %arg4[%mul3A_203, %dma_wait3A_220] : memref<32768x128xf32, #tpu.memory_space<hbm>> -> memref<128x128xf32, #tpu.memory_space<hbm>>
    %dma_wait3A_222 = arith.constant 0 : i32
    %dma_wait3A_223 = tpu.memref_slice %arg4[%mul3A_203, %dma_wait3A_222] : memref<32768x128xf32, #tpu.memory_space<hbm>> -> memref<128x128xf32, #tpu.memory_space<hbm>>
    tpu.wait_dma2 semaphore(%arg17 : memref<!tpu.dma_semaphore, #tpu.memory_space<semaphore_mem>>) src(%arg9 : memref<128x128xf32, #tpu.memory_space<vmem>>) dst(%dma_wait3A_223 : memref<128x128xf32, #tpu.memory_space<hbm>>)
    return
  }
}

module attributes {stable_mosaic.version = 14 : i64} {
  func.func @_topk_body(%arg0: i32, %arg1: i32, %arg2: memref<1x256x64xf32, #tpu.memory_space<vmem>>, %arg3: memref<1x2048x64xf32, #tpu.memory_space<vmem>>, %arg4: memref<1x1x16x256xi32, #tpu.memory_space<vmem>>, %arg5: memref<2048x256xf32, #tpu.memory_space<vmem>>) attributes {dimension_semantics = [#tpu.dimension_semantics<arbitrary>, #tpu.dimension_semantics<arbitrary>], iteration_bounds = array<i64: 1, 8>, scalar_prefetch = 0 : i64, scratch_operands = 1 : i64, tpu.core_type = #tpu.core_type<tc>, window_params = [{transform_indices = @transform_0, window_bounds = array<i64: 1, 256, 64>}, {transform_indices = @transform_1, window_bounds = array<i64: 1, 2048, 64>}, {transform_indices = @transform_2, window_bounds = array<i64: 1, 1, 16, 256>}]} {
    %get3A = arith.constant 0 : index
    %get3A_0 = arith.constant 0 : index
    %get3A_1 = arith.constant 0 : index
    %get3A_2 = vector.load %arg2[%get3A, %get3A_0, %get3A_1] : memref<1x256x64xf32, #tpu.memory_space<vmem>>, vector<1x256x64xf32>
    %get3A_3 = vector.shape_cast %get3A_2 : vector<1x256x64xf32> to vector<256x64xf32>
    %broadcast_in_dim3A = arith.constant 1.000000e+00 : f32
    %broadcast_in_dim3A_4 = vector.broadcast %broadcast_in_dim3A : f32 to vector<64x1xf32>
    %get3A_5 = arith.constant 0 : index
    %get3A_6 = arith.constant 0 : index
    %get3A_7 = arith.constant 0 : index
    %get3A_8 = vector.load %arg3[%get3A_5, %get3A_6, %get3A_7] : memref<1x2048x64xf32, #tpu.memory_space<vmem>>, vector<1x256x64xf32>
    %get3A_9 = vector.shape_cast %get3A_8 : vector<1x256x64xf32> to vector<256x64xf32>
    %mul3A = arith.mulf %get3A_9, %get3A_9 : vector<256x64xf32>
    %dot_general3A = arith.constant dense<0.000000e+00> : vector<256x1xf32>
    %dot_general3A_10 = tpu.matmul %mul3A, %broadcast_in_dim3A_4, %dot_general3A {dimension_numbers = #tpu.dot_dimension_numbers<[1], [0], [0], [1], [0, 0, 1, 1], [], []>, precision = #tpu.contract_precision<fp32>, transpose_lhs_hint = false} : vector<256x64xf32>, vector<64x1xf32>, vector<256x1xf32> -> vector<256x1xf32>
    %dot_general3A_11 = arith.constant dense<0.000000e+00> : vector<256x256xf32>
    %dot_general3A_12 = tpu.matmul %get3A_9, %get3A_3, %dot_general3A_11 {dimension_numbers = #tpu.dot_dimension_numbers<[1], [1], [0], [0], [0, 0, 1, 0], [], []>, transpose_lhs_hint = false} : vector<256x64xf32>, vector<256x64xf32>, vector<256x256xf32> -> vector<256x256xf32>
    %mul3A_13 = arith.constant 2.000000e+00 : f32
    %mul3A_14 = vector.broadcast %mul3A_13 : f32 to vector<256x256xf32>
    %mul3A_15 = arith.mulf %mul3A_14, %dot_general3A_12 : vector<256x256xf32>
    %sub3A = vector.broadcast %dot_general3A_10 : vector<256x1xf32> to vector<256x256xf32>
    %sub3A_16 = arith.subf %sub3A, %mul3A_15 : vector<256x256xf32>
    %swap3A = arith.constant 0 : index
    %swap3A_17 = arith.constant 0 : index
    %swap3A_18 = vector.load %arg5[%swap3A, %swap3A_17] : memref<2048x256xf32, #tpu.memory_space<vmem>>, vector<256x256xf32>
    tpu.vector_store %arg5[%swap3A, %swap3A_17], %sub3A_16 {strides = array<i32>} : memref<2048x256xf32, #tpu.memory_space<vmem>>, vector<256x256xf32>,
    %get3A_19 = arith.constant 0 : index
    %get3A_20 = arith.constant 256 : index
    %get3A_21 = arith.constant 0 : index
    %get3A_22 = vector.load %arg3[%get3A_19, %get3A_20, %get3A_21] : memref<1x2048x64xf32, #tpu.memory_space<vmem>>, vector<1x256x64xf32>
    %get3A_23 = vector.shape_cast %get3A_22 : vector<1x256x64xf32> to vector<256x64xf32>
    %mul3A_24 = arith.mulf %get3A_23, %get3A_23 : vector<256x64xf32>
    %dot_general3A_25 = arith.constant dense<0.000000e+00> : vector<256x1xf32>
    %dot_general3A_26 = tpu.matmul %mul3A_24, %broadcast_in_dim3A_4, %dot_general3A_25 {dimension_numbers = #tpu.dot_dimension_numbers<[1], [0], [0], [1], [0, 0, 1, 1], [], []>, precision = #tpu.contract_precision<fp32>, transpose_lhs_hint = false} : vector<256x64xf32>, vector<64x1xf32>, vector<256x1xf32> -> vector<256x1xf32>
    %dot_general3A_27 = arith.constant dense<0.000000e+00> : vector<256x256xf32>
    %dot_general3A_28 = tpu.matmul %get3A_23, %get3A_3, %dot_general3A_27 {dimension_numbers = #tpu.dot_dimension_numbers<[1], [1], [0], [0], [0, 0, 1, 0], [], []>, transpose_lhs_hint = false} : vector<256x64xf32>, vector<256x64xf32>, vector<256x256xf32> -> vector<256x256xf32>
    %mul3A_29 = arith.constant 2.000000e+00 : f32
    %mul3A_30 = vector.broadcast %mul3A_29 : f32 to vector<256x256xf32>
    %mul3A_31 = arith.mulf %mul3A_30, %dot_general3A_28 : vector<256x256xf32>
    %sub3A_32 = vector.broadcast %dot_general3A_26 : vector<256x1xf32> to vector<256x256xf32>
    %sub3A_33 = arith.subf %sub3A_32, %mul3A_31 : vector<256x256xf32>
    %swap3A_34 = arith.constant 256 : index
    %swap3A_35 = arith.constant 0 : index
    %swap3A_36 = vector.load %arg5[%swap3A_34, %swap3A_35] : memref<2048x256xf32, #tpu.memory_space<vmem>>, vector<256x256xf32>
    tpu.vector_store %arg5[%swap3A_34, %swap3A_35], %sub3A_33 {strides = array<i32>} : memref<2048x256xf32, #tpu.memory_space<vmem>>, vector<256x256xf32>,
    %get3A_37 = arith.constant 0 : index
    %get3A_38 = arith.constant 512 : index
    %get3A_39 = arith.constant 0 : index
    %get3A_40 = vector.load %arg3[%get3A_37, %get3A_38, %get3A_39] : memref<1x2048x64xf32, #tpu.memory_space<vmem>>, vector<1x256x64xf32>
    %get3A_41 = vector.shape_cast %get3A_40 : vector<1x256x64xf32> to vector<256x64xf32>
    %mul3A_42 = arith.mulf %get3A_41, %get3A_41 : vector<256x64xf32>
    %dot_general3A_43 = arith.constant dense<0.000000e+00> : vector<256x1xf32>
    %dot_general3A_44 = tpu.matmul %mul3A_42, %broadcast_in_dim3A_4, %dot_general3A_43 {dimension_numbers = #tpu.dot_dimension_numbers<[1], [0], [0], [1], [0, 0, 1, 1], [], []>, precision = #tpu.contract_precision<fp32>, transpose_lhs_hint = false} : vector<256x64xf32>, vector<64x1xf32>, vector<256x1xf32> -> vector<256x1xf32>
    %dot_general3A_45 = arith.constant dense<0.000000e+00> : vector<256x256xf32>
    %dot_general3A_46 = tpu.matmul %get3A_41, %get3A_3, %dot_general3A_45 {dimension_numbers = #tpu.dot_dimension_numbers<[1], [1], [0], [0], [0, 0, 1, 0], [], []>, transpose_lhs_hint = false} : vector<256x64xf32>, vector<256x64xf32>, vector<256x256xf32> -> vector<256x256xf32>
    %mul3A_47 = arith.constant 2.000000e+00 : f32
    %mul3A_48 = vector.broadcast %mul3A_47 : f32 to vector<256x256xf32>
    %mul3A_49 = arith.mulf %mul3A_48, %dot_general3A_46 : vector<256x256xf32>
    %sub3A_50 = vector.broadcast %dot_general3A_44 : vector<256x1xf32> to vector<256x256xf32>
    %sub3A_51 = arith.subf %sub3A_50, %mul3A_49 : vector<256x256xf32>
    %swap3A_52 = arith.constant 512 : index
    %swap3A_53 = arith.constant 0 : index
    %swap3A_54 = vector.load %arg5[%swap3A_52, %swap3A_53] : memref<2048x256xf32, #tpu.memory_space<vmem>>, vector<256x256xf32>
    tpu.vector_store %arg5[%swap3A_52, %swap3A_53], %sub3A_51 {strides = array<i32>} : memref<2048x256xf32, #tpu.memory_space<vmem>>, vector<256x256xf32>,
    %get3A_55 = arith.constant 0 : index
    %get3A_56 = arith.constant 768 : index
    %get3A_57 = arith.constant 0 : index
    %get3A_58 = vector.load %arg3[%get3A_55, %get3A_56, %get3A_57] : memref<1x2048x64xf32, #tpu.memory_space<vmem>>, vector<1x256x64xf32>
    %get3A_59 = vector.shape_cast %get3A_58 : vector<1x256x64xf32> to vector<256x64xf32>
    %mul3A_60 = arith.mulf %get3A_59, %get3A_59 : vector<256x64xf32>
    %dot_general3A_61 = arith.constant dense<0.000000e+00> : vector<256x1xf32>
    %dot_general3A_62 = tpu.matmul %mul3A_60, %broadcast_in_dim3A_4, %dot_general3A_61 {dimension_numbers = #tpu.dot_dimension_numbers<[1], [0], [0], [1], [0, 0, 1, 1], [], []>, precision = #tpu.contract_precision<fp32>, transpose_lhs_hint = false} : vector<256x64xf32>, vector<64x1xf32>, vector<256x1xf32> -> vector<256x1xf32>
    %dot_general3A_63 = arith.constant dense<0.000000e+00> : vector<256x256xf32>
    %dot_general3A_64 = tpu.matmul %get3A_59, %get3A_3, %dot_general3A_63 {dimension_numbers = #tpu.dot_dimension_numbers<[1], [1], [0], [0], [0, 0, 1, 0], [], []>, transpose_lhs_hint = false} : vector<256x64xf32>, vector<256x64xf32>, vector<256x256xf32> -> vector<256x256xf32>
    %mul3A_65 = arith.constant 2.000000e+00 : f32
    %mul3A_66 = vector.broadcast %mul3A_65 : f32 to vector<256x256xf32>
    %mul3A_67 = arith.mulf %mul3A_66, %dot_general3A_64 : vector<256x256xf32>
    %sub3A_68 = vector.broadcast %dot_general3A_62 : vector<256x1xf32> to vector<256x256xf32>
    %sub3A_69 = arith.subf %sub3A_68, %mul3A_67 : vector<256x256xf32>
    %swap3A_70 = arith.constant 768 : index
    %swap3A_71 = arith.constant 0 : index
    %swap3A_72 = vector.load %arg5[%swap3A_70, %swap3A_71] : memref<2048x256xf32, #tpu.memory_space<vmem>>, vector<256x256xf32>
    tpu.vector_store %arg5[%swap3A_70, %swap3A_71], %sub3A_69 {strides = array<i32>} : memref<2048x256xf32, #tpu.memory_space<vmem>>, vector<256x256xf32>,
    %get3A_73 = arith.constant 0 : index
    %get3A_74 = arith.constant 1024 : index
    %get3A_75 = arith.constant 0 : index
    %get3A_76 = vector.load %arg3[%get3A_73, %get3A_74, %get3A_75] : memref<1x2048x64xf32, #tpu.memory_space<vmem>>, vector<1x256x64xf32>
    %get3A_77 = vector.shape_cast %get3A_76 : vector<1x256x64xf32> to vector<256x64xf32>
    %mul3A_78 = arith.mulf %get3A_77, %get3A_77 : vector<256x64xf32>
    %dot_general3A_79 = arith.constant dense<0.000000e+00> : vector<256x1xf32>
    %dot_general3A_80 = tpu.matmul %mul3A_78, %broadcast_in_dim3A_4, %dot_general3A_79 {dimension_numbers = #tpu.dot_dimension_numbers<[1], [0], [0], [1], [0, 0, 1, 1], [], []>, precision = #tpu.contract_precision<fp32>, transpose_lhs_hint = false} : vector<256x64xf32>, vector<64x1xf32>, vector<256x1xf32> -> vector<256x1xf32>
    %dot_general3A_81 = arith.constant dense<0.000000e+00> : vector<256x256xf32>
    %dot_general3A_82 = tpu.matmul %get3A_77, %get3A_3, %dot_general3A_81 {dimension_numbers = #tpu.dot_dimension_numbers<[1], [1], [0], [0], [0, 0, 1, 0], [], []>, transpose_lhs_hint = false} : vector<256x64xf32>, vector<256x64xf32>, vector<256x256xf32> -> vector<256x256xf32>
    %mul3A_83 = arith.constant 2.000000e+00 : f32
    %mul3A_84 = vector.broadcast %mul3A_83 : f32 to vector<256x256xf32>
    %mul3A_85 = arith.mulf %mul3A_84, %dot_general3A_82 : vector<256x256xf32>
    %sub3A_86 = vector.broadcast %dot_general3A_80 : vector<256x1xf32> to vector<256x256xf32>
    %sub3A_87 = arith.subf %sub3A_86, %mul3A_85 : vector<256x256xf32>
    %swap3A_88 = arith.constant 1024 : index
    %swap3A_89 = arith.constant 0 : index
    %swap3A_90 = vector.load %arg5[%swap3A_88, %swap3A_89] : memref<2048x256xf32, #tpu.memory_space<vmem>>, vector<256x256xf32>
    tpu.vector_store %arg5[%swap3A_88, %swap3A_89], %sub3A_87 {strides = array<i32>} : memref<2048x256xf32, #tpu.memory_space<vmem>>, vector<256x256xf32>,
    %get3A_91 = arith.constant 0 : index
    %get3A_92 = arith.constant 1280 : index
    %get3A_93 = arith.constant 0 : index
    %get3A_94 = vector.load %arg3[%get3A_91, %get3A_92, %get3A_93] : memref<1x2048x64xf32, #tpu.memory_space<vmem>>, vector<1x256x64xf32>
    %get3A_95 = vector.shape_cast %get3A_94 : vector<1x256x64xf32> to vector<256x64xf32>
    %mul3A_96 = arith.mulf %get3A_95, %get3A_95 : vector<256x64xf32>
    %dot_general3A_97 = arith.constant dense<0.000000e+00> : vector<256x1xf32>
    %dot_general3A_98 = tpu.matmul %mul3A_96, %broadcast_in_dim3A_4, %dot_general3A_97 {dimension_numbers = #tpu.dot_dimension_numbers<[1], [0], [0], [1], [0, 0, 1, 1], [], []>, precision = #tpu.contract_precision<fp32>, transpose_lhs_hint = false} : vector<256x64xf32>, vector<64x1xf32>, vector<256x1xf32> -> vector<256x1xf32>
    %dot_general3A_99 = arith.constant dense<0.000000e+00> : vector<256x256xf32>
    %dot_general3A_100 = tpu.matmul %get3A_95, %get3A_3, %dot_general3A_99 {dimension_numbers = #tpu.dot_dimension_numbers<[1], [1], [0], [0], [0, 0, 1, 0], [], []>, transpose_lhs_hint = false} : vector<256x64xf32>, vector<256x64xf32>, vector<256x256xf32> -> vector<256x256xf32>
    %mul3A_101 = arith.constant 2.000000e+00 : f32
    %mul3A_102 = vector.broadcast %mul3A_101 : f32 to vector<256x256xf32>
    %mul3A_103 = arith.mulf %mul3A_102, %dot_general3A_100 : vector<256x256xf32>
    %sub3A_104 = vector.broadcast %dot_general3A_98 : vector<256x1xf32> to vector<256x256xf32>
    %sub3A_105 = arith.subf %sub3A_104, %mul3A_103 : vector<256x256xf32>
    %swap3A_106 = arith.constant 1280 : index
    %swap3A_107 = arith.constant 0 : index
    %swap3A_108 = vector.load %arg5[%swap3A_106, %swap3A_107] : memref<2048x256xf32, #tpu.memory_space<vmem>>, vector<256x256xf32>
    tpu.vector_store %arg5[%swap3A_106, %swap3A_107], %sub3A_105 {strides = array<i32>} : memref<2048x256xf32, #tpu.memory_space<vmem>>, vector<256x256xf32>,
    %get3A_109 = arith.constant 0 : index
    %get3A_110 = arith.constant 1536 : index
    %get3A_111 = arith.constant 0 : index
    %get3A_112 = vector.load %arg3[%get3A_109, %get3A_110, %get3A_111] : memref<1x2048x64xf32, #tpu.memory_space<vmem>>, vector<1x256x64xf32>
    %get3A_113 = vector.shape_cast %get3A_112 : vector<1x256x64xf32> to vector<256x64xf32>
    %mul3A_114 = arith.mulf %get3A_113, %get3A_113 : vector<256x64xf32>
    %dot_general3A_115 = arith.constant dense<0.000000e+00> : vector<256x1xf32>
    %dot_general3A_116 = tpu.matmul %mul3A_114, %broadcast_in_dim3A_4, %dot_general3A_115 {dimension_numbers = #tpu.dot_dimension_numbers<[1], [0], [0], [1], [0, 0, 1, 1], [], []>, precision = #tpu.contract_precision<fp32>, transpose_lhs_hint = false} : vector<256x64xf32>, vector<64x1xf32>, vector<256x1xf32> -> vector<256x1xf32>
    %dot_general3A_117 = arith.constant dense<0.000000e+00> : vector<256x256xf32>
    %dot_general3A_118 = tpu.matmul %get3A_113, %get3A_3, %dot_general3A_117 {dimension_numbers = #tpu.dot_dimension_numbers<[1], [1], [0], [0], [0, 0, 1, 0], [], []>, transpose_lhs_hint = false} : vector<256x64xf32>, vector<256x64xf32>, vector<256x256xf32> -> vector<256x256xf32>
    %mul3A_119 = arith.constant 2.000000e+00 : f32
    %mul3A_120 = vector.broadcast %mul3A_119 : f32 to vector<256x256xf32>
    %mul3A_121 = arith.mulf %mul3A_120, %dot_general3A_118 : vector<256x256xf32>
    %sub3A_122 = vector.broadcast %dot_general3A_116 : vector<256x1xf32> to vector<256x256xf32>
    %sub3A_123 = arith.subf %sub3A_122, %mul3A_121 : vector<256x256xf32>
    %swap3A_124 = arith.constant 1536 : index
    %swap3A_125 = arith.constant 0 : index
    %swap3A_126 = vector.load %arg5[%swap3A_124, %swap3A_125] : memref<2048x256xf32, #tpu.memory_space<vmem>>, vector<256x256xf32>
    tpu.vector_store %arg5[%swap3A_124, %swap3A_125], %sub3A_123 {strides = array<i32>} : memref<2048x256xf32, #tpu.memory_space<vmem>>, vector<256x256xf32>,
    %get3A_127 = arith.constant 0 : index
    %get3A_128 = arith.constant 1792 : index
    %get3A_129 = arith.constant 0 : index
    %get3A_130 = vector.load %arg3[%get3A_127, %get3A_128, %get3A_129] : memref<1x2048x64xf32, #tpu.memory_space<vmem>>, vector<1x256x64xf32>
    %get3A_131 = vector.shape_cast %get3A_130 : vector<1x256x64xf32> to vector<256x64xf32>
    %mul3A_132 = arith.mulf %get3A_131, %get3A_131 : vector<256x64xf32>
    %dot_general3A_133 = arith.constant dense<0.000000e+00> : vector<256x1xf32>
    %dot_general3A_134 = tpu.matmul %mul3A_132, %broadcast_in_dim3A_4, %dot_general3A_133 {dimension_numbers = #tpu.dot_dimension_numbers<[1], [0], [0], [1], [0, 0, 1, 1], [], []>, precision = #tpu.contract_precision<fp32>, transpose_lhs_hint = false} : vector<256x64xf32>, vector<64x1xf32>, vector<256x1xf32> -> vector<256x1xf32>
    %dot_general3A_135 = arith.constant dense<0.000000e+00> : vector<256x256xf32>
    %dot_general3A_136 = tpu.matmul %get3A_131, %get3A_3, %dot_general3A_135 {dimension_numbers = #tpu.dot_dimension_numbers<[1], [1], [0], [0], [0, 0, 1, 0], [], []>, transpose_lhs_hint = false} : vector<256x64xf32>, vector<256x64xf32>, vector<256x256xf32> -> vector<256x256xf32>
    %mul3A_137 = arith.constant 2.000000e+00 : f32
    %mul3A_138 = vector.broadcast %mul3A_137 : f32 to vector<256x256xf32>
    %mul3A_139 = arith.mulf %mul3A_138, %dot_general3A_136 : vector<256x256xf32>
    %sub3A_140 = vector.broadcast %dot_general3A_134 : vector<256x1xf32> to vector<256x256xf32>
    %sub3A_141 = arith.subf %sub3A_140, %mul3A_139 : vector<256x256xf32>
    %swap3A_142 = arith.constant 1792 : index
    %swap3A_143 = arith.constant 0 : index
    %swap3A_144 = vector.load %arg5[%swap3A_142, %swap3A_143] : memref<2048x256xf32, #tpu.memory_space<vmem>>, vector<256x256xf32>
    tpu.vector_store %arg5[%swap3A_142, %swap3A_143], %sub3A_141 {strides = array<i32>} : memref<2048x256xf32, #tpu.memory_space<vmem>>, vector<256x256xf32>,
    %iota3A = tpu.iota {dimensions = array<i32: 0>} : vector<16x256xi32>
    %broadcast_in_dim3A_145 = arith.constant -1 : i32
    %broadcast_in_dim3A_146 = vector.broadcast %broadcast_in_dim3A_145 : i32 to vector<1x256xi32>
    %broadcast_in_dim3A_147 = arith.constant 0 : i32
    %broadcast_in_dim3A_148 = vector.broadcast %broadcast_in_dim3A_147 : i32 to vector<16x256xi32>
    %scan3A = arith.constant 0 : i32
    %scan3A_149 = arith.constant 16 : i32
    %scan3A_150 = arith.addi %scan3A, %scan3A_149 : i32
    %scan3A_151 = arith.constant 1 : i32
    %scan3A_152:2 = scf.for %scan3A_164 = %scan3A to %scan3A_150 step %scan3A_151 iter_args(%scan3A_165 = %broadcast_in_dim3A_146, %scan3A_166 = %broadcast_in_dim3A_148) -> (vector<1x256xi32>, vector<16x256xi32>)  : i32 {
      %iota3A_167 = tpu.iota {dimensions = array<i32: 0>} : vector<256x256xi32>
      %add3A_168 = arith.constant 0 : i32
      %add3A_169 = vector.broadcast %add3A_168 : i32 to vector<256x256xi32>
      %add3A_170 = arith.addi %iota3A_167, %add3A_169 : vector<256x256xi32>
      %get3A_171 = arith.constant 0 : index
      %get3A_172 = arith.constant 0 : index
      %get3A_173 = vector.load %arg5[%get3A_171, %get3A_172] : memref<2048x256xf32, #tpu.memory_space<vmem>>, vector<256x256xf32>
      %eq3A = vector.broadcast %scan3A_165 : vector<1x256xi32> to vector<256x256xi32>
      %eq3A_174 = arith.cmpi eq, %add3A_170, %eq3A : vector<256x256xi32>
      %jit3A = arith.constant 0x7F800000 : f32
      %broadcast_in_dim3A_175 = vector.broadcast %jit3A : f32 to vector<256x256xf32>
      %select_n3A = arith.select %eq3A_174, %broadcast_in_dim3A_175, %get3A_173 : vector<256x256xi1>, vector<256x256xf32>
      %swap3A_176 = arith.constant 0 : index
      %swap3A_177 = arith.constant 0 : index
      %swap3A_178 = vector.load %arg5[%swap3A_176, %swap3A_177] : memref<2048x256xf32, #tpu.memory_space<vmem>>, vector<256x256xf32>
      tpu.vector_store %arg5[%swap3A_176, %swap3A_177], %select_n3A {strides = array<i32>} : memref<2048x256xf32, #tpu.memory_space<vmem>>, vector<256x256xf32>,
      %iota3A_179 = tpu.iota {dimensions = array<i32: 0>} : vector<256x256xi32>
      %add3A_180 = arith.constant 256 : i32
      %add3A_181 = vector.broadcast %add3A_180 : i32 to vector<256x256xi32>
      %add3A_182 = arith.addi %iota3A_179, %add3A_181 : vector<256x256xi32>
      %get3A_183 = arith.constant 256 : index
      %get3A_184 = arith.constant 0 : index
      %get3A_185 = vector.load %arg5[%get3A_183, %get3A_184] : memref<2048x256xf32, #tpu.memory_space<vmem>>, vector<256x256xf32>
      %eq3A_186 = vector.broadcast %scan3A_165 : vector<1x256xi32> to vector<256x256xi32>
      %eq3A_187 = arith.cmpi eq, %add3A_182, %eq3A_186 : vector<256x256xi32>
      %jit3A_188 = arith.constant 0x7F800000 : f32
      %broadcast_in_dim3A_189 = vector.broadcast %jit3A_188 : f32 to vector<256x256xf32>
      %select_n3A_190 = arith.select %eq3A_187, %broadcast_in_dim3A_189, %get3A_185 : vector<256x256xi1>, vector<256x256xf32>
      %swap3A_191 = arith.constant 256 : index
      %swap3A_192 = arith.constant 0 : index
      %swap3A_193 = vector.load %arg5[%swap3A_191, %swap3A_192] : memref<2048x256xf32, #tpu.memory_space<vmem>>, vector<256x256xf32>
      tpu.vector_store %arg5[%swap3A_191, %swap3A_192], %select_n3A_190 {strides = array<i32>} : memref<2048x256xf32, #tpu.memory_space<vmem>>, vector<256x256xf32>,
      %lt3A = arith.cmpf olt, %select_n3A_190, %select_n3A : vector<256x256xf32>
      %select_n3A_194 = arith.select %lt3A, %select_n3A_190, %select_n3A : vector<256x256xi1>, vector<256x256xf32>
      %select_n3A_195 = arith.select %lt3A, %add3A_182, %add3A_170 : vector<256x256xi1>, vector<256x256xi32>
      %iota3A_196 = tpu.iota {dimensions = array<i32: 0>} : vector<256x256xi32>
      %add3A_197 = arith.constant 512 : i32
      %add3A_198 = vector.broadcast %add3A_197 : i32 to vector<256x256xi32>
      %add3A_199 = arith.addi %iota3A_196, %add3A_198 : vector<256x256xi32>
      %get3A_200 = arith.constant 512 : index
      %get3A_201 = arith.constant 0 : index
      %get3A_202 = vector.load %arg5[%get3A_200, %get3A_201] : memref<2048x256xf32, #tpu.memory_space<vmem>>, vector<256x256xf32>
      %eq3A_203 = vector.broadcast %scan3A_165 : vector<1x256xi32> to vector<256x256xi32>
      %eq3A_204 = arith.cmpi eq, %add3A_199, %eq3A_203 : vector<256x256xi32>
      %jit3A_205 = arith.constant 0x7F800000 : f32
      %broadcast_in_dim3A_206 = vector.broadcast %jit3A_205 : f32 to vector<256x256xf32>
      %select_n3A_207 = arith.select %eq3A_204, %broadcast_in_dim3A_206, %get3A_202 : vector<256x256xi1>, vector<256x256xf32>
      %swap3A_208 = arith.constant 512 : index
      %swap3A_209 = arith.constant 0 : index
      %swap3A_210 = vector.load %arg5[%swap3A_208, %swap3A_209] : memref<2048x256xf32, #tpu.memory_space<vmem>>, vector<256x256xf32>
      tpu.vector_store %arg5[%swap3A_208, %swap3A_209], %select_n3A_207 {strides = array<i32>} : memref<2048x256xf32, #tpu.memory_space<vmem>>, vector<256x256xf32>,
      %lt3A_211 = arith.cmpf olt, %select_n3A_207, %select_n3A_194 : vector<256x256xf32>
      %select_n3A_212 = arith.select %lt3A_211, %select_n3A_207, %select_n3A_194 : vector<256x256xi1>, vector<256x256xf32>
      %select_n3A_213 = arith.select %lt3A_211, %add3A_199, %select_n3A_195 : vector<256x256xi1>, vector<256x256xi32>
      %iota3A_214 = tpu.iota {dimensions = array<i32: 0>} : vector<256x256xi32>
      %add3A_215 = arith.constant 768 : i32
      %add3A_216 = vector.broadcast %add3A_215 : i32 to vector<256x256xi32>
      %add3A_217 = arith.addi %iota3A_214, %add3A_216 : vector<256x256xi32>
      %get3A_218 = arith.constant 768 : index
      %get3A_219 = arith.constant 0 : index
      %get3A_220 = vector.load %arg5[%get3A_218, %get3A_219] : memref<2048x256xf32, #tpu.memory_space<vmem>>, vector<256x256xf32>
      %eq3A_221 = vector.broadcast %scan3A_165 : vector<1x256xi32> to vector<256x256xi32>
      %eq3A_222 = arith.cmpi eq, %add3A_217, %eq3A_221 : vector<256x256xi32>
      %jit3A_223 = arith.constant 0x7F800000 : f32
      %broadcast_in_dim3A_224 = vector.broadcast %jit3A_223 : f32 to vector<256x256xf32>
      %select_n3A_225 = arith.select %eq3A_222, %broadcast_in_dim3A_224, %get3A_220 : vector<256x256xi1>, vector<256x256xf32>
      %swap3A_226 = arith.constant 768 : index
      %swap3A_227 = arith.constant 0 : index
      %swap3A_228 = vector.load %arg5[%swap3A_226, %swap3A_227] : memref<2048x256xf32, #tpu.memory_space<vmem>>, vector<256x256xf32>
      tpu.vector_store %arg5[%swap3A_226, %swap3A_227], %select_n3A_225 {strides = array<i32>} : memref<2048x256xf32, #tpu.memory_space<vmem>>, vector<256x256xf32>,
      %lt3A_229 = arith.cmpf olt, %select_n3A_225, %select_n3A_212 : vector<256x256xf32>
      %select_n3A_230 = arith.select %lt3A_229, %select_n3A_225, %select_n3A_212 : vector<256x256xi1>, vector<256x256xf32>
      %select_n3A_231 = arith.select %lt3A_229, %add3A_217, %select_n3A_213 : vector<256x256xi1>, vector<256x256xi32>
      %iota3A_232 = tpu.iota {dimensions = array<i32: 0>} : vector<256x256xi32>
      %add3A_233 = arith.constant 1024 : i32
      %add3A_234 = vector.broadcast %add3A_233 : i32 to vector<256x256xi32>
      %add3A_235 = arith.addi %iota3A_232, %add3A_234 : vector<256x256xi32>
      %get3A_236 = arith.constant 1024 : index
      %get3A_237 = arith.constant 0 : index
      %get3A_238 = vector.load %arg5[%get3A_236, %get3A_237] : memref<2048x256xf32, #tpu.memory_space<vmem>>, vector<256x256xf32>
      %eq3A_239 = vector.broadcast %scan3A_165 : vector<1x256xi32> to vector<256x256xi32>
      %eq3A_240 = arith.cmpi eq, %add3A_235, %eq3A_239 : vector<256x256xi32>
      %jit3A_241 = arith.constant 0x7F800000 : f32
      %broadcast_in_dim3A_242 = vector.broadcast %jit3A_241 : f32 to vector<256x256xf32>
      %select_n3A_243 = arith.select %eq3A_240, %broadcast_in_dim3A_242, %get3A_238 : vector<256x256xi1>, vector<256x256xf32>
      %swap3A_244 = arith.constant 1024 : index
      %swap3A_245 = arith.constant 0 : index
      %swap3A_246 = vector.load %arg5[%swap3A_244, %swap3A_245] : memref<2048x256xf32, #tpu.memory_space<vmem>>, vector<256x256xf32>
      tpu.vector_store %arg5[%swap3A_244, %swap3A_245], %select_n3A_243 {strides = array<i32>} : memref<2048x256xf32, #tpu.memory_space<vmem>>, vector<256x256xf32>,
      %lt3A_247 = arith.cmpf olt, %select_n3A_243, %select_n3A_230 : vector<256x256xf32>
      %select_n3A_248 = arith.select %lt3A_247, %select_n3A_243, %select_n3A_230 : vector<256x256xi1>, vector<256x256xf32>
      %select_n3A_249 = arith.select %lt3A_247, %add3A_235, %select_n3A_231 : vector<256x256xi1>, vector<256x256xi32>
      %iota3A_250 = tpu.iota {dimensions = array<i32: 0>} : vector<256x256xi32>
      %add3A_251 = arith.constant 1280 : i32
      %add3A_252 = vector.broadcast %add3A_251 : i32 to vector<256x256xi32>
      %add3A_253 = arith.addi %iota3A_250, %add3A_252 : vector<256x256xi32>
      %get3A_254 = arith.constant 1280 : index
      %get3A_255 = arith.constant 0 : index
      %get3A_256 = vector.load %arg5[%get3A_254, %get3A_255] : memref<2048x256xf32, #tpu.memory_space<vmem>>, vector<256x256xf32>
      %eq3A_257 = vector.broadcast %scan3A_165 : vector<1x256xi32> to vector<256x256xi32>
      %eq3A_258 = arith.cmpi eq, %add3A_253, %eq3A_257 : vector<256x256xi32>
      %jit3A_259 = arith.constant 0x7F800000 : f32
      %broadcast_in_dim3A_260 = vector.broadcast %jit3A_259 : f32 to vector<256x256xf32>
      %select_n3A_261 = arith.select %eq3A_258, %broadcast_in_dim3A_260, %get3A_256 : vector<256x256xi1>, vector<256x256xf32>
      %swap3A_262 = arith.constant 1280 : index
      %swap3A_263 = arith.constant 0 : index
      %swap3A_264 = vector.load %arg5[%swap3A_262, %swap3A_263] : memref<2048x256xf32, #tpu.memory_space<vmem>>, vector<256x256xf32>
      tpu.vector_store %arg5[%swap3A_262, %swap3A_263], %select_n3A_261 {strides = array<i32>} : memref<2048x256xf32, #tpu.memory_space<vmem>>, vector<256x256xf32>,
      %lt3A_265 = arith.cmpf olt, %select_n3A_261, %select_n3A_248 : vector<256x256xf32>
      %select_n3A_266 = arith.select %lt3A_265, %select_n3A_261, %select_n3A_248 : vector<256x256xi1>, vector<256x256xf32>
      %select_n3A_267 = arith.select %lt3A_265, %add3A_253, %select_n3A_249 : vector<256x256xi1>, vector<256x256xi32>
      %iota3A_268 = tpu.iota {dimensions = array<i32: 0>} : vector<256x256xi32>
      %add3A_269 = arith.constant 1536 : i32
      %add3A_270 = vector.broadcast %add3A_269 : i32 to vector<256x256xi32>
      %add3A_271 = arith.addi %iota3A_268, %add3A_270 : vector<256x256xi32>
      %get3A_272 = arith.constant 1536 : index
      %get3A_273 = arith.constant 0 : index
      %get3A_274 = vector.load %arg5[%get3A_272, %get3A_273] : memref<2048x256xf32, #tpu.memory_space<vmem>>, vector<256x256xf32>
      %eq3A_275 = vector.broadcast %scan3A_165 : vector<1x256xi32> to vector<256x256xi32>
      %eq3A_276 = arith.cmpi eq, %add3A_271, %eq3A_275 : vector<256x256xi32>
      %jit3A_277 = arith.constant 0x7F800000 : f32
      %broadcast_in_dim3A_278 = vector.broadcast %jit3A_277 : f32 to vector<256x256xf32>
      %select_n3A_279 = arith.select %eq3A_276, %broadcast_in_dim3A_278, %get3A_274 : vector<256x256xi1>, vector<256x256xf32>
      %swap3A_280 = arith.constant 1536 : index
      %swap3A_281 = arith.constant 0 : index
      %swap3A_282 = vector.load %arg5[%swap3A_280, %swap3A_281] : memref<2048x256xf32, #tpu.memory_space<vmem>>, vector<256x256xf32>
      tpu.vector_store %arg5[%swap3A_280, %swap3A_281], %select_n3A_279 {strides = array<i32>} : memref<2048x256xf32, #tpu.memory_space<vmem>>, vector<256x256xf32>,
      %lt3A_283 = arith.cmpf olt, %select_n3A_279, %select_n3A_266 : vector<256x256xf32>
      %select_n3A_284 = arith.select %lt3A_283, %select_n3A_279, %select_n3A_266 : vector<256x256xi1>, vector<256x256xf32>
      %select_n3A_285 = arith.select %lt3A_283, %add3A_271, %select_n3A_267 : vector<256x256xi1>, vector<256x256xi32>
      %iota3A_286 = tpu.iota {dimensions = array<i32: 0>} : vector<256x256xi32>
      %add3A_287 = arith.constant 1792 : i32
      %add3A_288 = vector.broadcast %add3A_287 : i32 to vector<256x256xi32>
      %add3A_289 = arith.addi %iota3A_286, %add3A_288 : vector<256x256xi32>
      %get3A_290 = arith.constant 1792 : index
      %get3A_291 = arith.constant 0 : index
      %get3A_292 = vector.load %arg5[%get3A_290, %get3A_291] : memref<2048x256xf32, #tpu.memory_space<vmem>>, vector<256x256xf32>
      %eq3A_293 = vector.broadcast %scan3A_165 : vector<1x256xi32> to vector<256x256xi32>
      %eq3A_294 = arith.cmpi eq, %add3A_289, %eq3A_293 : vector<256x256xi32>
      %jit3A_295 = arith.constant 0x7F800000 : f32
      %broadcast_in_dim3A_296 = vector.broadcast %jit3A_295 : f32 to vector<256x256xf32>
      %select_n3A_297 = arith.select %eq3A_294, %broadcast_in_dim3A_296, %get3A_292 : vector<256x256xi1>, vector<256x256xf32>
      %swap3A_298 = arith.constant 1792 : index
      %swap3A_299 = arith.constant 0 : index
      %swap3A_300 = vector.load %arg5[%swap3A_298, %swap3A_299] : memref<2048x256xf32, #tpu.memory_space<vmem>>, vector<256x256xf32>
      tpu.vector_store %arg5[%swap3A_298, %swap3A_299], %select_n3A_297 {strides = array<i32>} : memref<2048x256xf32, #tpu.memory_space<vmem>>, vector<256x256xf32>,
      %lt3A_301 = arith.cmpf olt, %select_n3A_297, %select_n3A_284 : vector<256x256xf32>
      %select_n3A_302 = arith.select %lt3A_301, %select_n3A_297, %select_n3A_284 : vector<256x256xi1>, vector<256x256xf32>
      %select_n3A_303 = arith.select %lt3A_301, %add3A_289, %select_n3A_285 : vector<256x256xi1>, vector<256x256xi32>
      %slice3A = vector.extract_strided_slice %select_n3A_302 {offsets = [0, 0], sizes = [128, 256], strides = [1, 1]} : vector<256x256xf32> to vector<128x256xf32>
      %slice3A_304 = vector.extract_strided_slice %select_n3A_303 {offsets = [0, 0], sizes = [128, 256], strides = [1, 1]} : vector<256x256xi32> to vector<128x256xi32>
      %slice3A_305 = vector.extract_strided_slice %select_n3A_302 {offsets = [128, 0], sizes = [128, 256], strides = [1, 1]} : vector<256x256xf32> to vector<128x256xf32>
      %slice3A_306 = vector.extract_strided_slice %select_n3A_303 {offsets = [128, 0], sizes = [128, 256], strides = [1, 1]} : vector<256x256xi32> to vector<128x256xi32>
      %lt3A_307 = arith.cmpf olt, %slice3A_305, %slice3A : vector<128x256xf32>
      %eq3A_308 = arith.cmpf oeq, %slice3A_305, %slice3A : vector<128x256xf32>
      %lt3A_309 = arith.cmpi slt, %slice3A_306, %slice3A_304 : vector<128x256xi32>
      %and3A = arith.andi %eq3A_308, %lt3A_309 : vector<128x256xi1>
      %or3A = arith.ori %lt3A_307, %and3A : vector<128x256xi1>
      %select_n3A_310 = arith.select %or3A, %slice3A_305, %slice3A : vector<128x256xi1>, vector<128x256xf32>
      %select_n3A_311 = arith.select %or3A, %slice3A_306, %slice3A_304 : vector<128x256xi1>, vector<128x256xi32>
      %slice3A_312 = vector.extract_strided_slice %select_n3A_310 {offsets = [0, 0], sizes = [64, 256], strides = [1, 1]} : vector<128x256xf32> to vector<64x256xf32>
      %slice3A_313 = vector.extract_strided_slice %select_n3A_311 {offsets = [0, 0], sizes = [64, 256], strides = [1, 1]} : vector<128x256xi32> to vector<64x256xi32>
      %slice3A_314 = vector.extract_strided_slice %select_n3A_310 {offsets = [64, 0], sizes = [64, 256], strides = [1, 1]} : vector<128x256xf32> to vector<64x256xf32>
      %slice3A_315 = vector.extract_strided_slice %select_n3A_311 {offsets = [64, 0], sizes = [64, 256], strides = [1, 1]} : vector<128x256xi32> to vector<64x256xi32>
      %lt3A_316 = arith.cmpf olt, %slice3A_314, %slice3A_312 : vector<64x256xf32>
      %eq3A_317 = arith.cmpf oeq, %slice3A_314, %slice3A_312 : vector<64x256xf32>
      %lt3A_318 = arith.cmpi slt, %slice3A_315, %slice3A_313 : vector<64x256xi32>
      %and3A_319 = arith.andi %eq3A_317, %lt3A_318 : vector<64x256xi1>
      %or3A_320 = arith.ori %lt3A_316, %and3A_319 : vector<64x256xi1>
      %select_n3A_321 = arith.select %or3A_320, %slice3A_314, %slice3A_312 : vector<64x256xi1>, vector<64x256xf32>
      %select_n3A_322 = arith.select %or3A_320, %slice3A_315, %slice3A_313 : vector<64x256xi1>, vector<64x256xi32>
      %slice3A_323 = vector.extract_strided_slice %select_n3A_321 {offsets = [0, 0], sizes = [32, 256], strides = [1, 1]} : vector<64x256xf32> to vector<32x256xf32>
      %slice3A_324 = vector.extract_strided_slice %select_n3A_322 {offsets = [0, 0], sizes = [32, 256], strides = [1, 1]} : vector<64x256xi32> to vector<32x256xi32>
      %slice3A_325 = vector.extract_strided_slice %select_n3A_321 {offsets = [32, 0], sizes = [32, 256], strides = [1, 1]} : vector<64x256xf32> to vector<32x256xf32>
      %slice3A_326 = vector.extract_strided_slice %select_n3A_322 {offsets = [32, 0], sizes = [32, 256], strides = [1, 1]} : vector<64x256xi32> to vector<32x256xi32>
      %lt3A_327 = arith.cmpf olt, %slice3A_325, %slice3A_323 : vector<32x256xf32>
      %eq3A_328 = arith.cmpf oeq, %slice3A_325, %slice3A_323 : vector<32x256xf32>
      %lt3A_329 = arith.cmpi slt, %slice3A_326, %slice3A_324 : vector<32x256xi32>
      %and3A_330 = arith.andi %eq3A_328, %lt3A_329 : vector<32x256xi1>
      %or3A_331 = arith.ori %lt3A_327, %and3A_330 : vector<32x256xi1>
      %select_n3A_332 = arith.select %or3A_331, %slice3A_325, %slice3A_323 : vector<32x256xi1>, vector<32x256xf32>
      %select_n3A_333 = arith.select %or3A_331, %slice3A_326, %slice3A_324 : vector<32x256xi1>, vector<32x256xi32>
      %slice3A_334 = vector.extract_strided_slice %select_n3A_332 {offsets = [0, 0], sizes = [16, 256], strides = [1, 1]} : vector<32x256xf32> to vector<16x256xf32>
      %slice3A_335 = vector.extract_strided_slice %select_n3A_333 {offsets = [0, 0], sizes = [16, 256], strides = [1, 1]} : vector<32x256xi32> to vector<16x256xi32>
      %slice3A_336 = vector.extract_strided_slice %select_n3A_332 {offsets = [16, 0], sizes = [16, 256], strides = [1, 1]} : vector<32x256xf32> to vector<16x256xf32>
      %slice3A_337 = vector.extract_strided_slice %select_n3A_333 {offsets = [16, 0], sizes = [16, 256], strides = [1, 1]} : vector<32x256xi32> to vector<16x256xi32>
      %lt3A_338 = arith.cmpf olt, %slice3A_336, %slice3A_334 : vector<16x256xf32>
      %eq3A_339 = arith.cmpf oeq, %slice3A_336, %slice3A_334 : vector<16x256xf32>
      %lt3A_340 = arith.cmpi slt, %slice3A_337, %slice3A_335 : vector<16x256xi32>
      %and3A_341 = arith.andi %eq3A_339, %lt3A_340 : vector<16x256xi1>
      %or3A_342 = arith.ori %lt3A_338, %and3A_341 : vector<16x256xi1>
      %select_n3A_343 = arith.select %or3A_342, %slice3A_336, %slice3A_334 : vector<16x256xi1>, vector<16x256xf32>
      %select_n3A_344 = arith.select %or3A_342, %slice3A_337, %slice3A_335 : vector<16x256xi1>, vector<16x256xi32>
      %slice3A_345 = vector.extract_strided_slice %select_n3A_343 {offsets = [0, 0], sizes = [8, 256], strides = [1, 1]} : vector<16x256xf32> to vector<8x256xf32>
      %slice3A_346 = vector.extract_strided_slice %select_n3A_344 {offsets = [0, 0], sizes = [8, 256], strides = [1, 1]} : vector<16x256xi32> to vector<8x256xi32>
      %slice3A_347 = vector.extract_strided_slice %select_n3A_343 {offsets = [8, 0], sizes = [8, 256], strides = [1, 1]} : vector<16x256xf32> to vector<8x256xf32>
      %slice3A_348 = vector.extract_strided_slice %select_n3A_344 {offsets = [8, 0], sizes = [8, 256], strides = [1, 1]} : vector<16x256xi32> to vector<8x256xi32>
      %lt3A_349 = arith.cmpf olt, %slice3A_347, %slice3A_345 : vector<8x256xf32>
      %eq3A_350 = arith.cmpf oeq, %slice3A_347, %slice3A_345 : vector<8x256xf32>
      %lt3A_351 = arith.cmpi slt, %slice3A_348, %slice3A_346 : vector<8x256xi32>
      %and3A_352 = arith.andi %eq3A_350, %lt3A_351 : vector<8x256xi1>
      %or3A_353 = arith.ori %lt3A_349, %and3A_352 : vector<8x256xi1>
      %select_n3A_354 = arith.select %or3A_353, %slice3A_347, %slice3A_345 : vector<8x256xi1>, vector<8x256xf32>
      %select_n3A_355 = arith.select %or3A_353, %slice3A_348, %slice3A_346 : vector<8x256xi1>, vector<8x256xi32>
      %reduce_min3A = arith.constant dense<0x7F800000> : vector<256xf32>
      %reduce_min3A_356 = vector.multi_reduction <minimumf>, %select_n3A_354, %reduce_min3A [0] : vector<8x256xf32> to vector<256xf32>
      %broadcast_in_dim3A_357 = vector.shape_cast %reduce_min3A_356 : vector<256xf32> to vector<1x256xf32>
      %eq3A_358 = vector.broadcast %broadcast_in_dim3A_357 : vector<1x256xf32> to vector<8x256xf32>
      %eq3A_359 = arith.cmpf oeq, %select_n3A_354, %eq3A_358 : vector<8x256xf32>
      %jit3A_360 = arith.constant 8192 : i32
      %broadcast_in_dim3A_361 = vector.broadcast %jit3A_360 : i32 to vector<8x256xi32>
      %select_n3A_362 = arith.select %eq3A_359, %select_n3A_355, %broadcast_in_dim3A_361 : vector<8x256xi1>, vector<8x256xi32>
      %reduce_min3A_363 = arith.constant dense<2147483647> : vector<256xi32>
      %reduce_min3A_364 = vector.multi_reduction <minsi>, %select_n3A_362, %reduce_min3A_363 [0] : vector<8x256xi32> to vector<256xi32>
      %broadcast_in_dim3A_365 = vector.shape_cast %reduce_min3A_364 : vector<256xi32> to vector<1x256xi32>
      %eq3A_366 = vector.broadcast %scan3A_164 : i32 to vector<16x256xi32>
      %eq3A_367 = arith.cmpi eq, %iota3A, %eq3A_366 : vector<16x256xi32>
      %broadcast_in_dim3A_368 = vector.shape_cast %broadcast_in_dim3A_365 : vector<1x256xi32> to vector<1x256xi32>
      %broadcast_in_dim3A_369 = vector.broadcast %broadcast_in_dim3A_368 : vector<1x256xi32> to vector<16x256xi32>
      %select_n3A_370 = arith.select %eq3A_367, %broadcast_in_dim3A_369, %scan3A_166 : vector<16x256xi1>, vector<16x256xi32>
      scf.yield %broadcast_in_dim3A_365, %select_n3A_370 : vector<1x256xi32>, vector<16x256xi32>
    }
    %scan3A_153 = arith.constant 16 : i32
    %mul3A_154 = arith.constant 2048 : i32
    %mul3A_155 = arith.muli %arg0, %mul3A_154 : i32
    %add3A = vector.broadcast %mul3A_155 : i32 to vector<16x256xi32>
    %add3A_156 = arith.addi %scan3A_152#1, %add3A : vector<16x256xi32>
    %swap3A_157 = arith.constant 0 : index
    %swap3A_158 = arith.constant 0 : index
    %swap3A_159 = arith.constant 0 : index
    %swap3A_160 = arith.constant 0 : index
    %swap3A_161 = vector.load %arg4[%swap3A_157, %swap3A_158, %swap3A_159, %swap3A_160] : memref<1x1x16x256xi32, #tpu.memory_space<vmem>>, vector<1x1x16x256xi32>
    %swap3A_162 = vector.shape_cast %swap3A_161 : vector<1x1x16x256xi32> to vector<16x256xi32>
    %swap3A_163 = vector.shape_cast %add3A_156 : vector<16x256xi32> to vector<1x1x16x256xi32>
    tpu.vector_store %arg4[%swap3A_157, %swap3A_158, %swap3A_159, %swap3A_160], %swap3A_163 {strides = array<i32>} : memref<1x1x16x256xi32, #tpu.memory_space<vmem>>, vector<1x1x16x256xi32>,
    return
  }
  func.func @transform_0(%arg0: i32, %arg1: i32) -> (i32, i32, i32) {
    %c0_i32 = arith.constant 0 : i32
    %c0_i32_0 = arith.constant 0 : i32
    return %arg0, %arg1, %c0_i32 : i32, i32, i32
  }
  func.func @transform_1(%arg0: i32, %arg1: i32) -> (i32, i32, i32) {
    %c0_i32 = arith.constant 0 : i32
    %c0_i32_0 = arith.constant 0 : i32
    %c0_i32_1 = arith.constant 0 : i32
    return %arg0, %c0_i32, %c0_i32_0 : i32, i32, i32
  }
  func.func @transform_2(%arg0: i32, %arg1: i32) -> (i32, i32, i32, i32) {
    %c0_i32 = arith.constant 0 : i32
    %c0_i32_0 = arith.constant 0 : i32
    %c0_i32_1 = arith.constant 0 : i32
    return %arg0, %arg1, %c0_i32, %c0_i32_0 : i32, i32, i32, i32
  }
}

module attributes {stable_mosaic.version = 14 : i64} {
  func.func @_attn_body(%arg0: i32, %arg1: i32, %arg2: memref<1x256x64xf32, #tpu.memory_space<vmem>>, %arg3: memref<1x4096x128xf32, #tpu.memory_space<vmem>>, %arg4: memref<64x128xf32, #tpu.memory_space<vmem>>, %arg5: memref<64x128xf32, #tpu.memory_space<vmem>>, %arg6: memref<64x256xf32, #tpu.memory_space<vmem>>, %arg7: memref<64x32xf32, #tpu.memory_space<vmem>>, %arg8: memref<32x64xf32, #tpu.memory_space<vmem>>, %arg9: memref<64x128xf32, #tpu.memory_space<vmem>>, %arg10: memref<4x32x64xf32, #tpu.memory_space<vmem>>, %arg11: memref<256x64xf32, #tpu.memory_space<vmem>>, %arg12: memref<1x256x64xf32, #tpu.memory_space<vmem>>) attributes {dimension_semantics = [#tpu.dimension_semantics<arbitrary>, #tpu.dimension_semantics<arbitrary>], iteration_bounds = array<i64: 1, 8>, scalar_prefetch = 0 : i64, scratch_operands = 0 : i64, tpu.core_type = #tpu.core_type<tc>, window_params = [{transform_indices = @transform_0, window_bounds = array<i64: 1, 256, 64>}, {transform_indices = @transform_1, window_bounds = array<i64: 1, 4096, 128>}, {pipeline_mode = #tpu.pipeline_mode<synchronous>, transform_indices = @transform_2, window_bounds = array<i64: 64, 128>}, {pipeline_mode = #tpu.pipeline_mode<synchronous>, transform_indices = @transform_3, window_bounds = array<i64: 64, 128>}, {pipeline_mode = #tpu.pipeline_mode<synchronous>, transform_indices = @transform_4, window_bounds = array<i64: 64, 256>}, {pipeline_mode = #tpu.pipeline_mode<synchronous>, transform_indices = @transform_5, window_bounds = array<i64: 64, 32>}, {pipeline_mode = #tpu.pipeline_mode<synchronous>, transform_indices = @transform_6, window_bounds = array<i64: 32, 64>}, {pipeline_mode = #tpu.pipeline_mode<synchronous>, transform_indices = @transform_7, window_bounds = array<i64: 64, 128>}, {pipeline_mode = #tpu.pipeline_mode<synchronous>, transform_indices = @transform_8, window_bounds = array<i64: 4, 32, 64>}, {pipeline_mode = #tpu.pipeline_mode<synchronous>, transform_indices = @transform_9, window_bounds = array<i64: 256, 64>}, {transform_indices = @transform_10, window_bounds = array<i64: 1, 256, 64>}]} {
    %get3A = arith.constant 0 : index
    %get3A_0 = arith.constant 0 : index
    %get3A_1 = arith.constant 0 : index
    %get3A_2 = vector.load %arg2[%get3A, %get3A_0, %get3A_1] : memref<1x256x64xf32, #tpu.memory_space<vmem>>, vector<1x256x64xf32>
    %get3A_3 = vector.shape_cast %get3A_2 : vector<1x256x64xf32> to vector<256x64xf32>
    %get3A_4 = arith.constant 0 : index
    %get3A_5 = arith.constant 0 : index
    %get3A_6 = arith.constant 0 : index
    %get3A_7 = vector.load %arg3[%get3A_4, %get3A_5, %get3A_6] : memref<1x4096x128xf32, #tpu.memory_space<vmem>>, vector<1x4096x128xf32>
    %get3A_8 = vector.shape_cast %get3A_7 : vector<1x4096x128xf32> to vector<4096x128xf32>
    %slice3A = vector.extract_strided_slice %get3A_8 {offsets = [0, 0], sizes = [4096, 64], strides = [1, 1]} : vector<4096x128xf32> to vector<4096x64xf32>
    %reshape3A = vector.shape_cast %slice3A : vector<4096x64xf32> to vector<256x16x64xf32>
    %broadcast_in_dim3A = vector.shape_cast %get3A_3 : vector<256x64xf32> to vector<256x1x64xf32>
    %sub3A = vector.broadcast %broadcast_in_dim3A : vector<256x1x64xf32> to vector<256x16x64xf32>
    %sub3A_9 = arith.subf %reshape3A, %sub3A : vector<256x16x64xf32>
    %reshape3A_10 = vector.shape_cast %sub3A_9 : vector<256x16x64xf32> to vector<4096x64xf32>
    %get3A_11 = arith.constant 0 : index
    %get3A_12 = arith.constant 0 : index
    %get3A_13 = vector.load %arg7[%get3A_11, %get3A_12] : memref<64x32xf32, #tpu.memory_space<vmem>>, vector<64x32xf32>
    %dot_general3A = arith.constant dense<0.000000e+00> : vector<4096x32xf32>
    %dot_general3A_14 = tpu.matmul %reshape3A_10, %get3A_13, %dot_general3A {dimension_numbers = #tpu.dot_dimension_numbers<[1], [0], [0], [1], [0, 0, 1, 1], [], []>, transpose_lhs_hint = false} : vector<4096x64xf32>, vector<64x32xf32>, vector<4096x32xf32> -> vector<4096x32xf32>
    %max3A = arith.constant 0.000000e+00 : f32
    %max3A_15 = vector.broadcast %max3A : f32 to vector<4096x32xf32>
    %max3A_16 = arith.maximumf %dot_general3A_14, %max3A_15 : vector<4096x32xf32>
    %get3A_17 = arith.constant 0 : index
    %get3A_18 = arith.constant 0 : index
    %get3A_19 = vector.load %arg8[%get3A_17, %get3A_18] : memref<32x64xf32, #tpu.memory_space<vmem>>, vector<32x64xf32>
    %dot_general3A_20 = arith.constant dense<0.000000e+00> : vector<4096x64xf32>
    %dot_general3A_21 = tpu.matmul %max3A_16, %get3A_19, %dot_general3A_20 {dimension_numbers = #tpu.dot_dimension_numbers<[1], [0], [0], [1], [0, 0, 1, 1], [], []>, transpose_lhs_hint = false} : vector<4096x32xf32>, vector<32x64xf32>, vector<4096x64xf32> -> vector<4096x64xf32>
    %get3A_22 = arith.constant 0 : index
    %get3A_23 = arith.constant 0 : index
    %get3A_24 = vector.load %arg9[%get3A_22, %get3A_23] : memref<64x128xf32, #tpu.memory_space<vmem>>, vector<64x128xf32>
    %dot_general3A_25 = arith.constant dense<0.000000e+00> : vector<4096x128xf32>
    %dot_general3A_26 = tpu.matmul %dot_general3A_21, %get3A_24, %dot_general3A_25 {dimension_numbers = #tpu.dot_dimension_numbers<[1], [0], [0], [1], [0, 0, 1, 1], [], []>, transpose_lhs_hint = false} : vector<4096x64xf32>, vector<64x128xf32>, vector<4096x128xf32> -> vector<4096x128xf32>
    %get3A_27 = arith.constant 0 : index
    %get3A_28 = arith.constant 0 : index
    %get3A_29 = vector.load %arg4[%get3A_27, %get3A_28] : memref<64x128xf32, #tpu.memory_space<vmem>>, vector<64x128xf32>
    %dot_general3A_30 = arith.constant dense<0.000000e+00> : vector<256x128xf32>
    %dot_general3A_31 = tpu.matmul %get3A_3, %get3A_29, %dot_general3A_30 {dimension_numbers = #tpu.dot_dimension_numbers<[1], [0], [0], [1], [0, 0, 1, 1], [], []>, transpose_lhs_hint = false} : vector<256x64xf32>, vector<64x128xf32>, vector<256x128xf32> -> vector<256x128xf32>
    %get3A_32 = arith.constant 0 : index
    %get3A_33 = arith.constant 0 : index
    %get3A_34 = vector.load %arg5[%get3A_32, %get3A_33] : memref<64x128xf32, #tpu.memory_space<vmem>>, vector<64x128xf32>
    %dot_general3A_35 = arith.constant dense<0.000000e+00> : vector<4096x128xf32>
    %dot_general3A_36 = tpu.matmul %slice3A, %get3A_34, %dot_general3A_35 {dimension_numbers = #tpu.dot_dimension_numbers<[1], [0], [0], [1], [0, 0, 1, 1], [], []>, transpose_lhs_hint = false} : vector<4096x64xf32>, vector<64x128xf32>, vector<4096x128xf32> -> vector<4096x128xf32>
    %get3A_37 = arith.constant 0 : index
    %get3A_38 = arith.constant 0 : index
    %get3A_39 = vector.load %arg6[%get3A_37, %get3A_38] : memref<64x256xf32, #tpu.memory_space<vmem>>, vector<64x256xf32>
    %dot_general3A_40 = arith.constant dense<0.000000e+00> : vector<4096x256xf32>
    %dot_general3A_41 = tpu.matmul %slice3A, %get3A_39, %dot_general3A_40 {dimension_numbers = #tpu.dot_dimension_numbers<[1], [0], [0], [1], [0, 0, 1, 1], [], []>, transpose_lhs_hint = false} : vector<4096x64xf32>, vector<64x256xf32>, vector<4096x256xf32> -> vector<4096x256xf32>
    %broadcast_in_dim3A_42 = vector.shape_cast %dot_general3A_31 : vector<256x128xf32> to vector<256x1x128xf32>
    %reshape3A_43 = vector.shape_cast %dot_general3A_36 : vector<4096x128xf32> to vector<256x16x128xf32>
    %sub3A_44 = vector.broadcast %broadcast_in_dim3A_42 : vector<256x1x128xf32> to vector<256x16x128xf32>
    %sub3A_45 = arith.subf %sub3A_44, %reshape3A_43 : vector<256x16x128xf32>
    %reshape3A_46 = vector.shape_cast %sub3A_45 : vector<256x16x128xf32> to vector<4096x128xf32>
    %add3A = arith.addf %reshape3A_46, %dot_general3A_26 : vector<4096x128xf32>
    %max3A_47 = arith.constant 0.000000e+00 : f32
    %max3A_48 = vector.broadcast %max3A_47 : f32 to vector<4096x128xf32>
    %max3A_49 = arith.maximumf %add3A, %max3A_48 : vector<4096x128xf32>
    %slice3A_50 = vector.extract_strided_slice %max3A_49 {offsets = [0, 0], sizes = [4096, 32], strides = [1, 1]} : vector<4096x128xf32> to vector<4096x32xf32>
    %get3A_51 = arith.constant 0 : index
    %get3A_52 = arith.constant 0 : index
    %get3A_53 = arith.constant 0 : index
    %get3A_54 = vector.load %arg10[%get3A_51, %get3A_52, %get3A_53] : memref<4x32x64xf32, #tpu.memory_space<vmem>>, vector<1x32x64xf32>
    %get3A_55 = vector.shape_cast %get3A_54 : vector<1x32x64xf32> to vector<32x64xf32>
    %dot_general3A_56 = arith.constant dense<0.000000e+00> : vector<4096x64xf32>
    %dot_general3A_57 = tpu.matmul %slice3A_50, %get3A_55, %dot_general3A_56 {dimension_numbers = #tpu.dot_dimension_numbers<[1], [0], [0], [1], [0, 0, 1, 1], [], []>, transpose_lhs_hint = false} : vector<4096x32xf32>, vector<32x64xf32>, vector<4096x64xf32> -> vector<4096x64xf32>
    %slice3A_58 = vector.extract_strided_slice %max3A_49 {offsets = [0, 32], sizes = [4096, 32], strides = [1, 1]} : vector<4096x128xf32> to vector<4096x32xf32>
    %get3A_59 = arith.constant 1 : index
    %get3A_60 = arith.constant 0 : index
    %get3A_61 = arith.constant 0 : index
    %get3A_62 = vector.load %arg10[%get3A_59, %get3A_60, %get3A_61] : memref<4x32x64xf32, #tpu.memory_space<vmem>>, vector<1x32x64xf32>
    %get3A_63 = vector.shape_cast %get3A_62 : vector<1x32x64xf32> to vector<32x64xf32>
    %dot_general3A_64 = arith.constant dense<0.000000e+00> : vector<4096x64xf32>
    %dot_general3A_65 = tpu.matmul %slice3A_58, %get3A_63, %dot_general3A_64 {dimension_numbers = #tpu.dot_dimension_numbers<[1], [0], [0], [1], [0, 0, 1, 1], [], []>, transpose_lhs_hint = false} : vector<4096x32xf32>, vector<32x64xf32>, vector<4096x64xf32> -> vector<4096x64xf32>
    %slice3A_66 = vector.extract_strided_slice %max3A_49 {offsets = [0, 64], sizes = [4096, 32], strides = [1, 1]} : vector<4096x128xf32> to vector<4096x32xf32>
    %get3A_67 = arith.constant 2 : index
    %get3A_68 = arith.constant 0 : index
    %get3A_69 = arith.constant 0 : index
    %get3A_70 = vector.load %arg10[%get3A_67, %get3A_68, %get3A_69] : memref<4x32x64xf32, #tpu.memory_space<vmem>>, vector<1x32x64xf32>
    %get3A_71 = vector.shape_cast %get3A_70 : vector<1x32x64xf32> to vector<32x64xf32>
    %dot_general3A_72 = arith.constant dense<0.000000e+00> : vector<4096x64xf32>
    %dot_general3A_73 = tpu.matmul %slice3A_66, %get3A_71, %dot_general3A_72 {dimension_numbers = #tpu.dot_dimension_numbers<[1], [0], [0], [1], [0, 0, 1, 1], [], []>, transpose_lhs_hint = false} : vector<4096x32xf32>, vector<32x64xf32>, vector<4096x64xf32> -> vector<4096x64xf32>
    %slice3A_74 = vector.extract_strided_slice %max3A_49 {offsets = [0, 96], sizes = [4096, 32], strides = [1, 1]} : vector<4096x128xf32> to vector<4096x32xf32>
    %get3A_75 = arith.constant 3 : index
    %get3A_76 = arith.constant 0 : index
    %get3A_77 = arith.constant 0 : index
    %get3A_78 = vector.load %arg10[%get3A_75, %get3A_76, %get3A_77] : memref<4x32x64xf32, #tpu.memory_space<vmem>>, vector<1x32x64xf32>
    %get3A_79 = vector.shape_cast %get3A_78 : vector<1x32x64xf32> to vector<32x64xf32>
    %dot_general3A_80 = arith.constant dense<0.000000e+00> : vector<4096x64xf32>
    %dot_general3A_81 = tpu.matmul %slice3A_74, %get3A_79, %dot_general3A_80 {dimension_numbers = #tpu.dot_dimension_numbers<[1], [0], [0], [1], [0, 0, 1, 1], [], []>, transpose_lhs_hint = false} : vector<4096x32xf32>, vector<32x64xf32>, vector<4096x64xf32> -> vector<4096x64xf32>
    %concatenate3A = tpu.concatenate %dot_general3A_57, %dot_general3A_65, %dot_general3A_73, %dot_general3A_81 in 1 : vector<4096x64xf32>, vector<4096x64xf32>, vector<4096x64xf32>, vector<4096x64xf32> -> vector<4096x256xf32>
    %reshape3A_82 = vector.shape_cast %concatenate3A : vector<4096x256xf32> to vector<256x16x256xf32>
    %reduce_max3A = arith.constant dense<0xFF800000> : vector<256x256xf32>
    %reduce_max3A_83 = vector.multi_reduction <maximumf>, %reshape3A_82, %reduce_max3A [1] : vector<256x16x256xf32> to vector<256x256xf32>
    %broadcast_in_dim3A_84 = vector.shape_cast %reduce_max3A_83 : vector<256x256xf32> to vector<256x1x256xf32>
    %sub3A_85 = vector.broadcast %broadcast_in_dim3A_84 : vector<256x1x256xf32> to vector<256x16x256xf32>
    %sub3A_86 = arith.subf %reshape3A_82, %sub3A_85 : vector<256x16x256xf32>
    %exp3A = math.exp %sub3A_86 : vector<256x16x256xf32>
    %reduce_sum3A = arith.constant dense<0.000000e+00> : vector<256x256xf32>
    %reduce_sum3A_87 = vector.multi_reduction <add>, %exp3A, %reduce_sum3A [1] : vector<256x16x256xf32> to vector<256x256xf32>
    %broadcast_in_dim3A_88 = vector.shape_cast %reduce_sum3A_87 : vector<256x256xf32> to vector<256x1x256xf32>
    %div3A = vector.broadcast %broadcast_in_dim3A_88 : vector<256x1x256xf32> to vector<256x16x256xf32>
    %div3A_89 = arith.divf %exp3A, %div3A : vector<256x16x256xf32>
    %concatenate3A_90 = tpu.concatenate %dot_general3A_21, %dot_general3A_21, %dot_general3A_21, %dot_general3A_21 in 1 : vector<4096x64xf32>, vector<4096x64xf32>, vector<4096x64xf32>, vector<4096x64xf32> -> vector<4096x256xf32>
    %add3A_91 = arith.addf %dot_general3A_41, %concatenate3A_90 : vector<4096x256xf32>
    %reshape3A_92 = vector.shape_cast %add3A_91 : vector<4096x256xf32> to vector<256x16x256xf32>
    %mul3A = arith.mulf %div3A_89, %reshape3A_92 : vector<256x16x256xf32>
    %reduce_sum3A_93 = arith.constant dense<0.000000e+00> : vector<256x256xf32>
    %reduce_sum3A_94 = vector.multi_reduction <add>, %mul3A, %reduce_sum3A_93 [1] : vector<256x16x256xf32> to vector<256x256xf32>
    %get3A_95 = arith.constant 0 : index
    %get3A_96 = arith.constant 0 : index
    %get3A_97 = vector.load %arg11[%get3A_95, %get3A_96] : memref<256x64xf32, #tpu.memory_space<vmem>>, vector<256x64xf32>
    %dot_general3A_98 = arith.constant dense<0.000000e+00> : vector<256x64xf32>
    %dot_general3A_99 = tpu.matmul %reduce_sum3A_94, %get3A_97, %dot_general3A_98 {dimension_numbers = #tpu.dot_dimension_numbers<[1], [0], [0], [1], [0, 0, 1, 1], [], []>, transpose_lhs_hint = false} : vector<256x256xf32>, vector<256x64xf32>, vector<256x64xf32> -> vector<256x64xf32>
    %swap3A = arith.constant 0 : index
    %swap3A_100 = arith.constant 0 : index
    %swap3A_101 = arith.constant 0 : index
    %swap3A_102 = vector.load %arg12[%swap3A, %swap3A_100, %swap3A_101] : memref<1x256x64xf32, #tpu.memory_space<vmem>>, vector<1x256x64xf32>
    %swap3A_103 = vector.shape_cast %swap3A_102 : vector<1x256x64xf32> to vector<256x64xf32>
    %swap3A_104 = vector.shape_cast %dot_general3A_99 : vector<256x64xf32> to vector<1x256x64xf32>
    tpu.vector_store %arg12[%swap3A, %swap3A_100, %swap3A_101], %swap3A_104 {strides = array<i32>} : memref<1x256x64xf32, #tpu.memory_space<vmem>>, vector<1x256x64xf32>,
    return
  }
  func.func @transform_0(%arg0: i32, %arg1: i32) -> (i32, i32, i32) {
    %c0_i32 = arith.constant 0 : i32
    %c0_i32_0 = arith.constant 0 : i32
    return %arg0, %arg1, %c0_i32 : i32, i32, i32
  }
  func.func @transform_1(%arg0: i32, %arg1: i32) -> (i32, i32, i32) {
    %c0_i32 = arith.constant 0 : i32
    %c0_i32_0 = arith.constant 0 : i32
    return %arg0, %arg1, %c0_i32 : i32, i32, i32
  }
  func.func @transform_2(%arg0: i32, %arg1: i32) -> (i32, i32) {
    %c0_i32 = arith.constant 0 : i32
    %c0_i32_0 = arith.constant 0 : i32
    %c0_i32_1 = arith.constant 0 : i32
    return %c0_i32, %c0_i32_0 : i32, i32
  }
  func.func @transform_3(%arg0: i32, %arg1: i32) -> (i32, i32) {
    %c0_i32 = arith.constant 0 : i32
    %c0_i32_0 = arith.constant 0 : i32
    %c0_i32_1 = arith.constant 0 : i32
    return %c0_i32, %c0_i32_0 : i32, i32
  }
  func.func @transform_4(%arg0: i32, %arg1: i32) -> (i32, i32) {
    %c0_i32 = arith.constant 0 : i32
    %c0_i32_0 = arith.constant 0 : i32
    %c0_i32_1 = arith.constant 0 : i32
    return %c0_i32, %c0_i32_0 : i32, i32
  }
  func.func @transform_5(%arg0: i32, %arg1: i32) -> (i32, i32) {
    %c0_i32 = arith.constant 0 : i32
    %c0_i32_0 = arith.constant 0 : i32
    %c0_i32_1 = arith.constant 0 : i32
    return %c0_i32, %c0_i32_0 : i32, i32
  }
  func.func @transform_6(%arg0: i32, %arg1: i32) -> (i32, i32) {
    %c0_i32 = arith.constant 0 : i32
    %c0_i32_0 = arith.constant 0 : i32
    %c0_i32_1 = arith.constant 0 : i32
    return %c0_i32, %c0_i32_0 : i32, i32
  }
  func.func @transform_7(%arg0: i32, %arg1: i32) -> (i32, i32) {
    %c0_i32 = arith.constant 0 : i32
    %c0_i32_0 = arith.constant 0 : i32
    %c0_i32_1 = arith.constant 0 : i32
    return %c0_i32, %c0_i32_0 : i32, i32
  }
  func.func @transform_8(%arg0: i32, %arg1: i32) -> (i32, i32, i32) {
    %c0_i32 = arith.constant 0 : i32
    %c0_i32_0 = arith.constant 0 : i32
    %c0_i32_1 = arith.constant 0 : i32
    %c0_i32_2 = arith.constant 0 : i32
    return %c0_i32, %c0_i32_0, %c0_i32_1 : i32, i32, i32
  }
  func.func @transform_9(%arg0: i32, %arg1: i32) -> (i32, i32) {
    %c0_i32 = arith.constant 0 : i32
    %c0_i32_0 = arith.constant 0 : i32
    %c0_i32_1 = arith.constant 0 : i32
    return %c0_i32, %c0_i32_0 : i32, i32
  }
  func.func @transform_10(%arg0: i32, %arg1: i32) -> (i32, i32, i32) {
    %c0_i32 = arith.constant 0 : i32
    %c0_i32_0 = arith.constant 0 : i32
    return %arg0, %arg1, %c0_i32 : i32, i32, i32
  }
}

</mosaic_0001>

<sc_bundles>
// kernel: kernel.14.cloned.1.call-start
scs
__scs_entry_jumppad:
0x0: {  	(pc) =	sbr.rel $0x88, $3  }
0x1: {  	(tag) =	ssettag $0x0;
	lr =	simm.s32 $0x1  }
0x2: {  	[smem:$0x3F97] =	sst lr;
	_ =	strace $0xD0000000  }
0x3: {  	_ = 	snop  }
0x4: {  	_ = 	snop  }
0x5: {  	_ = 	snop  }
0x6: {  	_ = 	snop  }
0x7: {  	_ = 	snop  }
__scs_overlays_trampoline_lowered:
0x8: {  	[smem:$0x3FA6] =	sst s0  }
0x9: {  	[smem:$0x3FA7] =	sst s1  }
0xa: {  	[smem:$0x3FA8] =	sst s2  }
0xb: {  	[smem:$0x3FA9] =	sst s3  }
0xc: {  	[smem:$0x3FAA] =	sst s4  }
0xd: {  	[smem:$0x3FAB] =	sst s5  }
0xe: {  	[smem:$0x3FAC] =	sst s6  }
0xf: {  	[smem:$0x3FAD] =	sst s7  }
0x10: {  	[smem:$0x3FAE] =	sst s8  }
0x11: {  	[smem:$0x3FAF] =	sst s9;
	s0 =	simm.s32 @!p0 $0x0  }
0x12: {  	s1 =	sld [smem:$0x3F95];
	s0 =	simm.s32 @p0 $0x1  }
0x13: {  	[smem:$0x3FB0] =	sst s0;
	s0 =	simm.s32 @!p1 $0x0  }
0x14: {  	s2 =	sld [smem:$0x3F94];
	s0 =	simm.s32 @p1 $0x1  }
0x15: {  	[smem:$0x3FB1] =	sst s0;
	s0 =	simm.s32 @!p2 $0x0  }
0x16: {  	s3 =	sld [smem:$0x3FDB];
	s0 =	simm.s32 @p2 $0x1  }
0x17: {  	s4 =	simm.s32 $0x1BF5;
	[smem:$0x3FB3] =	sst s0  }
0x18: {  	s0 =	sld [smem:$0x3F96];
	_ =	swait.ge [sflag:s4], $0x0  }
0x19: {  	s7 =	sld [smem:$0x3F97]  }
0x1a: {  	s8 =	sadd.s32 $0xFFFFE003, lr  }
0x1b: {  	s9 =	sadd.s32 $0xFFFFFEF7, lr;
	s5 =	simm.s32 $0xFFFFFFFF;
	p2 =	slt.u32 s8, $0xFFFFF086  }
0x1c: {  	p1 =	slt.u32 s9, $0xF7A;
	s5 =	simm.s32 @!p2 $0x0  }
0x1d: {  	s5 =	simm.s32 @p1 $0x1;
	p0 =	seq.s32 s7, s2  }
0x1e: {  	s7 =	smul.u32 @!p0 $0xF7A, s2;
	p2 =	seq.s32 @!p0 s5, $0x0  }
0x1f: {  	s9 =	smul.u32 $0xF7A, s1;
	s8 =	simm.s32 @!p0 $0x1BF5;
	p2 =	por !p2, p0  }
0x20: {  	[sflag:s8] =	ssyncset.s32 @!p0 $0xFFFFF086;
	s6 =	sadd.s32 @!p0 s3, s7;
	s7 =	simm.s32 @!p0 $0x108  }
0x21: {  	s3 =	sadd.s32 s3, s9;
	s6 =	sadd.s32 @!p0 $0x88, s6;
	s7 =	simm.s32 @p2 $0x1082  }
0x22: {  	[simem:s7], [sflag:s8] =	dma.local @!p0 [hbm:s6], $0xF7A  }
0x23: {  	s9 =	sor.u32 $0xD0000000, s2;
	s6 =	simm.s32 $0x108;
	_ =	swait.ge @!p0 [sflag:s8], $0x0  }
0x24: {  	s3 =	sadd.s32 $0x88, s3;
	s6 =	simm.s32 @!p1 $0x1082;
	[sflag:s4] =	ssyncset.s32 $0xFFFFF086  }
0x25: {  	[simem:s6], [sflag:s4] =	dma.local [hbm:s3], $0xF7A  }
0x26: {  	[smem:$0x3F97] =	sst s1;
	(tag) =	ssettag s2;
	_ =	strace s9  }
0x27: {  	s1 =	sld [smem:$0x3FA7]  }
0x28: {  	s2 =	sld [smem:$0x3FA8]  }
0x29: {  	s4 =	sld [smem:$0x3FAA]  }
0x2a: {  	p0 =	seq.s32 s5, $0x0;
	s5 =	sld [smem:$0x3FAB]  }
0x2b: {  	s6 =	sld [smem:$0x3FAC]  }
0x2c: {  	s7 =	sld [smem:$0x3FAD]  }
0x2d: {  	s3 =	simm.s32 $0x108;
	s8 =	sld [smem:$0x3FAE]  }
0x2e: {  	s3 =	simm.s32 @!p0 $0x1082;
	s9 =	sld [smem:$0x3FAF]  }
0x2f: {  	lr =	sadd.s32 s0, s3;
	s0 =	sld [smem:$0x3FA6]  }
0x30: {  	s3 =	sld [smem:$0x3FA9]  }
0x31: {  	[smem:$0x3FB2] =	sst s10  }
0x32: {  	s10 =	sld [smem:$0x3FB0];
	_ =	sdelay $0x3  }
0x33: {  	p0 =	seq.s32 s10, $0x1;
	s10 =	sld [smem:$0x3FB2];
	_ =	sdelay $0x3  }
0x34: {  	[smem:$0x3FB2] =	sst s10  }
0x35: {  	s10 =	sld [smem:$0x3FB1];
	_ =	sdelay $0x3  }
0x36: {  	p1 =	seq.s32 s10, $0x1;
	s10 =	sld [smem:$0x3FB2];
	_ =	sdelay $0x3  }
0x37: {  	[smem:$0x3FB2] =	sst s10  }
0x38: {  	s10 =	sld [smem:$0x3FB3]  }
0x39: {  	_ = 	snop;
	(pc) =	sbr.ind lr, $3  }
0x3a: {  	_ = 	snop  }
0x3b: {  	_ = 	snop  }
0x3c: {  	p2 =	seq.s32 s10, $0x1;
	s10 =	sld [smem:$0x3FB2]  }
0x3d: {  	_ =	shalt  }
0x3e: {  	_ =	shalt  }
0x3f: {  	_ =	shalt  }
0x40: {  	_ =	shalt  }
0x41: {  	_ =	shalt  }
0x42: {  	_ =	shalt  }
0x43: {  	_ =	shalt  }
0x44: {  	_ =	shalt  }
0x45: {  	_ =	shalt  }
0x46: {  	_ =	shalt  }
0x47: {  	_ =	shalt  }
0x48: {  	_ =	shalt  }
0x49: {  	_ =	shalt  }
0x4a: {  	_ =	shalt  }
0x4b: {  	_ =	shalt  }
0x4c: {  	_ =	shalt  }
0x4d: {  	_ =	shalt  }
0x4e: {  	_ =	shalt  }
0x4f: {  	_ =	shalt  }
0x50: {  	_ =	shalt  }
0x51: {  	_ =	shalt  }
0x52: {  	_ =	shalt  }
0x53: {  	_ =	shalt  }
0x54: {  	_ =	shalt  }
0x55: {  	_ =	shalt  }
0x56: {  	_ =	shalt  }
0x57: {  	_ =	shalt  }
0x58: {  	_ =	shalt  }
0x59: {  	_ =	shalt  }
0x5a: {  	_ =	shalt  }
0x5b: {  	_ =	shalt  }
0x5c: {  	_ =	shalt  }
0x5d: {  	_ =	shalt  }
0x5e: {  	_ =	shalt  }
0x5f: {  	_ =	shalt  }
0x60: {  	_ =	shalt  }
0x61: {  	_ =	shalt  }
0x62: {  	_ =	shalt  }
0x63: {  	_ =	shalt  }
0x64: {  	_ =	shalt  }
0x65: {  	_ =	shalt  }
0x66: {  	_ =	shalt  }
0x67: {  	_ =	shalt  }
0x68: {  	_ =	shalt  }
0x69: {  	_ =	shalt  }
0x6a: {  	_ =	shalt  }
0x6b: {  	_ =	shalt  }
0x6c: {  	_ =	shalt  }
0x6d: {  	_ =	shalt  }
0x6e: {  	_ =	shalt  }
0x6f: {  	_ =	shalt  }
0x70: {  	_ =	shalt  }
0x71: {  	_ =	shalt  }
0x72: {  	_ =	shalt  }
0x73: {  	_ =	shalt  }
0x74: {  	_ =	shalt  }
0x75: {  	_ =	shalt  }
0x76: {  	_ =	shalt  }
0x77: {  	_ =	shalt  }
0x78: {  	_ =	shalt  }
0x79: {  	_ =	shalt  }
0x7a: {  	_ =	shalt  }
0x7b: {  	_ =	shalt  }
0x7c: {  	_ =	shalt  }
0x7d: {  	_ =	shalt  }
0x7e: {  	_ =	shalt  }
0x7f: {  	_ =	shalt  }
0x80: {  	_ =	shalt  }
0x81: {  	_ =	shalt  }
0x82: {  	_ =	shalt  }
0x83: {  	_ =	shalt  }
0x84: {  	_ =	shalt  }
0x85: {  	_ =	shalt  }
0x86: {  	_ =	shalt  }
0x87: {  	_ =	shalt  }
.Lfunc_end0:
.L_simem_size_0:
called_computation_lowered:
.L_overlay_start_0:
0x88: {  	s2 =	sld [smem:$0x3FD9]  }
0x89: {  	s3 =	sld [smem:$0x3FFE];
	_ =	sdelay $0x1  }
0x8a: {  	s1 =	srdreg.scid  }
0x8b: {  	s0 =	sand.u32 $0x1, s1  }
0x8c: {  	s16 =	sshll.u32 s0, $0xA;
	s2 =	sadd.s32 s3, s2  }
0x8d: {  	s2 =	sadd.s32 s2, s16  }
0x8e: {  	[smem:$0x3FBE] =	sst s2  }
0x8f: {  	_ = 	snop  }
0x90: {  	(tm) =	ssettm $0x1  }
0x91: {  	s17 =	sld [smem:$0x3FFB];
	_ =	sdelay $0x3  }
0x92: {  	_ =	strace s17  }
0x93: {  	s2 =	sld [smem:$0x3FFC];
	_ =	sdelay $0x3  }
0x94: {  	_ =	strace s2  }
0x95: {  	s2 =	sld [smem:$0x3FFD];
	_ =	sdelay $0x3  }
0x96: {  	_ =	strace s2  }
0x97: {  	_ =	strace $0x8FFFFFFF  }
0x98: {  	s18 =	sld [smem:$0x3FDB];
	_ =	sdelay $0x1  }
0x99: {  	s19 =	simm.s32 $_scs_section_size  }
0x9a: {  	s4 =	simm.s32 $_size__tile_overlayer_lowered;
	s5 =	simm.s32 $_tile_overlayer_lowered  }
0x9b: {  	s22 =	simm.s32 $0x1BFF;
	s21 =	sshll.u32 s5, $0x1;
	s2 =	sadd.s32 s19, s18  }
0x9c: {  	s6 =	simm.s32 $0x0;
	s20 =	sshll.u32 s4, $0x1;
	s4 =	sadd.s32 s21, s2  }
0x9d: {  	[timem:s6], [sflag:s22] =	dma.local [hbm:s4], s20  }
0x9e: {  	_ =	swait.ge [sflag:s22], s20  }
0x9f: {  	s3 =	ssub.s32 $0x0, s20;
	[sflag:s22] =	ssyncset.done $0x0  }
0xa0: {  	[sflag:s22] =	ssyncadd.s32 s3;
	_ =	sdelay $0x1  }
0xa1: {  	s23 =	simm.s32 $0x1B8B  }
0xa2: {  	_ =	swait.ge [sflag:s23], $0x1  }
0xa3: {  	[sflag:s23] =	ssyncset.done $0x0  }
0xa4: {  	s25 =	simm.s32 $0x1B8E;
	s24 =	sld [smem:$0x3FFE];
	[sflag:s23] =	ssyncadd.s32 $0xFFFFFFFF  }
0xa5: {  	s26 =	simm.s32 $execute0_lowered;
	[smem:$0x3FD2] =	sst s25  }
0xa6: {  	s4 =	sshll.u32 s26, $0x1;
	_ =	strace $0x80000046;
	[dreg:$0x1] =	wrdreg $0xFFFFFFFF  }
0xa7: {  	s28 =	simm.s32 $_size_execute0_lowered;
	s2 =	sadd.s32 s2, s4;
	[dreg:$0x0] =	wrdreg $0x0  }
0xa8: {  	s4 =	sshll.u32 s28, $0x1;
	[dreg:$0x2] =	wrdreg s2  }
0xa9: {  	[dreg:$0x3] =	wrdreg s4  }
0xaa: {  	[dreg:$0x4] =	wrdreg $0xC0  }
0xab: {  	_ =	task [dreg:s6], $0x5FFFF  }
0xac: {  	[dreg:$0x1] =	wrdreg $0xFFFFFFFF  }
0xad: {  	[dreg:$0x0] =	wrdreg $0x60  }
0xae: {  	[dreg:$0x2] =	wrdreg s24  }
0xaf: {  	[dreg:$0x3] =	wrdreg $0x9  }
0xb0: {  	_ =	task.clear_ibuf [dreg:s6], $0x4FFFF;
	_ =	strace $0x90000046  }
0xb1: {  	s29 =	simm.s32 $0x9;
	_ =	strace $0x80000048  }
0xb2: {  	_ =	swait.ge [sflag:s29], $0x1  }
0xb3: {  	[sflag:s29] =	ssyncadd.s32 $0xFFFFFFFF  }
0xb4: {  	_ =	strace $0x90000048  }
0xb5: {  	_ =	sfence  }
0xb6: {  	s30 =	sld [smem:$0x0];
	_ =	sdelay $0x2  }
0xb7: {  	s31 =	sshll.u32 s1, $0xD;
	s1 =	sshrl.u32 s1, $0x2  }
0xb8: {  	s3 =	sand.u32 $0x4000, s31;
	s1 =	sadd.s32 s1, s30  }
0xb9: {  	s0 =	sor.u32 s3, s0;
	s1 =	sshll.u32 s1, $0x11  }
0xba: {  	s0 =	sor.u32 s1, s0  }
0xbb: {  	s0 =	sadd.s32 $0x8F2B, s0  }
0xbc: {  	[sflag:s0] =	ssyncadd.remote.s32 $0x1  }
0xbd: {  	_ =	sfence.sel $0xFFFF  }
0xbe: {  	[dreg:$0x0] =	wrdreg $0xFFFFFFFF;
	(pc) =	sbr.abs _section_cstart, $3  }
0xbf: {  	[dreg:$0x1] =	wrdreg $0xFFFFFFFF  }
0xc0: {  	_ =	task.clear_ibuf [dreg:s6], $0x2FFFF;
	_ =	strace $0x9FFFFFFF  }
0xc1: {  	(tm) =	ssettm $0x7FFFFFFF  }
tec
execute0_lowered:
.L_overlay_start_1:
0x0: {  	(tag) =	ssettag $0x1  }
0x1: {  	s1 =	srdreg.scid;
	s0 =	stileid.u32  }
0x2: {  	s1 =	sand.u32 $0x1, s1;
	s2 =	sshll.u32 s0, $0x1  }
0x3: {  	s3 =	sor.u32 s1, s2  }
0x4: {  	s4 =	rddreg [dreg:$0x0];
	s5 =	sshll.u32 s3, $0x7  }
0x5: {  	s2 =	simm.s32 $0x0;
	s3 =	sshll.u32 s3, $0xE;
	s5 =	sadd.s32 s5, s4  }
0x6: {  	[smem:$0x7FF] =	sst s2;
	s31 =	sadd.s32 s3, s4;
	s5 =	sadd.s32 $0x2C00, s5  }
0x7: {  	_ =	strace $0x80000047;
	s3 =	sadd.s32 $0xBC00, s31;
	[dreg:$0x2] =	wrdreg s5  }
0x8: {  	[dreg:$0x3] =	wrdreg s3  }
0x9: {  	s3 =	simm.s32 $0x9;
	s5 =	rddreg [dreg:$0x2]  }
0xa: {  	[tilespmem:s2], [sflag:$0x9] =	stream.linear.gather [hbm4b:s5+s2], $0x400, $0x38;
	[tilespmem:$0x10400] =	vst v63  }
0xb: {  	_ =	swait.ge [sflag:s3], $0x400  }
0xc: {  	s6 =	simm.s32 $0x400;
	[sflag:s3] =	ssyncset.done $0x0  }
0xd: {  	s4 =	sadd.s32 $0x3C00, s4;
	s5 =	simm.s32 $0x80;
	[sflag:s3] =	ssyncadd.s32 $0xFFFFFC00  }
0xe: {  	[tilespmem:s6], [sflag:$0x1] =	stream.indirect.gather [hbm4b:s4+s5], $0x80, s2, s5, $0xb8;
	[tilespmem:$0x10400] =	vst v63  }
0xf: {  	s7 =	simm.s32 $0x4400;
	s8 =	simm.s32 $0x1  }
0x10: {  	[tilespmem:s7], [sflag:$0x2] =	stream.indirect.gather [hbm4b:s4+s5], $0x80, s5, s5, $0xb8;
	[tilespmem:$0x10400] =	vst v63  }
0x11: {  	_ =	swait.ge [sflag:s8], $0x4000  }
0x12: {  	[sflag:s8] =	ssyncset.done $0x0  }
0x13: {  	s9 =	rddreg [dreg:$0x3];
	[sflag:s8] =	ssyncadd.s32 $0xFFFFC000  }
0x14: {  	[hbm4b:s9+s2] =	stream.linear.scatter [tilespmem:s6], [sflag:$0x5], $0x4000, $0x38;
	[tilespmem:$0x10400] =	vst v63  }
0x15: {  	s10 =	simm.s32 $0x8400;
	s11 =	simm.s32 $0x2;
	s9 =	simm.s32 $0x100  }
0x16: {  	[tilespmem:s10], [sflag:$0x3] =	stream.indirect.gather [hbm4b:s4+s5], $0x80, s9, s5, $0xb8;
	[tilespmem:$0x10400] =	vst v63  }
0x17: {  	_ =	swait.ge [sflag:s11], $0x4000  }
0x18: {  	[sflag:s11] =	ssyncset.done $0x0  }
0x19: {  	s12 =	sadd.s32 $0xC400, s31;
	[sflag:s11] =	ssyncadd.s32 $0xFFFFC000  }
0x1a: {  	[hbm4b:s12+s2] =	stream.linear.scatter [tilespmem:s7], [sflag:$0x6], $0x4000, $0x38;
	[tilespmem:$0x10400] =	vst v63  }
0x1b: {  	s13 =	simm.s32 $0x180;
	s14 =	simm.s32 $0xC400;
	s15 =	simm.s32 $0x3  }
0x1c: {  	[tilespmem:s14], [sflag:$0x4] =	stream.indirect.gather [hbm4b:s4+s5], $0x80, s13, s5, $0xb8;
	[tilespmem:$0x10400] =	vst v63  }
0x1d: {  	_ =	swait.ge [sflag:s15], $0x4000  }
0x1e: {  	[sflag:s15] =	ssyncset.done $0x0  }
0x1f: {  	s17 =	simm.s32 $0x5;
	s16 =	sadd.s32 $0xCC00, s31;
	[sflag:s15] =	ssyncadd.s32 $0xFFFFC000  }
0x20: {  	[hbm4b:s16+s2] =	stream.linear.scatter [tilespmem:s10], [sflag:$0x7], $0x4000, $0x38;
	[tilespmem:$0x10400] =	vst v63  }
0x21: {  	_ =	swait.ge [sflag:s17], $0x4000  }
0x22: {  	[sflag:s17] =	ssyncset.done $0x0  }
0x23: {  	s18 =	simm.s32 $0x200;
	s19 =	simm.s32 $0x4;
	[sflag:s17] =	ssyncadd.s32 $0xFFFFC000  }
0x24: {  	[tilespmem:s6], [sflag:$0x1] =	stream.indirect.gather [hbm4b:s4+s5], $0x80, s18, s5, $0xb8;
	[tilespmem:$0x10400] =	vst v63  }
0x25: {  	_ =	swait.ge [sflag:s19], $0x4000  }
0x26: {  	[sflag:s19] =	ssyncset.done $0x0  }
0x27: {  	s21 =	simm.s32 $0x6;
	s20 =	sadd.s32 $0xD400, s31;
	[sflag:s19] =	ssyncadd.s32 $0xFFFFC000  }
0x28: {  	[hbm4b:s20+s2] =	stream.linear.scatter [tilespmem:s14], [sflag:$0x8], $0x4000, $0x38;
	[tilespmem:$0x10400] =	vst v63  }
0x29: {  	_ =	swait.ge [sflag:s21], $0x4000  }
0x2a: {  	[sflag:s21] =	ssyncset.done $0x0  }
0x2b: {  	s22 =	simm.s32 $0x280;
	[sflag:s21] =	ssyncadd.s32 $0xFFFFC000  }
0x2c: {  	[tilespmem:s7], [sflag:$0x2] =	stream.indirect.gather [hbm4b:s4+s5], $0x80, s22, s5, $0xb8;
	[tilespmem:$0x10400] =	vst v63  }
0x2d: {  	_ =	swait.ge [sflag:s8], $0x4000  }
0x2e: {  	[sflag:s8] =	ssyncset.done $0x0  }
0x2f: {  	s24 =	simm.s32 $0x7;
	s23 =	sadd.s32 $0xDC00, s31;
	[sflag:s8] =	ssyncadd.s32 $0xFFFFC000  }
0x30: {  	[hbm4b:s23+s2] =	stream.linear.scatter [tilespmem:s6], [sflag:$0x5], $0x4000, $0x38;
	[tilespmem:$0x10400] =	vst v63  }
0x31: {  	_ =	swait.ge [sflag:s24], $0x4000  }
0x32: {  	[sflag:s24] =	ssyncset.done $0x0  }
0x33: {  	s25 =	simm.s32 $0x300;
	[sflag:s24] =	ssyncadd.s32 $0xFFFFC000  }
0x34: {  	[tilespmem:s10], [sflag:$0x3] =	stream.indirect.gather [hbm4b:s4+s5], $0x80, s25, s5, $0xb8;
	[tilespmem:$0x10400] =	vst v63  }
0x35: {  	_ =	swait.ge [sflag:s11], $0x4000  }
0x36: {  	[sflag:s11] =	ssyncset.done $0x0  }
0x37: {  	s26 =	simm.s32 $0x8;
	s28 =	sadd.s32 $0xE400, s31;
	[sflag:s11] =	ssyncadd.s32 $0xFFFFC000  }
0x38: {  	[hbm4b:s28+s2] =	stream.linear.scatter [tilespmem:s7], [sflag:$0x6], $0x4000, $0x38;
	[tilespmem:$0x10400] =	vst v63  }
0x39: {  	_ =	swait.ge [sflag:s26], $0x4000  }
0x3a: {  	[sflag:s26] =	ssyncset.done $0x0  }
0x3b: {  	s29 =	simm.s32 $0x380;
	[sflag:s26] =	ssyncadd.s32 $0xFFFFC000  }
0x3c: {  	[tilespmem:s14], [sflag:$0x4] =	stream.indirect.gather [hbm4b:s4+s5], $0x80, s29, s5, $0xb8;
	[tilespmem:$0x10400] =	vst v63  }
0x3d: {  	_ =	swait.ge [sflag:s15], $0x4000  }
0x3e: {  	[sflag:s15] =	ssyncset.done $0x0  }
0x3f: {  	s30 =	sadd.s32 $0xEC00, s31;
	[sflag:s15] =	ssyncadd.s32 $0xFFFFC000  }
0x40: {  	[hbm4b:s30+s2] =	stream.linear.scatter [tilespmem:s10], [sflag:$0x7], $0x4000, $0x38;
	[tilespmem:$0x10400] =	vst v63  }
0x41: {  	_ =	swait.ge [sflag:s19], $0x4000  }
0x42: {  	[sflag:s19] =	ssyncset.done $0x0  }
0x43: {  	s31 =	sadd.s32 $0xF400, s31;
	[sflag:s19] =	ssyncadd.s32 $0xFFFFC000  }
0x44: {  	[hbm4b:s31+s2] =	stream.linear.scatter [tilespmem:s14], [sflag:$0x8], $0x4000, $0x38;
	[tilespmem:$0x10400] =	vst v63  }
0x45: {  	s1 =	ssub.s32 $0x2, s1;
	_ =	swait.ge [sflag:s17], $0x4000  }
0x46: {  	s0 =	sshrl.u32 s1, $0x1;
	[sflag:s17] =	ssyncset.done $0x0  }
0x47: {  	s0 =	ssub.s32 s1, s0;
	[sflag:s17] =	ssyncadd.s32 $0xFFFFC000  }
0x48: {  	s0 =	smax.u32 s0, $0x1;
	_ =	swait.ge [sflag:s21], $0x4000  }
0x49: {  	p0 =	sne.s32 s0, $0x1;
	[sflag:s21] =	ssyncset.done $0x0  }
.Ltmp0:
0x4a: {  	[sflag:s21] =	ssyncadd.s32 $0xFFFFC000;
	(pc) =	sbr.rel @!p0 .LBB2_2-.Ltmp0, $4  }
0x4b: {  	_ =	swait.ge [sflag:s24], $0x4000  }
0x4c: {  	[sflag:s24] =	ssyncset.done $0x0  }
0x4d: {  	[sflag:s24] =	ssyncadd.s32 $0xFFFFC000  }
0x4e: {  	s1 =	sadd.s32 $0xFFFFFFFF, s0;
	_ =	swait.ge [sflag:s26], $0x4000  }
.LBB2_1:
0x4f: {  	[sflag:s26] =	ssyncset.done $0x0  }
0x50: {  	s0 =	rddreg [dreg:$0x2];
	[sflag:s26] =	ssyncadd.s32 $0xFFFFC000  }
0x51: {  	[tilespmem:s2], [sflag:$0x9] =	stream.linear.gather [hbm4b:s0+s2], $0x400, $0x38;
	[tilespmem:$0x10400] =	vst v63  }
0x52: {  	_ =	swait.ge [sflag:s3], $0x400  }
0x53: {  	[sflag:s3] =	ssyncset.done $0x0  }
0x54: {  	[sflag:s3] =	ssyncadd.s32 $0xFFFFFC00  }
0x55: {  	[tilespmem:s6], [sflag:$0x1] =	stream.indirect.gather [hbm4b:s4+s5], $0x80, s2, s5, $0xb8;
	[tilespmem:$0x10400] =	vst v63  }
0x56: {  	_ = 	snop  }
0x57: {  	[tilespmem:s7], [sflag:$0x2] =	stream.indirect.gather [hbm4b:s4+s5], $0x80, s5, s5, $0xb8;
	[tilespmem:$0x10400] =	vst v63  }
0x58: {  	_ =	swait.ge [sflag:s8], $0x4000  }
0x59: {  	[sflag:s8] =	ssyncset.done $0x0  }
0x5a: {  	s0 =	rddreg [dreg:$0x3];
	[sflag:s8] =	ssyncadd.s32 $0xFFFFC000  }
0x5b: {  	[hbm4b:s0+s2] =	stream.linear.scatter [tilespmem:s6], [sflag:$0x5], $0x4000, $0x38;
	[tilespmem:$0x10400] =	vst v63  }
0x5c: {  	_ = 	snop  }
0x5d: {  	[tilespmem:s10], [sflag:$0x3] =	stream.indirect.gather [hbm4b:s4+s5], $0x80, s9, s5, $0xb8;
	[tilespmem:$0x10400] =	vst v63  }
0x5e: {  	_ =	swait.ge [sflag:s11], $0x4000  }
0x5f: {  	[sflag:s11] =	ssyncset.done $0x0  }
0x60: {  	[sflag:s11] =	ssyncadd.s32 $0xFFFFC000  }
0x61: {  	[hbm4b:s12+s2] =	stream.linear.scatter [tilespmem:s7], [sflag:$0x6], $0x4000, $0x38;
	[tilespmem:$0x10400] =	vst v63  }
0x62: {  	_ = 	snop  }
0x63: {  	[tilespmem:s14], [sflag:$0x4] =	stream.indirect.gather [hbm4b:s4+s5], $0x80, s13, s5, $0xb8;
	[tilespmem:$0x10400] =	vst v63  }
0x64: {  	_ =	swait.ge [sflag:s15], $0x4000  }
0x65: {  	[sflag:s15] =	ssyncset.done $0x0  }
0x66: {  	[sflag:s15] =	ssyncadd.s32 $0xFFFFC000  }
0x67: {  	[hbm4b:s16+s2] =	stream.linear.scatter [tilespmem:s10], [sflag:$0x7], $0x4000, $0x38;
	[tilespmem:$0x10400] =	vst v63  }
0x68: {  	_ =	swait.ge [sflag:s17], $0x4000  }
0x69: {  	[sflag:s17] =	ssyncset.done $0x0  }
0x6a: {  	[sflag:s17] =	ssyncadd.s32 $0xFFFFC000  }
0x6b: {  	[tilespmem:s6], [sflag:$0x1] =	stream.indirect.gather [hbm4b:s4+s5], $0x80, s18, s5, $0xb8;
	[tilespmem:$0x10400] =	vst v63  }
0x6c: {  	_ =	swait.ge [sflag:s19], $0x4000  }
0x6d: {  	[sflag:s19] =	ssyncset.done $0x0  }
0x6e: {  	[sflag:s19] =	ssyncadd.s32 $0xFFFFC000  }
0x6f: {  	[hbm4b:s20+s2] =	stream.linear.scatter [tilespmem:s14], [sflag:$0x8], $0x4000, $0x38;
	[tilespmem:$0x10400] =	vst v63  }
0x70: {  	_ =	swait.ge [sflag:s21], $0x4000  }
0x71: {  	[sflag:s21] =	ssyncset.done $0x0  }
0x72: {  	[sflag:s21] =	ssyncadd.s32 $0xFFFFC000  }
0x73: {  	[tilespmem:s7], [sflag:$0x2] =	stream.indirect.gather [hbm4b:s4+s5], $0x80, s22, s5, $0xb8;
	[tilespmem:$0x10400] =	vst v63  }
0x74: {  	_ =	swait.ge [sflag:s8], $0x4000  }
0x75: {  	[sflag:s8] =	ssyncset.done $0x0  }
0x76: {  	[sflag:s8] =	ssyncadd.s32 $0xFFFFC000  }
0x77: {  	[hbm4b:s23+s2] =	stream.linear.scatter [tilespmem:s6], [sflag:$0x5], $0x4000, $0x38;
	[tilespmem:$0x10400] =	vst v63  }
0x78: {  	_ =	swait.ge [sflag:s24], $0x4000  }
0x79: {  	[sflag:s24] =	ssyncset.done $0x0  }
0x7a: {  	[sflag:s24] =	ssyncadd.s32 $0xFFFFC000  }
0x7b: {  	[tilespmem:s10], [sflag:$0x3] =	stream.indirect.gather [hbm4b:s4+s5], $0x80, s25, s5, $0xb8;
	[tilespmem:$0x10400] =	vst v63  }
0x7c: {  	_ =	swait.ge [sflag:s11], $0x4000  }
0x7d: {  	[sflag:s11] =	ssyncset.done $0x0  }
0x7e: {  	[sflag:s11] =	ssyncadd.s32 $0xFFFFC000  }
0x7f: {  	[hbm4b:s28+s2] =	stream.linear.scatter [tilespmem:s7], [sflag:$0x6], $0x4000, $0x38;
	[tilespmem:$0x10400] =	vst v63  }
0x80: {  	_ =	swait.ge [sflag:s26], $0x4000  }
0x81: {  	[sflag:s26] =	ssyncset.done $0x0  }
0x82: {  	[sflag:s26] =	ssyncadd.s32 $0xFFFFC000  }
0x83: {  	[tilespmem:s14], [sflag:$0x4] =	stream.indirect.gather [hbm4b:s4+s5], $0x80, s29, s5, $0xb8;
	[tilespmem:$0x10400] =	vst v63  }
0x84: {  	_ =	swait.ge [sflag:s15], $0x4000  }
0x85: {  	[sflag:s15] =	ssyncset.done $0x0  }
0x86: {  	[sflag:s15] =	ssyncadd.s32 $0xFFFFC000  }
0x87: {  	[hbm4b:s30+s2] =	stream.linear.scatter [tilespmem:s10], [sflag:$0x7], $0x4000, $0x38;
	[tilespmem:$0x10400] =	vst v63  }
0x88: {  	_ =	swait.ge [sflag:s19], $0x4000  }
0x89: {  	[sflag:s19] =	ssyncset.done $0x0  }
0x8a: {  	[sflag:s19] =	ssyncadd.s32 $0xFFFFC000  }
0x8b: {  	[hbm4b:s31+s2] =	stream.linear.scatter [tilespmem:s14], [sflag:$0x8], $0x4000, $0x38;
	[tilespmem:$0x10400] =	vst v63  }
0x8c: {  	_ =	swait.ge [sflag:s17], $0x4000  }
0x8d: {  	[sflag:s17] =	ssyncset.done $0x0  }
0x8e: {  	[sflag:s17] =	ssyncadd.s32 $0xFFFFC000  }
0x8f: {  	_ =	swait.ge [sflag:s21], $0x4000  }
0x90: {  	p0 =	sne.s32 s1, $0x1;
	[sflag:s21] =	ssyncset.done $0x0  }
.Ltmp1:
0x91: {  	[sflag:s21] =	ssyncadd.s32 $0xFFFFC000;
	(pc) =	sbr.rel @p0 .LBB2_1-.Ltmp1, $4  }
0x92: {  	_ =	swait.ge [sflag:s24], $0x4000  }
0x93: {  	[sflag:s24] =	ssyncset.done $0x0  }
0x94: {  	[sflag:s24] =	ssyncadd.s32 $0xFFFFC000  }
0x95: {  	s1 =	sadd.s32 $0xFFFFFFFF, s1;
	_ =	swait.ge [sflag:s26], $0x4000  }
.LBB2_2:
0x96: {  	[sflag:s26] =	ssyncset.done $0x0  }
0x97: {  	[sflag:s26] =	ssyncadd.s32 $0xFFFFC000  }
0x98: {  	_ =	sfence.sel $0x180000  }
0x99: {  	[bflag:$0x0] =	sbarrier.arrive $0xFFFF  }
0x9a: {  	_ =	strace $0x90000047  }
0x9b: {  	s0 =	stileid.u32;
	[bflag:$0x2] =	sbarrier.arrive $0xFFFF  }
0x9c: {  	p0 =	sne.s32 s0, $0x0;
	s0 =	rddreg [dreg:$0x1]  }
0x9d: {  	s0 =	sadd.s32 @!p0 $0x100000, s0  }
0x9e: {  	[sflag:s0] =	ssyncadd.tile.s32 @!p0 $0x1;
	_ =	shalt  }
.Lfunc_end2:
_tile_overlayer_lowered:
.L_overlay_start_2:
0x9f: {  	(tag) =	ssettag $0x2  }
0xa0: {  	s0 =	rddreg [dreg:$0x0];
	s2 =	stileid.u32  }
0xa1: {  	s1 =	rddreg [dreg:$0x1];
	p0 =	sne.s32 s2, $0x0  }
0xa2: {  	s3 =	rddreg [dreg:$0x2];
	[bflag:$0x3] =	sbarrier.arrive $0xFFFF;
	s2 =	simm.s32 @!p0 $0x1C09  }
0xa3: {  	[timem:s3], [sflag:s2] =	dma.local @!p0 [hbm:s0], s1  }
0xa4: {  	s0 =	simm.s32 @!p0 $0x9  }
0xa5: {  	_ =	swait.ge @!p0 [sflag:s0], s1  }
0xa6: {  	s1 =	ssub.s32 @!p0 $0x0, s1;
	[sflag:s0] =	ssyncset.done @!p0 $0x0  }
0xa7: {  	[sflag:s0] =	ssyncadd.s32 @!p0 s1  }
0xa8: {  	[bflag:$0x3] =	sbarrier.arrive $0xFFFF  }
0xa9: {  	_ =	shalt  }

// kernel: kernel.17.cloned.1.call-start
scs
__scs_entry_jumppad:
0x0: {  	(pc) =	sbr.rel $0x88, $3  }
0x1: {  	(tag) =	ssettag $0x0;
	lr =	simm.s32 $0x1  }
0x2: {  	[smem:$0x3F97] =	sst lr;
	_ =	strace $0xD0000000  }
0x3: {  	_ = 	snop  }
0x4: {  	_ = 	snop  }
0x5: {  	_ = 	snop  }
0x6: {  	_ = 	snop  }
0x7: {  	_ = 	snop  }
__scs_overlays_trampoline_lowered:
0x8: {  	[smem:$0x3FA6] =	sst s0  }
0x9: {  	[smem:$0x3FA7] =	sst s1  }
0xa: {  	[smem:$0x3FA8] =	sst s2  }
0xb: {  	[smem:$0x3FA9] =	sst s3  }
0xc: {  	[smem:$0x3FAA] =	sst s4  }
0xd: {  	[smem:$0x3FAB] =	sst s5  }
0xe: {  	[smem:$0x3FAC] =	sst s6  }
0xf: {  	[smem:$0x3FAD] =	sst s7  }
0x10: {  	[smem:$0x3FAE] =	sst s8  }
0x11: {  	[smem:$0x3FAF] =	sst s9;
	s0 =	simm.s32 @!p0 $0x0  }
0x12: {  	s1 =	sld [smem:$0x3F95];
	s0 =	simm.s32 @p0 $0x1  }
0x13: {  	[smem:$0x3FB0] =	sst s0;
	s0 =	simm.s32 @!p1 $0x0  }
0x14: {  	s2 =	sld [smem:$0x3F94];
	s0 =	simm.s32 @p1 $0x1  }
0x15: {  	[smem:$0x3FB1] =	sst s0;
	s0 =	simm.s32 @!p2 $0x0  }
0x16: {  	s3 =	sld [smem:$0x3FDB];
	s0 =	simm.s32 @p2 $0x1  }
0x17: {  	s4 =	simm.s32 $0x1BF5;
	[smem:$0x3FB3] =	sst s0  }
0x18: {  	s0 =	sld [smem:$0x3F96];
	_ =	swait.ge [sflag:s4], $0x0  }
0x19: {  	s7 =	sld [smem:$0x3F97]  }
0x1a: {  	s8 =	sadd.s32 $0xFFFFE003, lr  }
0x1b: {  	s9 =	sadd.s32 $0xFFFFFEF7, lr;
	s5 =	simm.s32 $0xFFFFFFFF;
	p2 =	slt.u32 s8, $0xFFFFF086  }
0x1c: {  	p1 =	slt.u32 s9, $0xF7A;
	s5 =	simm.s32 @!p2 $0x0  }
0x1d: {  	s5 =	simm.s32 @p1 $0x1;
	p0 =	seq.s32 s7, s2  }
0x1e: {  	s7 =	smul.u32 @!p0 $0xF7A, s2;
	p2 =	seq.s32 @!p0 s5, $0x0  }
0x1f: {  	s9 =	smul.u32 $0xF7A, s1;
	s8 =	simm.s32 @!p0 $0x1BF5;
	p2 =	por !p2, p0  }
0x20: {  	[sflag:s8] =	ssyncset.s32 @!p0 $0xFFFFF086;
	s6 =	sadd.s32 @!p0 s3, s7;
	s7 =	simm.s32 @!p0 $0x108  }
0x21: {  	s3 =	sadd.s32 s3, s9;
	s6 =	sadd.s32 @!p0 $0x88, s6;
	s7 =	simm.s32 @p2 $0x1082  }
0x22: {  	[simem:s7], [sflag:s8] =	dma.local @!p0 [hbm:s6], $0xF7A  }
0x23: {  	s9 =	sor.u32 $0xD0000000, s2;
	s6 =	simm.s32 $0x108;
	_ =	swait.ge @!p0 [sflag:s8], $0x0  }
0x24: {  	s3 =	sadd.s32 $0x88, s3;
	s6 =	simm.s32 @!p1 $0x1082;
	[sflag:s4] =	ssyncset.s32 $0xFFFFF086  }
0x25: {  	[simem:s6], [sflag:s4] =	dma.local [hbm:s3], $0xF7A  }
0x26: {  	[smem:$0x3F97] =	sst s1;
	(tag) =	ssettag s2;
	_ =	strace s9  }
0x27: {  	s1 =	sld [smem:$0x3FA7]  }
0x28: {  	s2 =	sld [smem:$0x3FA8]  }
0x29: {  	s4 =	sld [smem:$0x3FAA]  }
0x2a: {  	p0 =	seq.s32 s5, $0x0;
	s5 =	sld [smem:$0x3FAB]  }
0x2b: {  	s6 =	sld [smem:$0x3FAC]  }
0x2c: {  	s7 =	sld [smem:$0x3FAD]  }
0x2d: {  	s3 =	simm.s32 $0x108;
	s8 =	sld [smem:$0x3FAE]  }
0x2e: {  	s3 =	simm.s32 @!p0 $0x1082;
	s9 =	sld [smem:$0x3FAF]  }
0x2f: {  	lr =	sadd.s32 s0, s3;
	s0 =	sld [smem:$0x3FA6]  }
0x30: {  	s3 =	sld [smem:$0x3FA9]  }
0x31: {  	[smem:$0x3FB2] =	sst s10  }
0x32: {  	s10 =	sld [smem:$0x3FB0];
	_ =	sdelay $0x3  }
0x33: {  	p0 =	seq.s32 s10, $0x1;
	s10 =	sld [smem:$0x3FB2];
	_ =	sdelay $0x3  }
0x34: {  	[smem:$0x3FB2] =	sst s10  }
0x35: {  	s10 =	sld [smem:$0x3FB1];
	_ =	sdelay $0x3  }
0x36: {  	p1 =	seq.s32 s10, $0x1;
	s10 =	sld [smem:$0x3FB2];
	_ =	sdelay $0x3  }
0x37: {  	[smem:$0x3FB2] =	sst s10  }
0x38: {  	s10 =	sld [smem:$0x3FB3]  }
0x39: {  	_ = 	snop;
	(pc) =	sbr.ind lr, $3  }
0x3a: {  	_ = 	snop  }
0x3b: {  	_ = 	snop  }
0x3c: {  	p2 =	seq.s32 s10, $0x1;
	s10 =	sld [smem:$0x3FB2]  }
0x3d: {  	_ =	shalt  }
0x3e: {  	_ =	shalt  }
0x3f: {  	_ =	shalt  }
0x40: {  	_ =	shalt  }
0x41: {  	_ =	shalt  }
0x42: {  	_ =	shalt  }
0x43: {  	_ =	shalt  }
0x44: {  	_ =	shalt  }
0x45: {  	_ =	shalt  }
0x46: {  	_ =	shalt  }
0x47: {  	_ =	shalt  }
0x48: {  	_ =	shalt  }
0x49: {  	_ =	shalt  }
0x4a: {  	_ =	shalt  }
0x4b: {  	_ =	shalt  }
0x4c: {  	_ =	shalt  }
0x4d: {  	_ =	shalt  }
0x4e: {  	_ =	shalt  }
0x4f: {  	_ =	shalt  }
0x50: {  	_ =	shalt  }
0x51: {  	_ =	shalt  }
0x52: {  	_ =	shalt  }
0x53: {  	_ =	shalt  }
0x54: {  	_ =	shalt  }
0x55: {  	_ =	shalt  }
0x56: {  	_ =	shalt  }
0x57: {  	_ =	shalt  }
0x58: {  	_ =	shalt  }
0x59: {  	_ =	shalt  }
0x5a: {  	_ =	shalt  }
0x5b: {  	_ =	shalt  }
0x5c: {  	_ =	shalt  }
0x5d: {  	_ =	shalt  }
0x5e: {  	_ =	shalt  }
0x5f: {  	_ =	shalt  }
0x60: {  	_ =	shalt  }
0x61: {  	_ =	shalt  }
0x62: {  	_ =	shalt  }
0x63: {  	_ =	shalt  }
0x64: {  	_ =	shalt  }
0x65: {  	_ =	shalt  }
0x66: {  	_ =	shalt  }
0x67: {  	_ =	shalt  }
0x68: {  	_ =	shalt  }
0x69: {  	_ =	shalt  }
0x6a: {  	_ =	shalt  }
0x6b: {  	_ =	shalt  }
0x6c: {  	_ =	shalt  }
0x6d: {  	_ =	shalt  }
0x6e: {  	_ =	shalt  }
0x6f: {  	_ =	shalt  }
0x70: {  	_ =	shalt  }
0x71: {  	_ =	shalt  }
0x72: {  	_ =	shalt  }
0x73: {  	_ =	shalt  }
0x74: {  	_ =	shalt  }
0x75: {  	_ =	shalt  }
0x76: {  	_ =	shalt  }
0x77: {  	_ =	shalt  }
0x78: {  	_ =	shalt  }
0x79: {  	_ =	shalt  }
0x7a: {  	_ =	shalt  }
0x7b: {  	_ =	shalt  }
0x7c: {  	_ =	shalt  }
0x7d: {  	_ =	shalt  }
0x7e: {  	_ =	shalt  }
0x7f: {  	_ =	shalt  }
0x80: {  	_ =	shalt  }
0x81: {  	_ =	shalt  }
0x82: {  	_ =	shalt  }
0x83: {  	_ =	shalt  }
0x84: {  	_ =	shalt  }
0x85: {  	_ =	shalt  }
0x86: {  	_ =	shalt  }
0x87: {  	_ =	shalt  }
.Lfunc_end0:
.L_simem_size_0:
called_computation.1_lowered:
.L_overlay_start_0:
0x88: {  	s2 =	sld [smem:$0x3FD9]  }
0x89: {  	s3 =	sld [smem:$0x3FFE];
	_ =	sdelay $0x1  }
0x8a: {  	s1 =	srdreg.scid  }
0x8b: {  	s0 =	sand.u32 $0x1, s1  }
0x8c: {  	s17 =	sshll.u32 s0, $0xA;
	s2 =	sadd.s32 s3, s2  }
0x8d: {  	s2 =	sadd.s32 s2, s17  }
0x8e: {  	[smem:$0x3FBE] =	sst s2  }
0x8f: {  	_ = 	snop  }
0x90: {  	(tm) =	ssettm $0x1  }
0x91: {  	s18 =	sld [smem:$0x3FFB];
	_ =	sdelay $0x3  }
0x92: {  	_ =	strace s18  }
0x93: {  	s2 =	sld [smem:$0x3FFC];
	_ =	sdelay $0x3  }
0x94: {  	_ =	strace s2  }
0x95: {  	s2 =	sld [smem:$0x3FFD];
	_ =	sdelay $0x3  }
0x96: {  	_ =	strace s2  }
0x97: {  	_ =	strace $0x8FFFFFFF  }
0x98: {  	s19 =	sld [smem:$0x3FDB];
	_ =	sdelay $0x1  }
0x99: {  	s20 =	simm.s32 $_scs_section_size  }
0x9a: {  	s4 =	simm.s32 $_size__tile_overlayer_lowered;
	s5 =	simm.s32 $_tile_overlayer_lowered  }
0x9b: {  	s6 =	simm.s32 $0x1BFF;
	s21 =	sshll.u32 s5, $0x1;
	s3 =	sadd.s32 s20, s19  }
0x9c: {  	s22 =	simm.s32 $0x0;
	s4 =	sshll.u32 s4, $0x1;
	s5 =	sadd.s32 s21, s3  }
0x9d: {  	[timem:s22], [sflag:s6] =	dma.local [hbm:s5], s4  }
0x9e: {  	_ =	swait.ge [sflag:s6], s4  }
0x9f: {  	s4 =	ssub.s32 $0x0, s4;
	[sflag:s6] =	ssyncset.done $0x0  }
0xa0: {  	[sflag:s6] =	ssyncadd.s32 s4;
	_ =	sdelay $0x1  }
0xa1: {  	s23 =	simm.s32 $0x1B8B  }
0xa2: {  	_ =	swait.ge [sflag:s23], $0x1  }
0xa3: {  	[sflag:s23] =	ssyncset.done $0x0  }
0xa4: {  	[sflag:s23] =	ssyncadd.s32 $0xFFFFFFFF  }
0xa5: {  	s4 =	sld [smem:$0x0]  }
0xa6: {  	s5 =	sand.u32 $0xFFFFFFFE, s1  }
0xa7: {  	p0 =	sne.s32 s1, s5  }
0xa8: {  	s5 =	sshll.u32 @p0 s5, $0xE  }
0xa9: {  	s5 =	sadd.s32 @p0 $0x11B8D, s5;
	s6 =	sshll.u32 @p0 s4, $0x11  }
0xaa: {  	s5 =	sor.u32 @p0 s6, s5  }
0xab: {  	[sflag:s5] =	ssyncadd.remote.s32 @p0 $0x1;
	_ =	sdelay $0x1  }
0xac: {  	s5 =	simm.s32 @p0 $0x1B8D  }
0xad: {  	_ =	swait.eq @p0 [sflag:s5], $0x1  }
0xae: {  	[sflag:s5] =	ssyncadd.s32 @p0 $0xFFFFFFFF  }
0xaf: {  	s6 =	sshll.u32 @!p0 s1, $0xE  }
0xb0: {  	s6 =	sor.u32 @!p0 $0x4000, s6;
	s5 =	simm.s32 @!p0 $0x1B8D  }
0xb1: {  	s4 =	sshll.u32 @!p0 s4, $0x11;
	s6 =	sadd.s32 @!p0 $0x11B8D, s6;
	_ =	swait.eq @!p0 [sflag:s5], $0x1  }
0xb2: {  	s4 =	sor.u32 @!p0 s4, s6;
	[sflag:s5] =	ssyncadd.s32 @!p0 $0xFFFFFFFF  }
0xb3: {  	s25 =	simm.s32 $0x1B8E;
	s24 =	sld [smem:$0x3FFE];
	[sflag:s4] =	ssyncadd.remote.s32 @!p0 $0x1  }
0xb4: {  	s26 =	simm.s32 $execute0_lowered;
	[smem:$0x3FD2] =	sst s25  }
0xb5: {  	s5 =	sshll.u32 s26, $0x1;
	_ =	strace $0x80000049;
	[dreg:$0x1] =	wrdreg $0xFFFFFFFF  }
0xb6: {  	s28 =	simm.s32 $_size_execute0_lowered;
	s3 =	sadd.s32 s3, s5;
	[dreg:$0x0] =	wrdreg $0x0  }
0xb7: {  	s5 =	sshll.u32 s28, $0x1;
	[dreg:$0x2] =	wrdreg s3  }
0xb8: {  	[dreg:$0x3] =	wrdreg s5  }
0xb9: {  	[dreg:$0x4] =	wrdreg $0xC0  }
0xba: {  	_ =	task [dreg:s22], $0x5FFFF  }
0xbb: {  	[dreg:$0x1] =	wrdreg $0xFFFFFFFF  }
0xbc: {  	[dreg:$0x0] =	wrdreg $0x60  }
0xbd: {  	[dreg:$0x2] =	wrdreg s24  }
0xbe: {  	[dreg:$0x3] =	wrdreg $0xA  }
0xbf: {  	_ =	task.clear_ibuf [dreg:s22], $0x4FFFF;
	_ =	strace $0x90000049  }
0xc0: {  	s29 =	simm.s32 $0xA;
	_ =	strace $0x8000004B  }
0xc1: {  	_ =	swait.ge [sflag:s29], $0x1  }
0xc2: {  	[sflag:s29] =	ssyncadd.s32 $0xFFFFFFFF  }
0xc3: {  	_ =	strace $0x9000004B  }
0xc4: {  	_ =	sfence  }
0xc5: {  	s30 =	sld [smem:$0x0];
	_ =	sdelay $0x2  }
0xc6: {  	s31 =	sshll.u32 s1, $0xD;
	s1 =	sshrl.u32 s1, $0x2  }
0xc7: {  	s4 =	sand.u32 $0x4000, s31;
	s1 =	sadd.s32 s1, s30  }
0xc8: {  	s0 =	sor.u32 s4, s0;
	s1 =	sshll.u32 s1, $0x11  }
0xc9: {  	s0 =	sor.u32 s1, s0  }
0xca: {  	s0 =	sadd.s32 $0x8F2B, s0  }
0xcb: {  	[sflag:s0] =	ssyncadd.remote.s32 $0x1  }
0xcc: {  	_ =	sfence.sel $0xFFFF  }
0xcd: {  	[dreg:$0x0] =	wrdreg $0xFFFFFFFF;
	(pc) =	sbr.abs _section_cstart, $3  }
0xce: {  	[dreg:$0x1] =	wrdreg $0xFFFFFFFF  }
0xcf: {  	_ =	task.clear_ibuf [dreg:s22], $0x2FFFF;
	_ =	strace $0x9FFFFFFF  }
0xd0: {  	(tm) =	ssettm $0x7FFFFFFF  }
0xd1: {  	_ =	shalt  }
tec
execute0_lowered:
.L_overlay_start_1:
0x0: {  	(tag) =	ssettag $0x1  }
0x1: {  	s1 =	srdreg.scid;
	s0 =	stileid.u32  }
0x2: {  	s1 =	sand.u32 $0x1, s1;
	s2 =	sshll.u32 s0, $0x1  }
0x3: {  	s3 =	sor.u32 s1, s2  }
0x4: {  	s4 =	rddreg [dreg:$0x0];
	s5 =	sshll.u32 s3, $0x7  }
0x5: {  	s2 =	simm.s32 $0x0;
	s3 =	sshll.u32 s3, $0xE;
	s5 =	sadd.s32 s5, s4  }
0x6: {  	[smem:$0x7FF] =	sst s2;
	s31 =	sadd.s32 s3, s4;
	s5 =	sadd.s32 $0x8BC00, s5  }
0x7: {  	_ =	strace $0x8000004A;
	s3 =	sadd.s32 $0x94C00, s31;
	[dreg:$0x2] =	wrdreg s5  }
0x8: {  	[dreg:$0x3] =	wrdreg s3  }
0x9: {  	s3 =	simm.s32 $0x9;
	s5 =	rddreg [dreg:$0x2]  }
0xa: {  	[tilespmem:s2], [sflag:$0x9] =	stream.linear.gather [hbm4b:s5+s2], $0x400, $0x38;
	[tilespmem:$0x10400] =	vst v63  }
0xb: {  	_ =	swait.ge [sflag:s3], $0x400  }
0xc: {  	s6 =	simm.s32 $0x400;
	[sflag:s3] =	ssyncset.done $0x0  }
0xd: {  	s4 =	sadd.s32 $0x8CC00, s4;
	s5 =	simm.s32 $0x80;
	[sflag:s3] =	ssyncadd.s32 $0xFFFFFC00  }
0xe: {  	[tilespmem:s6], [sflag:$0x1] =	stream.indirect.gather [hbm4b:s4+s5], $0x80, s2, s5, $0xb8;
	[tilespmem:$0x10400] =	vst v63  }
0xf: {  	s7 =	simm.s32 $0x4400;
	s8 =	simm.s32 $0x1  }
0x10: {  	[tilespmem:s7], [sflag:$0x2] =	stream.indirect.gather [hbm4b:s4+s5], $0x80, s5, s5, $0xb8;
	[tilespmem:$0x10400] =	vst v63  }
0x11: {  	_ =	swait.ge [sflag:s8], $0x4000  }
0x12: {  	[sflag:s8] =	ssyncset.done $0x0  }
0x13: {  	s9 =	rddreg [dreg:$0x3];
	[sflag:s8] =	ssyncadd.s32 $0xFFFFC000  }
0x14: {  	[hbm4b:s9+s2] =	stream.linear.scatter [tilespmem:s6], [sflag:$0x5], $0x4000, $0x38;
	[tilespmem:$0x10400] =	vst v63  }
0x15: {  	s10 =	simm.s32 $0x8400;
	s11 =	simm.s32 $0x2;
	s9 =	simm.s32 $0x100  }
0x16: {  	[tilespmem:s10], [sflag:$0x3] =	stream.indirect.gather [hbm4b:s4+s5], $0x80, s9, s5, $0xb8;
	[tilespmem:$0x10400] =	vst v63  }
0x17: {  	_ =	swait.ge [sflag:s11], $0x4000  }
0x18: {  	[sflag:s11] =	ssyncset.done $0x0  }
0x19: {  	s12 =	sadd.s32 $0x95400, s31;
	[sflag:s11] =	ssyncadd.s32 $0xFFFFC000  }
0x1a: {  	[hbm4b:s12+s2] =	stream.linear.scatter [tilespmem:s7], [sflag:$0x6], $0x4000, $0x38;
	[tilespmem:$0x10400] =	vst v63  }
0x1b: {  	s13 =	simm.s32 $0x180;
	s14 =	simm.s32 $0xC400;
	s15 =	simm.s32 $0x3  }
0x1c: {  	[tilespmem:s14], [sflag:$0x4] =	stream.indirect.gather [hbm4b:s4+s5], $0x80, s13, s5, $0xb8;
	[tilespmem:$0x10400] =	vst v63  }
0x1d: {  	_ =	swait.ge [sflag:s15], $0x4000  }
0x1e: {  	[sflag:s15] =	ssyncset.done $0x0  }
0x1f: {  	s17 =	simm.s32 $0x5;
	s16 =	sadd.s32 $0x95C00, s31;
	[sflag:s15] =	ssyncadd.s32 $0xFFFFC000  }
0x20: {  	[hbm4b:s16+s2] =	stream.linear.scatter [tilespmem:s10], [sflag:$0x7], $0x4000, $0x38;
	[tilespmem:$0x10400] =	vst v63  }
0x21: {  	_ =	swait.ge [sflag:s17], $0x4000  }
0x22: {  	[sflag:s17] =	ssyncset.done $0x0  }
0x23: {  	s18 =	simm.s32 $0x200;
	s19 =	simm.s32 $0x4;
	[sflag:s17] =	ssyncadd.s32 $0xFFFFC000  }
0x24: {  	[tilespmem:s6], [sflag:$0x1] =	stream.indirect.gather [hbm4b:s4+s5], $0x80, s18, s5, $0xb8;
	[tilespmem:$0x10400] =	vst v63  }
0x25: {  	_ =	swait.ge [sflag:s19], $0x4000  }
0x26: {  	[sflag:s19] =	ssyncset.done $0x0  }
0x27: {  	s21 =	simm.s32 $0x6;
	s20 =	sadd.s32 $0x96400, s31;
	[sflag:s19] =	ssyncadd.s32 $0xFFFFC000  }
0x28: {  	[hbm4b:s20+s2] =	stream.linear.scatter [tilespmem:s14], [sflag:$0x8], $0x4000, $0x38;
	[tilespmem:$0x10400] =	vst v63  }
0x29: {  	_ =	swait.ge [sflag:s21], $0x4000  }
0x2a: {  	[sflag:s21] =	ssyncset.done $0x0  }
0x2b: {  	s22 =	simm.s32 $0x280;
	[sflag:s21] =	ssyncadd.s32 $0xFFFFC000  }
0x2c: {  	[tilespmem:s7], [sflag:$0x2] =	stream.indirect.gather [hbm4b:s4+s5], $0x80, s22, s5, $0xb8;
	[tilespmem:$0x10400] =	vst v63  }
0x2d: {  	_ =	swait.ge [sflag:s8], $0x4000  }
0x2e: {  	[sflag:s8] =	ssyncset.done $0x0  }
0x2f: {  	s24 =	simm.s32 $0x7;
	s23 =	sadd.s32 $0x96C00, s31;
	[sflag:s8] =	ssyncadd.s32 $0xFFFFC000  }
0x30: {  	[hbm4b:s23+s2] =	stream.linear.scatter [tilespmem:s6], [sflag:$0x5], $0x4000, $0x38;
	[tilespmem:$0x10400] =	vst v63  }
0x31: {  	_ =	swait.ge [sflag:s24], $0x4000  }
0x32: {  	[sflag:s24] =	ssyncset.done $0x0  }
0x33: {  	s25 =	simm.s32 $0x300;
	[sflag:s24] =	ssyncadd.s32 $0xFFFFC000  }
0x34: {  	[tilespmem:s10], [sflag:$0x3] =	stream.indirect.gather [hbm4b:s4+s5], $0x80, s25, s5, $0xb8;
	[tilespmem:$0x10400] =	vst v63  }
0x35: {  	_ =	swait.ge [sflag:s11], $0x4000  }
0x36: {  	[sflag:s11] =	ssyncset.done $0x0  }
0x37: {  	s26 =	simm.s32 $0x8;
	s28 =	sadd.s32 $0x97400, s31;
	[sflag:s11] =	ssyncadd.s32 $0xFFFFC000  }
0x38: {  	[hbm4b:s28+s2] =	stream.linear.scatter [tilespmem:s7], [sflag:$0x6], $0x4000, $0x38;
	[tilespmem:$0x10400] =	vst v63  }
0x39: {  	_ =	swait.ge [sflag:s26], $0x4000  }
0x3a: {  	[sflag:s26] =	ssyncset.done $0x0  }
0x3b: {  	s29 =	simm.s32 $0x380;
	[sflag:s26] =	ssyncadd.s32 $0xFFFFC000  }
0x3c: {  	[tilespmem:s14], [sflag:$0x4] =	stream.indirect.gather [hbm4b:s4+s5], $0x80, s29, s5, $0xb8;
	[tilespmem:$0x10400] =	vst v63  }
0x3d: {  	_ =	swait.ge [sflag:s15], $0x4000  }
0x3e: {  	[sflag:s15] =	ssyncset.done $0x0  }
0x3f: {  	s30 =	sadd.s32 $0x97C00, s31;
	[sflag:s15] =	ssyncadd.s32 $0xFFFFC000  }
0x40: {  	[hbm4b:s30+s2] =	stream.linear.scatter [tilespmem:s10], [sflag:$0x7], $0x4000, $0x38;
	[tilespmem:$0x10400] =	vst v63  }
0x41: {  	_ =	swait.ge [sflag:s19], $0x4000  }
0x42: {  	[sflag:s19] =	ssyncset.done $0x0  }
0x43: {  	s31 =	sadd.s32 $0x98400, s31;
	[sflag:s19] =	ssyncadd.s32 $0xFFFFC000  }
0x44: {  	[hbm4b:s31+s2] =	stream.linear.scatter [tilespmem:s14], [sflag:$0x8], $0x4000, $0x38;
	[tilespmem:$0x10400] =	vst v63  }
0x45: {  	s1 =	ssub.s32 $0x2, s1;
	_ =	swait.ge [sflag:s17], $0x4000  }
0x46: {  	s0 =	sshrl.u32 s1, $0x1;
	[sflag:s17] =	ssyncset.done $0x0  }
0x47: {  	s0 =	ssub.s32 s1, s0;
	[sflag:s17] =	ssyncadd.s32 $0xFFFFC000  }
0x48: {  	s0 =	smax.u32 s0, $0x1;
	_ =	swait.ge [sflag:s21], $0x4000  }
0x49: {  	p0 =	sne.s32 s0, $0x1;
	[sflag:s21] =	ssyncset.done $0x0  }
.Ltmp0:
0x4a: {  	[sflag:s21] =	ssyncadd.s32 $0xFFFFC000;
	(pc) =	sbr.rel @!p0 .LBB2_2-.Ltmp0, $4  }
0x4b: {  	_ =	swait.ge [sflag:s24], $0x4000  }
0x4c: {  	[sflag:s24] =	ssyncset.done $0x0  }
0x4d: {  	[sflag:s24] =	ssyncadd.s32 $0xFFFFC000  }
0x4e: {  	s1 =	sadd.s32 $0xFFFFFFFF, s0;
	_ =	swait.ge [sflag:s26], $0x4000  }
.LBB2_1:
0x4f: {  	[sflag:s26] =	ssyncset.done $0x0  }
0x50: {  	s0 =	rddreg [dreg:$0x2];
	[sflag:s26] =	ssyncadd.s32 $0xFFFFC000  }
0x51: {  	[tilespmem:s2], [sflag:$0x9] =	stream.linear.gather [hbm4b:s0+s2], $0x400, $0x38;
	[tilespmem:$0x10400] =	vst v63  }
0x52: {  	_ =	swait.ge [sflag:s3], $0x400  }
0x53: {  	[sflag:s3] =	ssyncset.done $0x0  }
0x54: {  	[sflag:s3] =	ssyncadd.s32 $0xFFFFFC00  }
0x55: {  	[tilespmem:s6], [sflag:$0x1] =	stream.indirect.gather [hbm4b:s4+s5], $0x80, s2, s5, $0xb8;
	[tilespmem:$0x10400] =	vst v63  }
0x56: {  	_ = 	snop  }
0x57: {  	[tilespmem:s7], [sflag:$0x2] =	stream.indirect.gather [hbm4b:s4+s5], $0x80, s5, s5, $0xb8;
	[tilespmem:$0x10400] =	vst v63  }
0x58: {  	_ =	swait.ge [sflag:s8], $0x4000  }
0x59: {  	[sflag:s8] =	ssyncset.done $0x0  }
0x5a: {  	s0 =	rddreg [dreg:$0x3];
	[sflag:s8] =	ssyncadd.s32 $0xFFFFC000  }
0x5b: {  	[hbm4b:s0+s2] =	stream.linear.scatter [tilespmem:s6], [sflag:$0x5], $0x4000, $0x38;
	[tilespmem:$0x10400] =	vst v63  }
0x5c: {  	_ = 	snop  }
0x5d: {  	[tilespmem:s10], [sflag:$0x3] =	stream.indirect.gather [hbm4b:s4+s5], $0x80, s9, s5, $0xb8;
	[tilespmem:$0x10400] =	vst v63  }
0x5e: {  	_ =	swait.ge [sflag:s11], $0x4000  }
0x5f: {  	[sflag:s11] =	ssyncset.done $0x0  }
0x60: {  	[sflag:s11] =	ssyncadd.s32 $0xFFFFC000  }
0x61: {  	[hbm4b:s12+s2] =	stream.linear.scatter [tilespmem:s7], [sflag:$0x6], $0x4000, $0x38;
	[tilespmem:$0x10400] =	vst v63  }
0x62: {  	_ = 	snop  }
0x63: {  	[tilespmem:s14], [sflag:$0x4] =	stream.indirect.gather [hbm4b:s4+s5], $0x80, s13, s5, $0xb8;
	[tilespmem:$0x10400] =	vst v63  }
0x64: {  	_ =	swait.ge [sflag:s15], $0x4000  }
0x65: {  	[sflag:s15] =	ssyncset.done $0x0  }
0x66: {  	[sflag:s15] =	ssyncadd.s32 $0xFFFFC000  }
0x67: {  	[hbm4b:s16+s2] =	stream.linear.scatter [tilespmem:s10], [sflag:$0x7], $0x4000, $0x38;
	[tilespmem:$0x10400] =	vst v63  }
0x68: {  	_ =	swait.ge [sflag:s17], $0x4000  }
0x69: {  	[sflag:s17] =	ssyncset.done $0x0  }
0x6a: {  	[sflag:s17] =	ssyncadd.s32 $0xFFFFC000  }
0x6b: {  	[tilespmem:s6], [sflag:$0x1] =	stream.indirect.gather [hbm4b:s4+s5], $0x80, s18, s5, $0xb8;
	[tilespmem:$0x10400] =	vst v63  }
0x6c: {  	_ =	swait.ge [sflag:s19], $0x4000  }
0x6d: {  	[sflag:s19] =	ssyncset.done $0x0  }
0x6e: {  	[sflag:s19] =	ssyncadd.s32 $0xFFFFC000  }
0x6f: {  	[hbm4b:s20+s2] =	stream.linear.scatter [tilespmem:s14], [sflag:$0x8], $0x4000, $0x38;
	[tilespmem:$0x10400] =	vst v63  }
0x70: {  	_ =	swait.ge [sflag:s21], $0x4000  }
0x71: {  	[sflag:s21] =	ssyncset.done $0x0  }
0x72: {  	[sflag:s21] =	ssyncadd.s32 $0xFFFFC000  }
0x73: {  	[tilespmem:s7], [sflag:$0x2] =	stream.indirect.gather [hbm4b:s4+s5], $0x80, s22, s5, $0xb8;
	[tilespmem:$0x10400] =	vst v63  }
0x74: {  	_ =	swait.ge [sflag:s8], $0x4000  }
0x75: {  	[sflag:s8] =	ssyncset.done $0x0  }
0x76: {  	[sflag:s8] =	ssyncadd.s32 $0xFFFFC000  }
0x77: {  	[hbm4b:s23+s2] =	stream.linear.scatter [tilespmem:s6], [sflag:$0x5], $0x4000, $0x38;
	[tilespmem:$0x10400] =	vst v63  }
0x78: {  	_ =	swait.ge [sflag:s24], $0x4000  }
0x79: {  	[sflag:s24] =	ssyncset.done $0x0  }
0x7a: {  	[sflag:s24] =	ssyncadd.s32 $0xFFFFC000  }
0x7b: {  	[tilespmem:s10], [sflag:$0x3] =	stream.indirect.gather [hbm4b:s4+s5], $0x80, s25, s5, $0xb8;
	[tilespmem:$0x10400] =	vst v63  }
0x7c: {  	_ =	swait.ge [sflag:s11], $0x4000  }
0x7d: {  	[sflag:s11] =	ssyncset.done $0x0  }
0x7e: {  	[sflag:s11] =	ssyncadd.s32 $0xFFFFC000  }
0x7f: {  	[hbm4b:s28+s2] =	stream.linear.scatter [tilespmem:s7], [sflag:$0x6], $0x4000, $0x38;
	[tilespmem:$0x10400] =	vst v63  }
0x80: {  	_ =	swait.ge [sflag:s26], $0x4000  }
0x81: {  	[sflag:s26] =	ssyncset.done $0x0  }
0x82: {  	[sflag:s26] =	ssyncadd.s32 $0xFFFFC000  }
0x83: {  	[tilespmem:s14], [sflag:$0x4] =	stream.indirect.gather [hbm4b:s4+s5], $0x80, s29, s5, $0xb8;
	[tilespmem:$0x10400] =	vst v63  }
0x84: {  	_ =	swait.ge [sflag:s15], $0x4000  }
0x85: {  	[sflag:s15] =	ssyncset.done $0x0  }
0x86: {  	[sflag:s15] =	ssyncadd.s32 $0xFFFFC000  }
0x87: {  	[hbm4b:s30+s2] =	stream.linear.scatter [tilespmem:s10], [sflag:$0x7], $0x4000, $0x38;
	[tilespmem:$0x10400] =	vst v63  }
0x88: {  	_ =	swait.ge [sflag:s19], $0x4000  }
0x89: {  	[sflag:s19] =	ssyncset.done $0x0  }
0x8a: {  	[sflag:s19] =	ssyncadd.s32 $0xFFFFC000  }
0x8b: {  	[hbm4b:s31+s2] =	stream.linear.scatter [tilespmem:s14], [sflag:$0x8], $0x4000, $0x38;
	[tilespmem:$0x10400] =	vst v63  }
0x8c: {  	_ =	swait.ge [sflag:s17], $0x4000  }
0x8d: {  	[sflag:s17] =	ssyncset.done $0x0  }
0x8e: {  	[sflag:s17] =	ssyncadd.s32 $0xFFFFC000  }
0x8f: {  	_ =	swait.ge [sflag:s21], $0x4000  }
0x90: {  	p0 =	sne.s32 s1, $0x1;
	[sflag:s21] =	ssyncset.done $0x0  }
.Ltmp1:
0x91: {  	[sflag:s21] =	ssyncadd.s32 $0xFFFFC000;
	(pc) =	sbr.rel @p0 .LBB2_1-.Ltmp1, $4  }
0x92: {  	_ =	swait.ge [sflag:s24], $0x4000  }
0x93: {  	[sflag:s24] =	ssyncset.done $0x0  }
0x94: {  	[sflag:s24] =	ssyncadd.s32 $0xFFFFC000  }
0x95: {  	s1 =	sadd.s32 $0xFFFFFFFF, s1;
	_ =	swait.ge [sflag:s26], $0x4000  }
.LBB2_2:
0x96: {  	[sflag:s26] =	ssyncset.done $0x0  }
0x97: {  	[sflag:s26] =	ssyncadd.s32 $0xFFFFC000  }
0x98: {  	_ =	sfence.sel $0x180000  }
0x99: {  	[bflag:$0x0] =	sbarrier.arrive $0xFFFF  }
0x9a: {  	_ =	strace $0x9000004A  }
0x9b: {  	s0 =	stileid.u32;
	[bflag:$0x2] =	sbarrier.arrive $0xFFFF  }
0x9c: {  	p0 =	sne.s32 s0, $0x0;
	s0 =	rddreg [dreg:$0x1]  }
0x9d: {  	s0 =	sadd.s32 @!p0 $0x100000, s0  }
0x9e: {  	[sflag:s0] =	ssyncadd.tile.s32 @!p0 $0x1;
	_ =	shalt  }
.Lfunc_end2:
_tile_overlayer_lowered:
.L_overlay_start_2:
0x9f: {  	(tag) =	ssettag $0x2  }
0xa0: {  	s0 =	rddreg [dreg:$0x0];
	s2 =	stileid.u32  }
0xa1: {  	s1 =	rddreg [dreg:$0x1];
	p0 =	sne.s32 s2, $0x0  }
0xa2: {  	s3 =	rddreg [dreg:$0x2];
	[bflag:$0x3] =	sbarrier.arrive $0xFFFF;
	s2 =	simm.s32 @!p0 $0x1C09  }
0xa3: {  	[timem:s3], [sflag:s2] =	dma.local @!p0 [hbm:s0], s1  }
0xa4: {  	s0 =	simm.s32 @!p0 $0x9  }
0xa5: {  	_ =	swait.ge @!p0 [sflag:s0], s1  }
0xa6: {  	s1 =	ssub.s32 @!p0 $0x0, s1;
	[sflag:s0] =	ssyncset.done @!p0 $0x0  }
0xa7: {  	[sflag:s0] =	ssyncadd.s32 @!p0 s1  }
0xa8: {  	[bflag:$0x3] =	sbarrier.arrive $0xFFFF  }
0xa9: {  	_ =	shalt  }

// kernel: kernel.20.cloned.1.call-start
scs
__scs_entry_jumppad:
0x0: {  	(pc) =	sbr.rel $0x88, $3  }
0x1: {  	(tag) =	ssettag $0x0;
	lr =	simm.s32 $0x1  }
0x2: {  	[smem:$0x3F97] =	sst lr;
	_ =	strace $0xD0000000  }
0x3: {  	_ = 	snop  }
0x4: {  	_ = 	snop  }
0x5: {  	_ = 	snop  }
0x6: {  	_ = 	snop  }
0x7: {  	_ = 	snop  }
__scs_overlays_trampoline_lowered:
0x8: {  	[smem:$0x3FA6] =	sst s0  }
0x9: {  	[smem:$0x3FA7] =	sst s1  }
0xa: {  	[smem:$0x3FA8] =	sst s2  }
0xb: {  	[smem:$0x3FA9] =	sst s3  }
0xc: {  	[smem:$0x3FAA] =	sst s4  }
0xd: {  	[smem:$0x3FAB] =	sst s5  }
0xe: {  	[smem:$0x3FAC] =	sst s6  }
0xf: {  	[smem:$0x3FAD] =	sst s7  }
0x10: {  	[smem:$0x3FAE] =	sst s8  }
0x11: {  	[smem:$0x3FAF] =	sst s9;
	s0 =	simm.s32 @!p0 $0x0  }
0x12: {  	s1 =	sld [smem:$0x3F95];
	s0 =	simm.s32 @p0 $0x1  }
0x13: {  	[smem:$0x3FB0] =	sst s0;
	s0 =	simm.s32 @!p1 $0x0  }
0x14: {  	s2 =	sld [smem:$0x3F94];
	s0 =	simm.s32 @p1 $0x1  }
0x15: {  	[smem:$0x3FB1] =	sst s0;
	s0 =	simm.s32 @!p2 $0x0  }
0x16: {  	s3 =	sld [smem:$0x3FDB];
	s0 =	simm.s32 @p2 $0x1  }
0x17: {  	s4 =	simm.s32 $0x1BF5;
	[smem:$0x3FB3] =	sst s0  }
0x18: {  	s0 =	sld [smem:$0x3F96];
	_ =	swait.ge [sflag:s4], $0x0  }
0x19: {  	s7 =	sld [smem:$0x3F97]  }
0x1a: {  	s8 =	sadd.s32 $0xFFFFE003, lr  }
0x1b: {  	s9 =	sadd.s32 $0xFFFFFEF7, lr;
	s5 =	simm.s32 $0xFFFFFFFF;
	p2 =	slt.u32 s8, $0xFFFFF086  }
0x1c: {  	p1 =	slt.u32 s9, $0xF7A;
	s5 =	simm.s32 @!p2 $0x0  }
0x1d: {  	s5 =	simm.s32 @p1 $0x1;
	p0 =	seq.s32 s7, s2  }
0x1e: {  	s7 =	smul.u32 @!p0 $0xF7A, s2;
	p2 =	seq.s32 @!p0 s5, $0x0  }
0x1f: {  	s9 =	smul.u32 $0xF7A, s1;
	s8 =	simm.s32 @!p0 $0x1BF5;
	p2 =	por !p2, p0  }
0x20: {  	[sflag:s8] =	ssyncset.s32 @!p0 $0xFFFFF086;
	s6 =	sadd.s32 @!p0 s3, s7;
	s7 =	simm.s32 @!p0 $0x108  }
0x21: {  	s3 =	sadd.s32 s3, s9;
	s6 =	sadd.s32 @!p0 $0x88, s6;
	s7 =	simm.s32 @p2 $0x1082  }
0x22: {  	[simem:s7], [sflag:s8] =	dma.local @!p0 [hbm:s6], $0xF7A  }
0x23: {  	s9 =	sor.u32 $0xD0000000, s2;
	s6 =	simm.s32 $0x108;
	_ =	swait.ge @!p0 [sflag:s8], $0x0  }
0x24: {  	s3 =	sadd.s32 $0x88, s3;
	s6 =	simm.s32 @!p1 $0x1082;
	[sflag:s4] =	ssyncset.s32 $0xFFFFF086  }
0x25: {  	[simem:s6], [sflag:s4] =	dma.local [hbm:s3], $0xF7A  }
0x26: {  	[smem:$0x3F97] =	sst s1;
	(tag) =	ssettag s2;
	_ =	strace s9  }
0x27: {  	s1 =	sld [smem:$0x3FA7]  }
0x28: {  	s2 =	sld [smem:$0x3FA8]  }
0x29: {  	s4 =	sld [smem:$0x3FAA]  }
0x2a: {  	p0 =	seq.s32 s5, $0x0;
	s5 =	sld [smem:$0x3FAB]  }
0x2b: {  	s6 =	sld [smem:$0x3FAC]  }
0x2c: {  	s7 =	sld [smem:$0x3FAD]  }
0x2d: {  	s3 =	simm.s32 $0x108;
	s8 =	sld [smem:$0x3FAE]  }
0x2e: {  	s3 =	simm.s32 @!p0 $0x1082;
	s9 =	sld [smem:$0x3FAF]  }
0x2f: {  	lr =	sadd.s32 s0, s3;
	s0 =	sld [smem:$0x3FA6]  }
0x30: {  	s3 =	sld [smem:$0x3FA9]  }
0x31: {  	[smem:$0x3FB2] =	sst s10  }
0x32: {  	s10 =	sld [smem:$0x3FB0];
	_ =	sdelay $0x3  }
0x33: {  	p0 =	seq.s32 s10, $0x1;
	s10 =	sld [smem:$0x3FB2];
	_ =	sdelay $0x3  }
0x34: {  	[smem:$0x3FB2] =	sst s10  }
0x35: {  	s10 =	sld [smem:$0x3FB1];
	_ =	sdelay $0x3  }
0x36: {  	p1 =	seq.s32 s10, $0x1;
	s10 =	sld [smem:$0x3FB2];
	_ =	sdelay $0x3  }
0x37: {  	[smem:$0x3FB2] =	sst s10  }
0x38: {  	s10 =	sld [smem:$0x3FB3]  }
0x39: {  	_ = 	snop;
	(pc) =	sbr.ind lr, $3  }
0x3a: {  	_ = 	snop  }
0x3b: {  	_ = 	snop  }
0x3c: {  	p2 =	seq.s32 s10, $0x1;
	s10 =	sld [smem:$0x3FB2]  }
0x3d: {  	_ =	shalt  }
0x3e: {  	_ =	shalt  }
0x3f: {  	_ =	shalt  }
0x40: {  	_ =	shalt  }
0x41: {  	_ =	shalt  }
0x42: {  	_ =	shalt  }
0x43: {  	_ =	shalt  }
0x44: {  	_ =	shalt  }
0x45: {  	_ =	shalt  }
0x46: {  	_ =	shalt  }
0x47: {  	_ =	shalt  }
0x48: {  	_ =	shalt  }
0x49: {  	_ =	shalt  }
0x4a: {  	_ =	shalt  }
0x4b: {  	_ =	shalt  }
0x4c: {  	_ =	shalt  }
0x4d: {  	_ =	shalt  }
0x4e: {  	_ =	shalt  }
0x4f: {  	_ =	shalt  }
0x50: {  	_ =	shalt  }
0x51: {  	_ =	shalt  }
0x52: {  	_ =	shalt  }
0x53: {  	_ =	shalt  }
0x54: {  	_ =	shalt  }
0x55: {  	_ =	shalt  }
0x56: {  	_ =	shalt  }
0x57: {  	_ =	shalt  }
0x58: {  	_ =	shalt  }
0x59: {  	_ =	shalt  }
0x5a: {  	_ =	shalt  }
0x5b: {  	_ =	shalt  }
0x5c: {  	_ =	shalt  }
0x5d: {  	_ =	shalt  }
0x5e: {  	_ =	shalt  }
0x5f: {  	_ =	shalt  }
0x60: {  	_ =	shalt  }
0x61: {  	_ =	shalt  }
0x62: {  	_ =	shalt  }
0x63: {  	_ =	shalt  }
0x64: {  	_ =	shalt  }
0x65: {  	_ =	shalt  }
0x66: {  	_ =	shalt  }
0x67: {  	_ =	shalt  }
0x68: {  	_ =	shalt  }
0x69: {  	_ =	shalt  }
0x6a: {  	_ =	shalt  }
0x6b: {  	_ =	shalt  }
0x6c: {  	_ =	shalt  }
0x6d: {  	_ =	shalt  }
0x6e: {  	_ =	shalt  }
0x6f: {  	_ =	shalt  }
0x70: {  	_ =	shalt  }
0x71: {  	_ =	shalt  }
0x72: {  	_ =	shalt  }
0x73: {  	_ =	shalt  }
0x74: {  	_ =	shalt  }
0x75: {  	_ =	shalt  }
0x76: {  	_ =	shalt  }
0x77: {  	_ =	shalt  }
0x78: {  	_ =	shalt  }
0x79: {  	_ =	shalt  }
0x7a: {  	_ =	shalt  }
0x7b: {  	_ =	shalt  }
0x7c: {  	_ =	shalt  }
0x7d: {  	_ =	shalt  }
0x7e: {  	_ =	shalt  }
0x7f: {  	_ =	shalt  }
0x80: {  	_ =	shalt  }
0x81: {  	_ =	shalt  }
0x82: {  	_ =	shalt  }
0x83: {  	_ =	shalt  }
0x84: {  	_ =	shalt  }
0x85: {  	_ =	shalt  }
0x86: {  	_ =	shalt  }
0x87: {  	_ =	shalt  }
.Lfunc_end0:
.L_simem_size_0:
called_computation.2_lowered:
.L_overlay_start_0:
0x88: {  	s2 =	sld [smem:$0x3FD9]  }
0x89: {  	s3 =	sld [smem:$0x3FFE];
	_ =	sdelay $0x1  }
0x8a: {  	s1 =	srdreg.scid  }
0x8b: {  	s0 =	sand.u32 $0x1, s1  }
0x8c: {  	s17 =	sshll.u32 s0, $0xA;
	s2 =	sadd.s32 s3, s2  }
0x8d: {  	s2 =	sadd.s32 s2, s17  }
0x8e: {  	[smem:$0x3FBE] =	sst s2  }
0x8f: {  	_ = 	snop  }
0x90: {  	(tm) =	ssettm $0x1  }
0x91: {  	s18 =	sld [smem:$0x3FFB];
	_ =	sdelay $0x3  }
0x92: {  	_ =	strace s18  }
0x93: {  	s2 =	sld [smem:$0x3FFC];
	_ =	sdelay $0x3  }
0x94: {  	_ =	strace s2  }
0x95: {  	s2 =	sld [smem:$0x3FFD];
	_ =	sdelay $0x3  }
0x96: {  	_ =	strace s2  }
0x97: {  	_ =	strace $0x8FFFFFFF  }
0x98: {  	s19 =	sld [smem:$0x3FDB];
	_ =	sdelay $0x1  }
0x99: {  	s20 =	simm.s32 $_scs_section_size  }
0x9a: {  	s4 =	simm.s32 $_size__tile_overlayer_lowered;
	s5 =	simm.s32 $_tile_overlayer_lowered  }
0x9b: {  	s6 =	simm.s32 $0x1BFF;
	s21 =	sshll.u32 s5, $0x1;
	s3 =	sadd.s32 s20, s19  }
0x9c: {  	s22 =	simm.s32 $0x0;
	s4 =	sshll.u32 s4, $0x1;
	s5 =	sadd.s32 s21, s3  }
0x9d: {  	[timem:s22], [sflag:s6] =	dma.local [hbm:s5], s4  }
0x9e: {  	_ =	swait.ge [sflag:s6], s4  }
0x9f: {  	s4 =	ssub.s32 $0x0, s4;
	[sflag:s6] =	ssyncset.done $0x0  }
0xa0: {  	[sflag:s6] =	ssyncadd.s32 s4;
	_ =	sdelay $0x1  }
0xa1: {  	s23 =	simm.s32 $0x1B8B  }
0xa2: {  	_ =	swait.ge [sflag:s23], $0x1  }
0xa3: {  	[sflag:s23] =	ssyncset.done $0x0  }
0xa4: {  	[sflag:s23] =	ssyncadd.s32 $0xFFFFFFFF  }
0xa5: {  	s4 =	sld [smem:$0x0]  }
0xa6: {  	s5 =	sand.u32 $0xFFFFFFFE, s1  }
0xa7: {  	p0 =	sne.s32 s1, s5  }
0xa8: {  	s5 =	sshll.u32 @p0 s5, $0xE  }
0xa9: {  	s5 =	sadd.s32 @p0 $0x11B8D, s5;
	s6 =	sshll.u32 @p0 s4, $0x11  }
0xaa: {  	s5 =	sor.u32 @p0 s6, s5  }
0xab: {  	[sflag:s5] =	ssyncadd.remote.s32 @p0 $0x1;
	_ =	sdelay $0x1  }
0xac: {  	s5 =	simm.s32 @p0 $0x1B8D  }
0xad: {  	_ =	swait.eq @p0 [sflag:s5], $0x1  }
0xae: {  	[sflag:s5] =	ssyncadd.s32 @p0 $0xFFFFFFFF  }
0xaf: {  	s6 =	sshll.u32 @!p0 s1, $0xE  }
0xb0: {  	s6 =	sor.u32 @!p0 $0x4000, s6;
	s5 =	simm.s32 @!p0 $0x1B8D  }
0xb1: {  	s4 =	sshll.u32 @!p0 s4, $0x11;
	s6 =	sadd.s32 @!p0 $0x11B8D, s6;
	_ =	swait.eq @!p0 [sflag:s5], $0x1  }
0xb2: {  	s4 =	sor.u32 @!p0 s4, s6;
	[sflag:s5] =	ssyncadd.s32 @!p0 $0xFFFFFFFF  }
0xb3: {  	s25 =	simm.s32 $0x1B8E;
	s24 =	sld [smem:$0x3FFE];
	[sflag:s4] =	ssyncadd.remote.s32 @!p0 $0x1  }
0xb4: {  	s26 =	simm.s32 $execute0_lowered;
	[smem:$0x3FD2] =	sst s25  }
0xb5: {  	s5 =	sshll.u32 s26, $0x1;
	_ =	strace $0x8000004C;
	[dreg:$0x1] =	wrdreg $0xFFFFFFFF  }
0xb6: {  	s28 =	simm.s32 $_size_execute0_lowered;
	s3 =	sadd.s32 s3, s5;
	[dreg:$0x0] =	wrdreg $0x0  }
0xb7: {  	s5 =	sshll.u32 s28, $0x1;
	[dreg:$0x2] =	wrdreg s3  }
0xb8: {  	[dreg:$0x3] =	wrdreg s5  }
0xb9: {  	[dreg:$0x4] =	wrdreg $0xC0  }
0xba: {  	_ =	task [dreg:s22], $0x5FFFF  }
0xbb: {  	[dreg:$0x1] =	wrdreg $0xFFFFFFFF  }
0xbc: {  	[dreg:$0x0] =	wrdreg $0x60  }
0xbd: {  	[dreg:$0x2] =	wrdreg s24  }
0xbe: {  	[dreg:$0x3] =	wrdreg $0xB  }
0xbf: {  	_ =	task.clear_ibuf [dreg:s22], $0x4FFFF;
	_ =	strace $0x9000004C  }
0xc0: {  	s29 =	simm.s32 $0xB;
	_ =	strace $0x8000004E  }
0xc1: {  	_ =	swait.ge [sflag:s29], $0x1  }
0xc2: {  	[sflag:s29] =	ssyncadd.s32 $0xFFFFFFFF  }
0xc3: {  	_ =	strace $0x9000004E  }
0xc4: {  	_ =	sfence  }
0xc5: {  	s30 =	sld [smem:$0x0];
	_ =	sdelay $0x2  }
0xc6: {  	s31 =	sshll.u32 s1, $0xD;
	s1 =	sshrl.u32 s1, $0x2  }
0xc7: {  	s4 =	sand.u32 $0x4000, s31;
	s1 =	sadd.s32 s1, s30  }
0xc8: {  	s0 =	sor.u32 s4, s0;
	s1 =	sshll.u32 s1, $0x11  }
0xc9: {  	s0 =	sor.u32 s1, s0  }
0xca: {  	s0 =	sadd.s32 $0x8F2B, s0  }
0xcb: {  	[sflag:s0] =	ssyncadd.remote.s32 $0x1  }
0xcc: {  	_ =	sfence.sel $0xFFFF  }
0xcd: {  	[dreg:$0x0] =	wrdreg $0xFFFFFFFF;
	(pc) =	sbr.abs _section_cstart, $3  }
0xce: {  	[dreg:$0x1] =	wrdreg $0xFFFFFFFF  }
0xcf: {  	_ =	task.clear_ibuf [dreg:s22], $0x2FFFF;
	_ =	strace $0x9FFFFFFF  }
0xd0: {  	(tm) =	ssettm $0x7FFFFFFF  }
0xd1: {  	_ =	shalt  }
tec
execute0_lowered:
.L_overlay_start_1:
0x0: {  	(tag) =	ssettag $0x1  }
0x1: {  	s1 =	srdreg.scid;
	s0 =	stileid.u32  }
0x2: {  	s1 =	sand.u32 $0x1, s1;
	s2 =	sshll.u32 s0, $0x1  }
0x3: {  	s3 =	sor.u32 s1, s2  }
0x4: {  	s4 =	rddreg [dreg:$0x0];
	s5 =	sshll.u32 s3, $0x7  }
0x5: {  	s2 =	simm.s32 $0x0;
	s3 =	sshll.u32 s3, $0xE;
	s5 =	sadd.s32 s5, s4  }
0x6: {  	[smem:$0x7FF] =	sst s2;
	s31 =	sadd.s32 s3, s4;
	s5 =	sadd.s32 $0x114C00, s5  }
0x7: {  	_ =	strace $0x8000004D;
	s3 =	sadd.s32 $0x11DC00, s31;
	[dreg:$0x2] =	wrdreg s5  }
0x8: {  	[dreg:$0x3] =	wrdreg s3  }
0x9: {  	s3 =	simm.s32 $0x9;
	s5 =	rddreg [dreg:$0x2]  }
0xa: {  	[tilespmem:s2], [sflag:$0x9] =	stream.linear.gather [hbm4b:s5+s2], $0x400, $0x38;
	[tilespmem:$0x10400] =	vst v63  }
0xb: {  	_ =	swait.ge [sflag:s3], $0x400  }
0xc: {  	s6 =	simm.s32 $0x400;
	[sflag:s3] =	ssyncset.done $0x0  }
0xd: {  	s4 =	sadd.s32 $0x115C00, s4;
	s5 =	simm.s32 $0x80;
	[sflag:s3] =	ssyncadd.s32 $0xFFFFFC00  }
0xe: {  	[tilespmem:s6], [sflag:$0x1] =	stream.indirect.gather [hbm4b:s4+s5], $0x80, s2, s5, $0xb8;
	[tilespmem:$0x10400] =	vst v63  }
0xf: {  	s7 =	simm.s32 $0x4400;
	s8 =	simm.s32 $0x1  }
0x10: {  	[tilespmem:s7], [sflag:$0x2] =	stream.indirect.gather [hbm4b:s4+s5], $0x80, s5, s5, $0xb8;
	[tilespmem:$0x10400] =	vst v63  }
0x11: {  	_ =	swait.ge [sflag:s8], $0x4000  }
0x12: {  	[sflag:s8] =	ssyncset.done $0x0  }
0x13: {  	s9 =	rddreg [dreg:$0x3];
	[sflag:s8] =	ssyncadd.s32 $0xFFFFC000  }
0x14: {  	[hbm4b:s9+s2] =	stream.linear.scatter [tilespmem:s6], [sflag:$0x5], $0x4000, $0x38;
	[tilespmem:$0x10400] =	vst v63  }
0x15: {  	s10 =	simm.s32 $0x8400;
	s11 =	simm.s32 $0x2;
	s9 =	simm.s32 $0x100  }
0x16: {  	[tilespmem:s10], [sflag:$0x3] =	stream.indirect.gather [hbm4b:s4+s5], $0x80, s9, s5, $0xb8;
	[tilespmem:$0x10400] =	vst v63  }
0x17: {  	_ =	swait.ge [sflag:s11], $0x4000  }
0x18: {  	[sflag:s11] =	ssyncset.done $0x0  }
0x19: {  	s12 =	sadd.s32 $0x11E400, s31;
	[sflag:s11] =	ssyncadd.s32 $0xFFFFC000  }
0x1a: {  	[hbm4b:s12+s2] =	stream.linear.scatter [tilespmem:s7], [sflag:$0x6], $0x4000, $0x38;
	[tilespmem:$0x10400] =	vst v63  }
0x1b: {  	s13 =	simm.s32 $0x180;
	s14 =	simm.s32 $0xC400;
	s15 =	simm.s32 $0x3  }
0x1c: {  	[tilespmem:s14], [sflag:$0x4] =	stream.indirect.gather [hbm4b:s4+s5], $0x80, s13, s5, $0xb8;
	[tilespmem:$0x10400] =	vst v63  }
0x1d: {  	_ =	swait.ge [sflag:s15], $0x4000  }
0x1e: {  	[sflag:s15] =	ssyncset.done $0x0  }
0x1f: {  	s17 =	simm.s32 $0x5;
	s16 =	sadd.s32 $0x11EC00, s31;
	[sflag:s15] =	ssyncadd.s32 $0xFFFFC000  }
0x20: {  	[hbm4b:s16+s2] =	stream.linear.scatter [tilespmem:s10], [sflag:$0x7], $0x4000, $0x38;
	[tilespmem:$0x10400] =	vst v63  }
0x21: {  	_ =	swait.ge [sflag:s17], $0x4000  }
0x22: {  	[sflag:s17] =	ssyncset.done $0x0  }
0x23: {  	s18 =	simm.s32 $0x200;
	s19 =	simm.s32 $0x4;
	[sflag:s17] =	ssyncadd.s32 $0xFFFFC000  }
0x24: {  	[tilespmem:s6], [sflag:$0x1] =	stream.indirect.gather [hbm4b:s4+s5], $0x80, s18, s5, $0xb8;
	[tilespmem:$0x10400] =	vst v63  }
0x25: {  	_ =	swait.ge [sflag:s19], $0x4000  }
0x26: {  	[sflag:s19] =	ssyncset.done $0x0  }
0x27: {  	s21 =	simm.s32 $0x6;
	s20 =	sadd.s32 $0x11F400, s31;
	[sflag:s19] =	ssyncadd.s32 $0xFFFFC000  }
0x28: {  	[hbm4b:s20+s2] =	stream.linear.scatter [tilespmem:s14], [sflag:$0x8], $0x4000, $0x38;
	[tilespmem:$0x10400] =	vst v63  }
0x29: {  	_ =	swait.ge [sflag:s21], $0x4000  }
0x2a: {  	[sflag:s21] =	ssyncset.done $0x0  }
0x2b: {  	s22 =	simm.s32 $0x280;
	[sflag:s21] =	ssyncadd.s32 $0xFFFFC000  }
0x2c: {  	[tilespmem:s7], [sflag:$0x2] =	stream.indirect.gather [hbm4b:s4+s5], $0x80, s22, s5, $0xb8;
	[tilespmem:$0x10400] =	vst v63  }
0x2d: {  	_ =	swait.ge [sflag:s8], $0x4000  }
0x2e: {  	[sflag:s8] =	ssyncset.done $0x0  }
0x2f: {  	s24 =	simm.s32 $0x7;
	s23 =	sadd.s32 $0x11FC00, s31;
	[sflag:s8] =	ssyncadd.s32 $0xFFFFC000  }
0x30: {  	[hbm4b:s23+s2] =	stream.linear.scatter [tilespmem:s6], [sflag:$0x5], $0x4000, $0x38;
	[tilespmem:$0x10400] =	vst v63  }
0x31: {  	_ =	swait.ge [sflag:s24], $0x4000  }
0x32: {  	[sflag:s24] =	ssyncset.done $0x0  }
0x33: {  	s25 =	simm.s32 $0x300;
	[sflag:s24] =	ssyncadd.s32 $0xFFFFC000  }
0x34: {  	[tilespmem:s10], [sflag:$0x3] =	stream.indirect.gather [hbm4b:s4+s5], $0x80, s25, s5, $0xb8;
	[tilespmem:$0x10400] =	vst v63  }
0x35: {  	_ =	swait.ge [sflag:s11], $0x4000  }
0x36: {  	[sflag:s11] =	ssyncset.done $0x0  }
0x37: {  	s26 =	simm.s32 $0x8;
	s28 =	sadd.s32 $0x120400, s31;
	[sflag:s11] =	ssyncadd.s32 $0xFFFFC000  }
0x38: {  	[hbm4b:s28+s2] =	stream.linear.scatter [tilespmem:s7], [sflag:$0x6], $0x4000, $0x38;
	[tilespmem:$0x10400] =	vst v63  }
0x39: {  	_ =	swait.ge [sflag:s26], $0x4000  }
0x3a: {  	[sflag:s26] =	ssyncset.done $0x0  }
0x3b: {  	s29 =	simm.s32 $0x380;
	[sflag:s26] =	ssyncadd.s32 $0xFFFFC000  }
0x3c: {  	[tilespmem:s14], [sflag:$0x4] =	stream.indirect.gather [hbm4b:s4+s5], $0x80, s29, s5, $0xb8;
	[tilespmem:$0x10400] =	vst v63  }
0x3d: {  	_ =	swait.ge [sflag:s15], $0x4000  }
0x3e: {  	[sflag:s15] =	ssyncset.done $0x0  }
0x3f: {  	s30 =	sadd.s32 $0x120C00, s31;
	[sflag:s15] =	ssyncadd.s32 $0xFFFFC000  }
0x40: {  	[hbm4b:s30+s2] =	stream.linear.scatter [tilespmem:s10], [sflag:$0x7], $0x4000, $0x38;
	[tilespmem:$0x10400] =	vst v63  }
0x41: {  	_ =	swait.ge [sflag:s19], $0x4000  }
0x42: {  	[sflag:s19] =	ssyncset.done $0x0  }
0x43: {  	s31 =	sadd.s32 $0x121400, s31;
	[sflag:s19] =	ssyncadd.s32 $0xFFFFC000  }
0x44: {  	[hbm4b:s31+s2] =	stream.linear.scatter [tilespmem:s14], [sflag:$0x8], $0x4000, $0x38;
	[tilespmem:$0x10400] =	vst v63  }
0x45: {  	s1 =	ssub.s32 $0x2, s1;
	_ =	swait.ge [sflag:s17], $0x4000  }
0x46: {  	s0 =	sshrl.u32 s1, $0x1;
	[sflag:s17] =	ssyncset.done $0x0  }
0x47: {  	s0 =	ssub.s32 s1, s0;
	[sflag:s17] =	ssyncadd.s32 $0xFFFFC000  }
0x48: {  	s0 =	smax.u32 s0, $0x1;
	_ =	swait.ge [sflag:s21], $0x4000  }
0x49: {  	p0 =	sne.s32 s0, $0x1;
	[sflag:s21] =	ssyncset.done $0x0  }
.Ltmp0:
0x4a: {  	[sflag:s21] =	ssyncadd.s32 $0xFFFFC000;
	(pc) =	sbr.rel @!p0 .LBB2_2-.Ltmp0, $4  }
0x4b: {  	_ =	swait.ge [sflag:s24], $0x4000  }
0x4c: {  	[sflag:s24] =	ssyncset.done $0x0  }
0x4d: {  	[sflag:s24] =	ssyncadd.s32 $0xFFFFC000  }
0x4e: {  	s1 =	sadd.s32 $0xFFFFFFFF, s0;
	_ =	swait.ge [sflag:s26], $0x4000  }
.LBB2_1:
0x4f: {  	[sflag:s26] =	ssyncset.done $0x0  }
0x50: {  	s0 =	rddreg [dreg:$0x2];
	[sflag:s26] =	ssyncadd.s32 $0xFFFFC000  }
0x51: {  	[tilespmem:s2], [sflag:$0x9] =	stream.linear.gather [hbm4b:s0+s2], $0x400, $0x38;
	[tilespmem:$0x10400] =	vst v63  }
0x52: {  	_ =	swait.ge [sflag:s3], $0x400  }
0x53: {  	[sflag:s3] =	ssyncset.done $0x0  }
0x54: {  	[sflag:s3] =	ssyncadd.s32 $0xFFFFFC00  }
0x55: {  	[tilespmem:s6], [sflag:$0x1] =	stream.indirect.gather [hbm4b:s4+s5], $0x80, s2, s5, $0xb8;
	[tilespmem:$0x10400] =	vst v63  }
0x56: {  	_ = 	snop  }
0x57: {  	[tilespmem:s7], [sflag:$0x2] =	stream.indirect.gather [hbm4b:s4+s5], $0x80, s5, s5, $0xb8;
	[tilespmem:$0x10400] =	vst v63  }
0x58: {  	_ =	swait.ge [sflag:s8], $0x4000  }
0x59: {  	[sflag:s8] =	ssyncset.done $0x0  }
0x5a: {  	s0 =	rddreg [dreg:$0x3];
	[sflag:s8] =	ssyncadd.s32 $0xFFFFC000  }
0x5b: {  	[hbm4b:s0+s2] =	stream.linear.scatter [tilespmem:s6], [sflag:$0x5], $0x4000, $0x38;
	[tilespmem:$0x10400] =	vst v63  }
0x5c: {  	_ = 	snop  }
0x5d: {  	[tilespmem:s10], [sflag:$0x3] =	stream.indirect.gather [hbm4b:s4+s5], $0x80, s9, s5, $0xb8;
	[tilespmem:$0x10400] =	vst v63  }
0x5e: {  	_ =	swait.ge [sflag:s11], $0x4000  }
0x5f: {  	[sflag:s11] =	ssyncset.done $0x0  }
0x60: {  	[sflag:s11] =	ssyncadd.s32 $0xFFFFC000  }
0x61: {  	[hbm4b:s12+s2] =	stream.linear.scatter [tilespmem:s7], [sflag:$0x6], $0x4000, $0x38;
	[tilespmem:$0x10400] =	vst v63  }
0x62: {  	_ = 	snop  }
0x63: {  	[tilespmem:s14], [sflag:$0x4] =	stream.indirect.gather [hbm4b:s4+s5], $0x80, s13, s5, $0xb8;
	[tilespmem:$0x10400] =	vst v63  }
0x64: {  	_ =	swait.ge [sflag:s15], $0x4000  }
0x65: {  	[sflag:s15] =	ssyncset.done $0x0  }
0x66: {  	[sflag:s15] =	ssyncadd.s32 $0xFFFFC000  }
0x67: {  	[hbm4b:s16+s2] =	stream.linear.scatter [tilespmem:s10], [sflag:$0x7], $0x4000, $0x38;
	[tilespmem:$0x10400] =	vst v63  }
0x68: {  	_ =	swait.ge [sflag:s17], $0x4000  }
0x69: {  	[sflag:s17] =	ssyncset.done $0x0  }
0x6a: {  	[sflag:s17] =	ssyncadd.s32 $0xFFFFC000  }
0x6b: {  	[tilespmem:s6], [sflag:$0x1] =	stream.indirect.gather [hbm4b:s4+s5], $0x80, s18, s5, $0xb8;
	[tilespmem:$0x10400] =	vst v63  }
0x6c: {  	_ =	swait.ge [sflag:s19], $0x4000  }
0x6d: {  	[sflag:s19] =	ssyncset.done $0x0  }
0x6e: {  	[sflag:s19] =	ssyncadd.s32 $0xFFFFC000  }
0x6f: {  	[hbm4b:s20+s2] =	stream.linear.scatter [tilespmem:s14], [sflag:$0x8], $0x4000, $0x38;
	[tilespmem:$0x10400] =	vst v63  }
0x70: {  	_ =	swait.ge [sflag:s21], $0x4000  }
0x71: {  	[sflag:s21] =	ssyncset.done $0x0  }
0x72: {  	[sflag:s21] =	ssyncadd.s32 $0xFFFFC000  }
0x73: {  	[tilespmem:s7], [sflag:$0x2] =	stream.indirect.gather [hbm4b:s4+s5], $0x80, s22, s5, $0xb8;
	[tilespmem:$0x10400] =	vst v63  }
0x74: {  	_ =	swait.ge [sflag:s8], $0x4000  }
0x75: {  	[sflag:s8] =	ssyncset.done $0x0  }
0x76: {  	[sflag:s8] =	ssyncadd.s32 $0xFFFFC000  }
0x77: {  	[hbm4b:s23+s2] =	stream.linear.scatter [tilespmem:s6], [sflag:$0x5], $0x4000, $0x38;
	[tilespmem:$0x10400] =	vst v63  }
0x78: {  	_ =	swait.ge [sflag:s24], $0x4000  }
0x79: {  	[sflag:s24] =	ssyncset.done $0x0  }
0x7a: {  	[sflag:s24] =	ssyncadd.s32 $0xFFFFC000  }
0x7b: {  	[tilespmem:s10], [sflag:$0x3] =	stream.indirect.gather [hbm4b:s4+s5], $0x80, s25, s5, $0xb8;
	[tilespmem:$0x10400] =	vst v63  }
0x7c: {  	_ =	swait.ge [sflag:s11], $0x4000  }
0x7d: {  	[sflag:s11] =	ssyncset.done $0x0  }
0x7e: {  	[sflag:s11] =	ssyncadd.s32 $0xFFFFC000  }
0x7f: {  	[hbm4b:s28+s2] =	stream.linear.scatter [tilespmem:s7], [sflag:$0x6], $0x4000, $0x38;
	[tilespmem:$0x10400] =	vst v63  }
0x80: {  	_ =	swait.ge [sflag:s26], $0x4000  }
0x81: {  	[sflag:s26] =	ssyncset.done $0x0  }
0x82: {  	[sflag:s26] =	ssyncadd.s32 $0xFFFFC000  }
0x83: {  	[tilespmem:s14], [sflag:$0x4] =	stream.indirect.gather [hbm4b:s4+s5], $0x80, s29, s5, $0xb8;
	[tilespmem:$0x10400] =	vst v63  }
0x84: {  	_ =	swait.ge [sflag:s15], $0x4000  }
0x85: {  	[sflag:s15] =	ssyncset.done $0x0  }
0x86: {  	[sflag:s15] =	ssyncadd.s32 $0xFFFFC000  }
0x87: {  	[hbm4b:s30+s2] =	stream.linear.scatter [tilespmem:s10], [sflag:$0x7], $0x4000, $0x38;
	[tilespmem:$0x10400] =	vst v63  }
0x88: {  	_ =	swait.ge [sflag:s19], $0x4000  }
0x89: {  	[sflag:s19] =	ssyncset.done $0x0  }
0x8a: {  	[sflag:s19] =	ssyncadd.s32 $0xFFFFC000  }
0x8b: {  	[hbm4b:s31+s2] =	stream.linear.scatter [tilespmem:s14], [sflag:$0x8], $0x4000, $0x38;
	[tilespmem:$0x10400] =	vst v63  }
0x8c: {  	_ =	swait.ge [sflag:s17], $0x4000  }
0x8d: {  	[sflag:s17] =	ssyncset.done $0x0  }
0x8e: {  	[sflag:s17] =	ssyncadd.s32 $0xFFFFC000  }
0x8f: {  	_ =	swait.ge [sflag:s21], $0x4000  }
0x90: {  	p0 =	sne.s32 s1, $0x1;
	[sflag:s21] =	ssyncset.done $0x0  }
.Ltmp1:
0x91: {  	[sflag:s21] =	ssyncadd.s32 $0xFFFFC000;
	(pc) =	sbr.rel @p0 .LBB2_1-.Ltmp1, $4  }
0x92: {  	_ =	swait.ge [sflag:s24], $0x4000  }
0x93: {  	[sflag:s24] =	ssyncset.done $0x0  }
0x94: {  	[sflag:s24] =	ssyncadd.s32 $0xFFFFC000  }
0x95: {  	s1 =	sadd.s32 $0xFFFFFFFF, s1;
	_ =	swait.ge [sflag:s26], $0x4000  }
.LBB2_2:
0x96: {  	[sflag:s26] =	ssyncset.done $0x0  }
0x97: {  	[sflag:s26] =	ssyncadd.s32 $0xFFFFC000  }
0x98: {  	_ =	sfence.sel $0x180000  }
0x99: {  	[bflag:$0x0] =	sbarrier.arrive $0xFFFF  }
0x9a: {  	_ =	strace $0x9000004D  }
0x9b: {  	s0 =	stileid.u32;
	[bflag:$0x2] =	sbarrier.arrive $0xFFFF  }
0x9c: {  	p0 =	sne.s32 s0, $0x0;
	s0 =	rddreg [dreg:$0x1]  }
0x9d: {  	s0 =	sadd.s32 @!p0 $0x100000, s0  }
0x9e: {  	[sflag:s0] =	ssyncadd.tile.s32 @!p0 $0x1;
	_ =	shalt  }
.Lfunc_end2:
_tile_overlayer_lowered:
.L_overlay_start_2:
0x9f: {  	(tag) =	ssettag $0x2  }
0xa0: {  	s0 =	rddreg [dreg:$0x0];
	s2 =	stileid.u32  }
0xa1: {  	s1 =	rddreg [dreg:$0x1];
	p0 =	sne.s32 s2, $0x0  }
0xa2: {  	s3 =	rddreg [dreg:$0x2];
	[bflag:$0x3] =	sbarrier.arrive $0xFFFF;
	s2 =	simm.s32 @!p0 $0x1C09  }
0xa3: {  	[timem:s3], [sflag:s2] =	dma.local @!p0 [hbm:s0], s1  }
0xa4: {  	s0 =	simm.s32 @!p0 $0x9  }
0xa5: {  	_ =	swait.ge @!p0 [sflag:s0], s1  }
0xa6: {  	s1 =	ssub.s32 @!p0 $0x0, s1;
	[sflag:s0] =	ssyncset.done @!p0 $0x0  }
0xa7: {  	[sflag:s0] =	ssyncadd.s32 @!p0 s1  }
0xa8: {  	[bflag:$0x3] =	sbarrier.arrive $0xFFFF  }
0xa9: {  	_ =	shalt  }

// kernel: kernel.23.cloned.1.call-start
scs
__scs_entry_jumppad:
0x0: {  	(pc) =	sbr.rel $0x88, $3  }
0x1: {  	(tag) =	ssettag $0x0;
	lr =	simm.s32 $0x1  }
0x2: {  	[smem:$0x3F97] =	sst lr;
	_ =	strace $0xD0000000  }
0x3: {  	_ = 	snop  }
0x4: {  	_ = 	snop  }
0x5: {  	_ = 	snop  }
0x6: {  	_ = 	snop  }
0x7: {  	_ = 	snop  }
__scs_overlays_trampoline_lowered:
0x8: {  	[smem:$0x3FA6] =	sst s0  }
0x9: {  	[smem:$0x3FA7] =	sst s1  }
0xa: {  	[smem:$0x3FA8] =	sst s2  }
0xb: {  	[smem:$0x3FA9] =	sst s3  }
0xc: {  	[smem:$0x3FAA] =	sst s4  }
0xd: {  	[smem:$0x3FAB] =	sst s5  }
0xe: {  	[smem:$0x3FAC] =	sst s6  }
0xf: {  	[smem:$0x3FAD] =	sst s7  }
0x10: {  	[smem:$0x3FAE] =	sst s8  }
0x11: {  	[smem:$0x3FAF] =	sst s9;
	s0 =	simm.s32 @!p0 $0x0  }
0x12: {  	s1 =	sld [smem:$0x3F95];
	s0 =	simm.s32 @p0 $0x1  }
0x13: {  	[smem:$0x3FB0] =	sst s0;
	s0 =	simm.s32 @!p1 $0x0  }
0x14: {  	s2 =	sld [smem:$0x3F94];
	s0 =	simm.s32 @p1 $0x1  }
0x15: {  	[smem:$0x3FB1] =	sst s0;
	s0 =	simm.s32 @!p2 $0x0  }
0x16: {  	s3 =	sld [smem:$0x3FDB];
	s0 =	simm.s32 @p2 $0x1  }
0x17: {  	s4 =	simm.s32 $0x1BF5;
	[smem:$0x3FB3] =	sst s0  }
0x18: {  	s0 =	sld [smem:$0x3F96];
	_ =	swait.ge [sflag:s4], $0x0  }
0x19: {  	s7 =	sld [smem:$0x3F97]  }
0x1a: {  	s8 =	sadd.s32 $0xFFFFE003, lr  }
0x1b: {  	s9 =	sadd.s32 $0xFFFFFEF7, lr;
	s5 =	simm.s32 $0xFFFFFFFF;
	p2 =	slt.u32 s8, $0xFFFFF086  }
0x1c: {  	p1 =	slt.u32 s9, $0xF7A;
	s5 =	simm.s32 @!p2 $0x0  }
0x1d: {  	s5 =	simm.s32 @p1 $0x1;
	p0 =	seq.s32 s7, s2  }
0x1e: {  	s7 =	smul.u32 @!p0 $0xF7A, s2;
	p2 =	seq.s32 @!p0 s5, $0x0  }
0x1f: {  	s9 =	smul.u32 $0xF7A, s1;
	s8 =	simm.s32 @!p0 $0x1BF5;
	p2 =	por !p2, p0  }
0x20: {  	[sflag:s8] =	ssyncset.s32 @!p0 $0xFFFFF086;
	s6 =	sadd.s32 @!p0 s3, s7;
	s7 =	simm.s32 @!p0 $0x108  }
0x21: {  	s3 =	sadd.s32 s3, s9;
	s6 =	sadd.s32 @!p0 $0x88, s6;
	s7 =	simm.s32 @p2 $0x1082  }
0x22: {  	[simem:s7], [sflag:s8] =	dma.local @!p0 [hbm:s6], $0xF7A  }
0x23: {  	s9 =	sor.u32 $0xD0000000, s2;
	s6 =	simm.s32 $0x108;
	_ =	swait.ge @!p0 [sflag:s8], $0x0  }
0x24: {  	s3 =	sadd.s32 $0x88, s3;
	s6 =	simm.s32 @!p1 $0x1082;
	[sflag:s4] =	ssyncset.s32 $0xFFFFF086  }
0x25: {  	[simem:s6], [sflag:s4] =	dma.local [hbm:s3], $0xF7A  }
0x26: {  	[smem:$0x3F97] =	sst s1;
	(tag) =	ssettag s2;
	_ =	strace s9  }
0x27: {  	s1 =	sld [smem:$0x3FA7]  }
0x28: {  	s2 =	sld [smem:$0x3FA8]  }
0x29: {  	s4 =	sld [smem:$0x3FAA]  }
0x2a: {  	p0 =	seq.s32 s5, $0x0;
	s5 =	sld [smem:$0x3FAB]  }
0x2b: {  	s6 =	sld [smem:$0x3FAC]  }
0x2c: {  	s7 =	sld [smem:$0x3FAD]  }
0x2d: {  	s3 =	simm.s32 $0x108;
	s8 =	sld [smem:$0x3FAE]  }
0x2e: {  	s3 =	simm.s32 @!p0 $0x1082;
	s9 =	sld [smem:$0x3FAF]  }
0x2f: {  	lr =	sadd.s32 s0, s3;
	s0 =	sld [smem:$0x3FA6]  }
0x30: {  	s3 =	sld [smem:$0x3FA9]  }
0x31: {  	[smem:$0x3FB2] =	sst s10  }
0x32: {  	s10 =	sld [smem:$0x3FB0];
	_ =	sdelay $0x3  }
0x33: {  	p0 =	seq.s32 s10, $0x1;
	s10 =	sld [smem:$0x3FB2];
	_ =	sdelay $0x3  }
0x34: {  	[smem:$0x3FB2] =	sst s10  }
0x35: {  	s10 =	sld [smem:$0x3FB1];
	_ =	sdelay $0x3  }
0x36: {  	p1 =	seq.s32 s10, $0x1;
	s10 =	sld [smem:$0x3FB2];
	_ =	sdelay $0x3  }
0x37: {  	[smem:$0x3FB2] =	sst s10  }
0x38: {  	s10 =	sld [smem:$0x3FB3]  }
0x39: {  	_ = 	snop;
	(pc) =	sbr.ind lr, $3  }
0x3a: {  	_ = 	snop  }
0x3b: {  	_ = 	snop  }
0x3c: {  	p2 =	seq.s32 s10, $0x1;
	s10 =	sld [smem:$0x3FB2]  }
0x3d: {  	_ =	shalt  }
0x3e: {  	_ =	shalt  }
0x3f: {  	_ =	shalt  }
0x40: {  	_ =	shalt  }
0x41: {  	_ =	shalt  }
0x42: {  	_ =	shalt  }
0x43: {  	_ =	shalt  }
0x44: {  	_ =	shalt  }
0x45: {  	_ =	shalt  }
0x46: {  	_ =	shalt  }
0x47: {  	_ =	shalt  }
0x48: {  	_ =	shalt  }
0x49: {  	_ =	shalt  }
0x4a: {  	_ =	shalt  }
0x4b: {  	_ =	shalt  }
0x4c: {  	_ =	shalt  }
0x4d: {  	_ =	shalt  }
0x4e: {  	_ =	shalt  }
0x4f: {  	_ =	shalt  }
0x50: {  	_ =	shalt  }
0x51: {  	_ =	shalt  }
0x52: {  	_ =	shalt  }
0x53: {  	_ =	shalt  }
0x54: {  	_ =	shalt  }
0x55: {  	_ =	shalt  }
0x56: {  	_ =	shalt  }
0x57: {  	_ =	shalt  }
0x58: {  	_ =	shalt  }
0x59: {  	_ =	shalt  }
0x5a: {  	_ =	shalt  }
0x5b: {  	_ =	shalt  }
0x5c: {  	_ =	shalt  }
0x5d: {  	_ =	shalt  }
0x5e: {  	_ =	shalt  }
0x5f: {  	_ =	shalt  }
0x60: {  	_ =	shalt  }
0x61: {  	_ =	shalt  }
0x62: {  	_ =	shalt  }
0x63: {  	_ =	shalt  }
0x64: {  	_ =	shalt  }
0x65: {  	_ =	shalt  }
0x66: {  	_ =	shalt  }
0x67: {  	_ =	shalt  }
0x68: {  	_ =	shalt  }
0x69: {  	_ =	shalt  }
0x6a: {  	_ =	shalt  }
0x6b: {  	_ =	shalt  }
0x6c: {  	_ =	shalt  }
0x6d: {  	_ =	shalt  }
0x6e: {  	_ =	shalt  }
0x6f: {  	_ =	shalt  }
0x70: {  	_ =	shalt  }
0x71: {  	_ =	shalt  }
0x72: {  	_ =	shalt  }
0x73: {  	_ =	shalt  }
0x74: {  	_ =	shalt  }
0x75: {  	_ =	shalt  }
0x76: {  	_ =	shalt  }
0x77: {  	_ =	shalt  }
0x78: {  	_ =	shalt  }
0x79: {  	_ =	shalt  }
0x7a: {  	_ =	shalt  }
0x7b: {  	_ =	shalt  }
0x7c: {  	_ =	shalt  }
0x7d: {  	_ =	shalt  }
0x7e: {  	_ =	shalt  }
0x7f: {  	_ =	shalt  }
0x80: {  	_ =	shalt  }
0x81: {  	_ =	shalt  }
0x82: {  	_ =	shalt  }
0x83: {  	_ =	shalt  }
0x84: {  	_ =	shalt  }
0x85: {  	_ =	shalt  }
0x86: {  	_ =	shalt  }
0x87: {  	_ =	shalt  }
.Lfunc_end0:
.L_simem_size_0:
called_computation.3_lowered:
.L_overlay_start_0:
0x88: {  	s2 =	sld [smem:$0x3FD9]  }
0x89: {  	s3 =	sld [smem:$0x3FFE];
	_ =	sdelay $0x1  }
0x8a: {  	s1 =	srdreg.scid  }
0x8b: {  	s0 =	sand.u32 $0x1, s1  }
0x8c: {  	s17 =	sshll.u32 s0, $0xA;
	s2 =	sadd.s32 s3, s2  }
0x8d: {  	s2 =	sadd.s32 s2, s17  }
0x8e: {  	[smem:$0x3FBE] =	sst s2  }
0x8f: {  	_ = 	snop  }
0x90: {  	s18 =	sld [smem:$0x3FD0];
	(tm) =	ssettm $0x1  }
0x91: {  	s19 =	sld [smem:$0x3FFB];
	_ =	sdelay $0x3  }
0x92: {  	_ =	strace s19  }
0x93: {  	s2 =	sld [smem:$0x3FFC];
	_ =	sdelay $0x3  }
0x94: {  	_ =	strace s2  }
0x95: {  	s2 =	sld [smem:$0x3FFD];
	_ =	sdelay $0x3  }
0x96: {  	_ =	strace s2  }
0x97: {  	_ =	strace $0x8FFFFFFF  }
0x98: {  	s20 =	sld [smem:$0x3FDB];
	_ =	sdelay $0x1  }
0x99: {  	s4 =	simm.s32 $_scs_section_size  }
0x9a: {  	s5 =	simm.s32 $_size__tile_overlayer_lowered;
	s6 =	simm.s32 $_tile_overlayer_lowered  }
0x9b: {  	s7 =	simm.s32 $0x1BFF;
	s21 =	sshll.u32 s6, $0x1;
	s4 =	sadd.s32 s4, s20  }
0x9c: {  	s22 =	simm.s32 $0x0;
	s5 =	sshll.u32 s5, $0x1;
	s6 =	sadd.s32 s21, s4  }
0x9d: {  	[timem:s22], [sflag:s7] =	dma.local [hbm:s6], s5  }
0x9e: {  	_ =	swait.ge [sflag:s7], s5  }
0x9f: {  	s5 =	ssub.s32 $0x0, s5;
	[sflag:s7] =	ssyncset.done $0x0  }
0xa0: {  	[sflag:s7] =	ssyncadd.s32 s5;
	_ =	sdelay $0x1  }
0xa1: {  	s23 =	simm.s32 $0x1B8B  }
0xa2: {  	_ =	swait.ge [sflag:s23], $0x1  }
0xa3: {  	[sflag:s23] =	ssyncset.done $0x0  }
0xa4: {  	[sflag:s23] =	ssyncadd.s32 $0xFFFFFFFF  }
0xa5: {  	s5 =	sld [smem:$0x0]  }
0xa6: {  	s6 =	sand.u32 $0xFFFFFFFE, s1  }
0xa7: {  	p0 =	sne.s32 s1, s6  }
0xa8: {  	s6 =	sshll.u32 @p0 s6, $0xE  }
0xa9: {  	s6 =	sadd.s32 @p0 $0x11B8D, s6;
	s7 =	sshll.u32 @p0 s5, $0x11  }
0xaa: {  	s6 =	sor.u32 @p0 s7, s6  }
0xab: {  	[sflag:s6] =	ssyncadd.remote.s32 @p0 $0x1;
	_ =	sdelay $0x1  }
0xac: {  	s6 =	simm.s32 @p0 $0x1B8D  }
0xad: {  	_ =	swait.eq @p0 [sflag:s6], $0x1  }
0xae: {  	[sflag:s6] =	ssyncadd.s32 @p0 $0xFFFFFFFF  }
0xaf: {  	s7 =	sshll.u32 @!p0 s1, $0xE  }
0xb0: {  	s7 =	sor.u32 @!p0 $0x4000, s7;
	s6 =	simm.s32 @!p0 $0x1B8D  }
0xb1: {  	s5 =	sshll.u32 @!p0 s5, $0x11;
	s7 =	sadd.s32 @!p0 $0x11B8D, s7;
	_ =	swait.eq @!p0 [sflag:s6], $0x1  }
0xb2: {  	s5 =	sor.u32 @!p0 s5, s7;
	[sflag:s6] =	ssyncadd.s32 @!p0 $0xFFFFFFFF  }
0xb3: {  	s25 =	simm.s32 $0x1B8E;
	s24 =	sld [smem:$0x3FFE];
	[sflag:s5] =	ssyncadd.remote.s32 @!p0 $0x1  }
0xb4: {  	s26 =	simm.s32 $execute0_lowered;
	[smem:$0x3FD2] =	sst s25  }
0xb5: {  	s6 =	sshll.u32 s26, $0x1;
	_ =	strace $0x8000004F;
	[dreg:$0x1] =	wrdreg $0xFFFFFFFF  }
0xb6: {  	s28 =	simm.s32 $_size_execute0_lowered;
	s4 =	sadd.s32 s4, s6;
	[dreg:$0x0] =	wrdreg $0x0  }
0xb7: {  	s6 =	sshll.u32 s28, $0x1;
	[dreg:$0x2] =	wrdreg s4  }
0xb8: {  	[dreg:$0x3] =	wrdreg s6  }
0xb9: {  	[dreg:$0x4] =	wrdreg $0xC0  }
0xba: {  	_ =	task [dreg:s22], $0x5FFFF  }
0xbb: {  	[dreg:$0x1] =	wrdreg $0xFFFFFFFF  }
0xbc: {  	[dreg:$0x0] =	wrdreg $0x60  }
0xbd: {  	[dreg:$0x2] =	wrdreg s18  }
0xbe: {  	[dreg:$0x3] =	wrdreg s24  }
0xbf: {  	[dreg:$0x4] =	wrdreg $0xC  }
0xc0: {  	_ =	task.clear_ibuf [dreg:s22], $0x5FFFF;
	_ =	strace $0x9000004F  }
0xc1: {  	s29 =	simm.s32 $0xC;
	_ =	strace $0x80000051  }
0xc2: {  	_ =	swait.ge [sflag:s29], $0x1  }
0xc3: {  	[sflag:s29] =	ssyncadd.s32 $0xFFFFFFFF  }
0xc4: {  	_ =	strace $0x90000051  }
0xc5: {  	_ =	sfence  }
0xc6: {  	s30 =	sld [smem:$0x0];
	_ =	sdelay $0x2  }
0xc7: {  	s31 =	sshll.u32 s1, $0xD;
	s1 =	sshrl.u32 s1, $0x2  }
0xc8: {  	s4 =	sand.u32 $0x4000, s31;
	s1 =	sadd.s32 s1, s30  }
0xc9: {  	s0 =	sor.u32 s4, s0;
	s1 =	sshll.u32 s1, $0x11  }
0xca: {  	s0 =	sor.u32 s1, s0  }
0xcb: {  	s0 =	sadd.s32 $0x8F2B, s0  }
0xcc: {  	[sflag:s0] =	ssyncadd.remote.s32 $0x1  }
0xcd: {  	_ =	sfence.sel $0xFFFF  }
0xce: {  	[dreg:$0x0] =	wrdreg $0xFFFFFFFF;
	(pc) =	sbr.abs _section_cstart, $3  }
0xcf: {  	[dreg:$0x1] =	wrdreg $0xFFFFFFFF  }
0xd0: {  	_ =	task.clear_ibuf [dreg:s22], $0x2FFFF;
	_ =	strace $0x9FFFFFFF  }
0xd1: {  	(tm) =	ssettm $0x7FFFFFFF  }
tec
execute0_lowered:
.L_overlay_start_1:
0x0: {  	(tag) =	ssettag $0x1  }
0x1: {  	s1 =	srdreg.scid;
	s0 =	stileid.u32  }
0x2: {  	s1 =	sand.u32 $0x1, s1;
	s3 =	sshll.u32 s0, $0x1  }
0x3: {  	s2 =	rddreg [dreg:$0x0];
	s5 =	sor.u32 s1, s3  }
0x4: {  	s4 =	rddreg [dreg:$0x1];
	s6 =	sshll.u32 s5, $0x7  }
0x5: {  	s3 =	simm.s32 $0x0;
	s5 =	sshll.u32 s5, $0xE;
	s6 =	sadd.s32 s6, s4  }
0x6: {  	[smem:$0x7FF] =	sst s3;
	s31 =	sadd.s32 s5, s4;
	s6 =	sadd.s32 $0x19DC00, s6  }
0x7: {  	_ =	strace $0x80000050;
	s4 =	sadd.s32 $0x19EC00, s31;
	[dreg:$0x3] =	wrdreg s6  }
0x8: {  	[dreg:$0x4] =	wrdreg s4  }
0x9: {  	s4 =	simm.s32 $0x9;
	s26 =	rddreg [dreg:$0x3]  }
0xa: {  	[tilespmem:s3], [sflag:$0x9] =	stream.linear.gather [hbm4b:s26+s3], $0x400, $0x38;
	[tilespmem:$0x10400] =	vst v63  }
0xb: {  	_ =	swait.ge [sflag:s4], $0x400  }
0xc: {  	[sflag:s4] =	ssyncset.done $0x0  }
0xd: {  	s5 =	simm.s32 $0x80;
	s6 =	simm.s32 $0x400;
	[sflag:s4] =	ssyncadd.s32 $0xFFFFFC00  }
0xe: {  	[tilespmem:s6], [sflag:$0x1] =	stream.indirect.gather [hbm4b:s2+s5], $0x80, s3, s5, $0xb8;
	[tilespmem:$0x10400] =	vst v63  }
0xf: {  	s7 =	simm.s32 $0x4400;
	s8 =	simm.s32 $0x1  }
0x10: {  	[tilespmem:s7], [sflag:$0x2] =	stream.indirect.gather [hbm4b:s2+s5], $0x80, s5, s5, $0xb8;
	[tilespmem:$0x10400] =	vst v63  }
0x11: {  	_ =	swait.ge [sflag:s8], $0x4000  }
0x12: {  	[sflag:s8] =	ssyncset.done $0x0  }
0x13: {  	s9 =	rddreg [dreg:$0x4];
	[sflag:s8] =	ssyncadd.s32 $0xFFFFC000  }
0x14: {  	[hbm4b:s9+s3] =	stream.linear.scatter [tilespmem:s6], [sflag:$0x5], $0x4000, $0x38;
	[tilespmem:$0x10400] =	vst v63  }
0x15: {  	s10 =	simm.s32 $0x8400;
	s11 =	simm.s32 $0x2;
	s9 =	simm.s32 $0x100  }
0x16: {  	[tilespmem:s10], [sflag:$0x3] =	stream.indirect.gather [hbm4b:s2+s5], $0x80, s9, s5, $0xb8;
	[tilespmem:$0x10400] =	vst v63  }
0x17: {  	_ =	swait.ge [sflag:s11], $0x4000  }
0x18: {  	[sflag:s11] =	ssyncset.done $0x0  }
0x19: {  	s12 =	sadd.s32 $0x19F400, s31;
	[sflag:s11] =	ssyncadd.s32 $0xFFFFC000  }
0x1a: {  	[hbm4b:s12+s3] =	stream.linear.scatter [tilespmem:s7], [sflag:$0x6], $0x4000, $0x38;
	[tilespmem:$0x10400] =	vst v63  }
0x1b: {  	s13 =	simm.s32 $0x180;
	s14 =	simm.s32 $0xC400;
	s15 =	simm.s32 $0x3  }
0x1c: {  	[tilespmem:s14], [sflag:$0x4] =	stream.indirect.gather [hbm4b:s2+s5], $0x80, s13, s5, $0xb8;
	[tilespmem:$0x10400] =	vst v63  }
0x1d: {  	_ =	swait.ge [sflag:s15], $0x4000  }
0x1e: {  	[sflag:s15] =	ssyncset.done $0x0  }
0x1f: {  	s17 =	simm.s32 $0x5;
	s16 =	sadd.s32 $0x19FC00, s31;
	[sflag:s15] =	ssyncadd.s32 $0xFFFFC000  }
0x20: {  	[hbm4b:s16+s3] =	stream.linear.scatter [tilespmem:s10], [sflag:$0x7], $0x4000, $0x38;
	[tilespmem:$0x10400] =	vst v63  }
0x21: {  	_ =	swait.ge [sflag:s17], $0x4000  }
0x22: {  	[sflag:s17] =	ssyncset.done $0x0  }
0x23: {  	s18 =	simm.s32 $0x200;
	s19 =	simm.s32 $0x4;
	[sflag:s17] =	ssyncadd.s32 $0xFFFFC000  }
0x24: {  	[tilespmem:s6], [sflag:$0x1] =	stream.indirect.gather [hbm4b:s2+s5], $0x80, s18, s5, $0xb8;
	[tilespmem:$0x10400] =	vst v63  }
0x25: {  	_ =	swait.ge [sflag:s19], $0x4000  }
0x26: {  	[sflag:s19] =	ssyncset.done $0x0  }
0x27: {  	s21 =	simm.s32 $0x6;
	s20 =	sadd.s32 $0x1A0400, s31;
	[sflag:s19] =	ssyncadd.s32 $0xFFFFC000  }
0x28: {  	[hbm4b:s20+s3] =	stream.linear.scatter [tilespmem:s14], [sflag:$0x8], $0x4000, $0x38;
	[tilespmem:$0x10400] =	vst v63  }
0x29: {  	_ =	swait.ge [sflag:s21], $0x4000  }
0x2a: {  	[sflag:s21] =	ssyncset.done $0x0  }
0x2b: {  	s22 =	simm.s32 $0x280;
	[sflag:s21] =	ssyncadd.s32 $0xFFFFC000  }
0x2c: {  	[tilespmem:s7], [sflag:$0x2] =	stream.indirect.gather [hbm4b:s2+s5], $0x80, s22, s5, $0xb8;
	[tilespmem:$0x10400] =	vst v63  }
0x2d: {  	_ =	swait.ge [sflag:s8], $0x4000  }
0x2e: {  	[sflag:s8] =	ssyncset.done $0x0  }
0x2f: {  	s24 =	simm.s32 $0x7;
	s23 =	sadd.s32 $0x1A0C00, s31;
	[sflag:s8] =	ssyncadd.s32 $0xFFFFC000  }
0x30: {  	[hbm4b:s23+s3] =	stream.linear.scatter [tilespmem:s6], [sflag:$0x5], $0x4000, $0x38;
	[tilespmem:$0x10400] =	vst v63  }
0x31: {  	_ =	swait.ge [sflag:s24], $0x4000  }
0x32: {  	[sflag:s24] =	ssyncset.done $0x0  }
0x33: {  	s25 =	simm.s32 $0x300;
	[sflag:s24] =	ssyncadd.s32 $0xFFFFC000  }
0x34: {  	[tilespmem:s10], [sflag:$0x3] =	stream.indirect.gather [hbm4b:s2+s5], $0x80, s25, s5, $0xb8;
	[tilespmem:$0x10400] =	vst v63  }
0x35: {  	_ =	swait.ge [sflag:s11], $0x4000  }
0x36: {  	[sflag:s11] =	ssyncset.done $0x0  }
0x37: {  	s28 =	sadd.s32 $0x1A1400, s31;
	s26 =	simm.s32 $0x8;
	[sflag:s11] =	ssyncadd.s32 $0xFFFFC000  }
0x38: {  	[hbm4b:s28+s3] =	stream.linear.scatter [tilespmem:s7], [sflag:$0x6], $0x4000, $0x38;
	[tilespmem:$0x10400] =	vst v63  }
0x39: {  	_ =	swait.ge [sflag:s26], $0x4000  }
0x3a: {  	[sflag:s26] =	ssyncset.done $0x0  }
0x3b: {  	s29 =	simm.s32 $0x380;
	[sflag:s26] =	ssyncadd.s32 $0xFFFFC000  }
0x3c: {  	[tilespmem:s14], [sflag:$0x4] =	stream.indirect.gather [hbm4b:s2+s5], $0x80, s29, s5, $0xb8;
	[tilespmem:$0x10400] =	vst v63  }
0x3d: {  	_ =	swait.ge [sflag:s15], $0x4000  }
0x3e: {  	[sflag:s15] =	ssyncset.done $0x0  }
0x3f: {  	s30 =	sadd.s32 $0x1A1C00, s31;
	[sflag:s15] =	ssyncadd.s32 $0xFFFFC000  }
0x40: {  	[hbm4b:s30+s3] =	stream.linear.scatter [tilespmem:s10], [sflag:$0x7], $0x4000, $0x38;
	[tilespmem:$0x10400] =	vst v63  }
0x41: {  	_ =	swait.ge [sflag:s19], $0x4000  }
0x42: {  	[sflag:s19] =	ssyncset.done $0x0  }
0x43: {  	s31 =	sadd.s32 $0x1A2400, s31;
	[sflag:s19] =	ssyncadd.s32 $0xFFFFC000  }
0x44: {  	[hbm4b:s31+s3] =	stream.linear.scatter [tilespmem:s14], [sflag:$0x8], $0x4000, $0x38;
	[tilespmem:$0x10400] =	vst v63  }
0x45: {  	s1 =	ssub.s32 $0x2, s1;
	_ =	swait.ge [sflag:s17], $0x4000  }
0x46: {  	s0 =	sshrl.u32 s1, $0x1;
	[sflag:s17] =	ssyncset.done $0x0  }
0x47: {  	s0 =	ssub.s32 s1, s0;
	[sflag:s17] =	ssyncadd.s32 $0xFFFFC000  }
0x48: {  	s0 =	smax.u32 s0, $0x1;
	_ =	swait.ge [sflag:s21], $0x4000  }
0x49: {  	p0 =	sne.s32 s0, $0x1;
	[sflag:s21] =	ssyncset.done $0x0  }
.Ltmp0:
0x4a: {  	[sflag:s21] =	ssyncadd.s32 $0xFFFFC000;
	(pc) =	sbr.rel @!p0 .LBB2_2-.Ltmp0, $4  }
0x4b: {  	_ =	swait.ge [sflag:s24], $0x4000  }
0x4c: {  	[sflag:s24] =	ssyncset.done $0x0  }
0x4d: {  	[sflag:s24] =	ssyncadd.s32 $0xFFFFC000  }
0x4e: {  	s1 =	sadd.s32 $0xFFFFFFFF, s0;
	_ =	swait.ge [sflag:s26], $0x4000  }
.LBB2_1:
0x4f: {  	[sflag:s26] =	ssyncset.done $0x0  }
0x50: {  	s0 =	rddreg [dreg:$0x3];
	[sflag:s26] =	ssyncadd.s32 $0xFFFFC000  }
0x51: {  	[tilespmem:s3], [sflag:$0x9] =	stream.linear.gather [hbm4b:s0+s3], $0x400, $0x38;
	[tilespmem:$0x10400] =	vst v63  }
0x52: {  	_ =	swait.ge [sflag:s4], $0x400  }
0x53: {  	[sflag:s4] =	ssyncset.done $0x0  }
0x54: {  	[sflag:s4] =	ssyncadd.s32 $0xFFFFFC00  }
0x55: {  	[tilespmem:s6], [sflag:$0x1] =	stream.indirect.gather [hbm4b:s2+s5], $0x80, s3, s5, $0xb8;
	[tilespmem:$0x10400] =	vst v63  }
0x56: {  	_ = 	snop  }
0x57: {  	[tilespmem:s7], [sflag:$0x2] =	stream.indirect.gather [hbm4b:s2+s5], $0x80, s5, s5, $0xb8;
	[tilespmem:$0x10400] =	vst v63  }
0x58: {  	_ =	swait.ge [sflag:s8], $0x4000  }
0x59: {  	[sflag:s8] =	ssyncset.done $0x0  }
0x5a: {  	s0 =	rddreg [dreg:$0x4];
	[sflag:s8] =	ssyncadd.s32 $0xFFFFC000  }
0x5b: {  	[hbm4b:s0+s3] =	stream.linear.scatter [tilespmem:s6], [sflag:$0x5], $0x4000, $0x38;
	[tilespmem:$0x10400] =	vst v63  }
0x5c: {  	_ = 	snop  }
0x5d: {  	[tilespmem:s10], [sflag:$0x3] =	stream.indirect.gather [hbm4b:s2+s5], $0x80, s9, s5, $0xb8;
	[tilespmem:$0x10400] =	vst v63  }
0x5e: {  	_ =	swait.ge [sflag:s11], $0x4000  }
0x5f: {  	[sflag:s11] =	ssyncset.done $0x0  }
0x60: {  	[sflag:s11] =	ssyncadd.s32 $0xFFFFC000  }
0x61: {  	[hbm4b:s12+s3] =	stream.linear.scatter [tilespmem:s7], [sflag:$0x6], $0x4000, $0x38;
	[tilespmem:$0x10400] =	vst v63  }
0x62: {  	_ = 	snop  }
0x63: {  	[tilespmem:s14], [sflag:$0x4] =	stream.indirect.gather [hbm4b:s2+s5], $0x80, s13, s5, $0xb8;
	[tilespmem:$0x10400] =	vst v63  }
0x64: {  	_ =	swait.ge [sflag:s15], $0x4000  }
0x65: {  	[sflag:s15] =	ssyncset.done $0x0  }
0x66: {  	[sflag:s15] =	ssyncadd.s32 $0xFFFFC000  }
0x67: {  	[hbm4b:s16+s3] =	stream.linear.scatter [tilespmem:s10], [sflag:$0x7], $0x4000, $0x38;
	[tilespmem:$0x10400] =	vst v63  }
0x68: {  	_ =	swait.ge [sflag:s17], $0x4000  }
0x69: {  	[sflag:s17] =	ssyncset.done $0x0  }
0x6a: {  	[sflag:s17] =	ssyncadd.s32 $0xFFFFC000  }
0x6b: {  	[tilespmem:s6], [sflag:$0x1] =	stream.indirect.gather [hbm4b:s2+s5], $0x80, s18, s5, $0xb8;
	[tilespmem:$0x10400] =	vst v63  }
0x6c: {  	_ =	swait.ge [sflag:s19], $0x4000  }
0x6d: {  	[sflag:s19] =	ssyncset.done $0x0  }
0x6e: {  	[sflag:s19] =	ssyncadd.s32 $0xFFFFC000  }
0x6f: {  	[hbm4b:s20+s3] =	stream.linear.scatter [tilespmem:s14], [sflag:$0x8], $0x4000, $0x38;
	[tilespmem:$0x10400] =	vst v63  }
0x70: {  	_ =	swait.ge [sflag:s21], $0x4000  }
0x71: {  	[sflag:s21] =	ssyncset.done $0x0  }
0x72: {  	[sflag:s21] =	ssyncadd.s32 $0xFFFFC000  }
0x73: {  	[tilespmem:s7], [sflag:$0x2] =	stream.indirect.gather [hbm4b:s2+s5], $0x80, s22, s5, $0xb8;
	[tilespmem:$0x10400] =	vst v63  }
0x74: {  	_ =	swait.ge [sflag:s8], $0x4000  }
0x75: {  	[sflag:s8] =	ssyncset.done $0x0  }
0x76: {  	[sflag:s8] =	ssyncadd.s32 $0xFFFFC000  }
0x77: {  	[hbm4b:s23+s3] =	stream.linear.scatter [tilespmem:s6], [sflag:$0x5], $0x4000, $0x38;
	[tilespmem:$0x10400] =	vst v63  }
0x78: {  	_ =	swait.ge [sflag:s24], $0x4000  }
0x79: {  	[sflag:s24] =	ssyncset.done $0x0  }
0x7a: {  	[sflag:s24] =	ssyncadd.s32 $0xFFFFC000  }
0x7b: {  	[tilespmem:s10], [sflag:$0x3] =	stream.indirect.gather [hbm4b:s2+s5], $0x80, s25, s5, $0xb8;
	[tilespmem:$0x10400] =	vst v63  }
0x7c: {  	_ =	swait.ge [sflag:s11], $0x4000  }
0x7d: {  	[sflag:s11] =	ssyncset.done $0x0  }
0x7e: {  	[sflag:s11] =	ssyncadd.s32 $0xFFFFC000  }
0x7f: {  	[hbm4b:s28+s3] =	stream.linear.scatter [tilespmem:s7], [sflag:$0x6], $0x4000, $0x38;
	[tilespmem:$0x10400] =	vst v63  }
0x80: {  	_ =	swait.ge [sflag:s26], $0x4000  }
0x81: {  	[sflag:s26] =	ssyncset.done $0x0  }
0x82: {  	[sflag:s26] =	ssyncadd.s32 $0xFFFFC000  }
0x83: {  	[tilespmem:s14], [sflag:$0x4] =	stream.indirect.gather [hbm4b:s2+s5], $0x80, s29, s5, $0xb8;
	[tilespmem:$0x10400] =	vst v63  }
0x84: {  	_ =	swait.ge [sflag:s15], $0x4000  }
0x85: {  	[sflag:s15] =	ssyncset.done $0x0  }
0x86: {  	[sflag:s15] =	ssyncadd.s32 $0xFFFFC000  }
0x87: {  	[hbm4b:s30+s3] =	stream.linear.scatter [tilespmem:s10], [sflag:$0x7], $0x4000, $0x38;
	[tilespmem:$0x10400] =	vst v63  }
0x88: {  	_ =	swait.ge [sflag:s19], $0x4000  }
0x89: {  	[sflag:s19] =	ssyncset.done $0x0  }
0x8a: {  	[sflag:s19] =	ssyncadd.s32 $0xFFFFC000  }
0x8b: {  	[hbm4b:s31+s3] =	stream.linear.scatter [tilespmem:s14], [sflag:$0x8], $0x4000, $0x38;
	[tilespmem:$0x10400] =	vst v63  }
0x8c: {  	_ =	swait.ge [sflag:s17], $0x4000  }
0x8d: {  	[sflag:s17] =	ssyncset.done $0x0  }
0x8e: {  	[sflag:s17] =	ssyncadd.s32 $0xFFFFC000  }
0x8f: {  	_ =	swait.ge [sflag:s21], $0x4000  }
0x90: {  	p0 =	sne.s32 s1, $0x1;
	[sflag:s21] =	ssyncset.done $0x0  }
.Ltmp1:
0x91: {  	[sflag:s21] =	ssyncadd.s32 $0xFFFFC000;
	(pc) =	sbr.rel @p0 .LBB2_1-.Ltmp1, $4  }
0x92: {  	_ =	swait.ge [sflag:s24], $0x4000  }
0x93: {  	[sflag:s24] =	ssyncset.done $0x0  }
0x94: {  	[sflag:s24] =	ssyncadd.s32 $0xFFFFC000  }
0x95: {  	s1 =	sadd.s32 $0xFFFFFFFF, s1;
	_ =	swait.ge [sflag:s26], $0x4000  }
.LBB2_2:
0x96: {  	[sflag:s26] =	ssyncset.done $0x0  }
0x97: {  	[sflag:s26] =	ssyncadd.s32 $0xFFFFC000  }
0x98: {  	_ =	sfence.sel $0x180000  }
0x99: {  	[bflag:$0x0] =	sbarrier.arrive $0xFFFF  }
0x9a: {  	_ =	strace $0x90000050  }
0x9b: {  	s0 =	stileid.u32;
	[bflag:$0x2] =	sbarrier.arrive $0xFFFF  }
0x9c: {  	p0 =	sne.s32 s0, $0x0;
	s0 =	rddreg [dreg:$0x2]  }
0x9d: {  	s0 =	sadd.s32 @!p0 $0x100000, s0  }
0x9e: {  	[sflag:s0] =	ssyncadd.tile.s32 @!p0 $0x1;
	_ =	shalt  }
.Lfunc_end2:
_tile_overlayer_lowered:
.L_overlay_start_2:
0x9f: {  	(tag) =	ssettag $0x2  }
0xa0: {  	s0 =	rddreg [dreg:$0x0];
	s2 =	stileid.u32  }
0xa1: {  	s1 =	rddreg [dreg:$0x1];
	p0 =	sne.s32 s2, $0x0  }
0xa2: {  	s3 =	rddreg [dreg:$0x2];
	[bflag:$0x3] =	sbarrier.arrive $0xFFFF;
	s2 =	simm.s32 @!p0 $0x1C09  }
0xa3: {  	[timem:s3], [sflag:s2] =	dma.local @!p0 [hbm:s0], s1  }
0xa4: {  	s0 =	simm.s32 @!p0 $0x9  }
0xa5: {  	_ =	swait.ge @!p0 [sflag:s0], s1  }
0xa6: {  	s1 =	ssub.s32 @!p0 $0x0, s1;
	[sflag:s0] =	ssyncset.done @!p0 $0x0  }
0xa7: {  	[sflag:s0] =	ssyncadd.s32 @!p0 s1  }
0xa8: {  	[bflag:$0x3] =	sbarrier.arrive $0xFFFF  }
0xa9: {  	_ =	shalt  }

</sc_bundles>
